<compile_context>
chip_gen: v7x
topology: tpu7x:2x2x1
jax: 0.10.2.dev20260603
libtpu: 0.0.44.dev20260713+nightly
codegen_flags: <defaults>
</compile_context>

<pallas_src>
import functools

import jax
import jax.numpy as jnp
from jax import lax
from jax.experimental import pallas as pl
from jax.experimental.pallas import tpu as pltpu
from jax.experimental.pallas import tpu_sc as plsc

NC = 2
NS = 16
LANES = 16
C = 64



def _eproj_body(ea_ref, we_ref, be_ref, out_ref):
    out_ref[...] = (
        jnp.dot(ea_ref[...], we_ref[...], preferred_element_type=jnp.float32)
        + be_ref[...]
    ).astype(jnp.bfloat16)


def _edge_proj(edge_attr, W_e, b_e, EP):
    E, DE = edge_attr.shape
    D = W_e.shape[1]
    BE = 2560
    nreal = E // BE
    assert E % BE == 0 and EP % BE == 0
    return pl.pallas_call(
        _eproj_body,
        grid=(EP // BE,),
        in_specs=[
            pl.BlockSpec((BE, DE), lambda i: (jnp.minimum(i, nreal - 1), 0)),
            pl.BlockSpec((DE, D), lambda i: (0, 0)),
            pl.BlockSpec((1, D), lambda i: (0, 0)),
        ],
        out_specs=pl.BlockSpec((BE, D), lambda i: (i, 0)),
        out_shape=jax.ShapeDtypeStruct((EP, D), jnp.bfloat16),
    )(edge_attr, W_e, b_e.reshape(1, D))



def _make_sc_aggregate(NP, EP, D, NCH0):
    NCHT = EP // (NS * C)
    NCH1 = NCHT - NCH0
    NCHM = max(NCH0, NCH1)
    RPT = NP // NS
    assert NCH0 % 16 == 0 and NCH1 % 16 == 0
    assert RPT % C == 0 and D % LANES == 0
    mesh = plsc.VectorSubcoreMesh(core_axis_name="c", subcore_axis_name="s")

    @functools.partial(
        pl.kernel,
        out_type=jax.ShapeDtypeStruct((NC, NP, D), jnp.float32),
        mesh=mesh,
        scratch_types=[
            pltpu.VMEM((NCHM * C // 128, 128), jnp.int32),
            pltpu.VMEM((C,), jnp.int32),
            pltpu.VMEM((C,), jnp.int32),
            pltpu.VMEM((C,), jnp.int32),
            pltpu.VMEM((C,), jnp.int32),
            pltpu.VMEM((2, C, D), jnp.float32),
            pltpu.VMEM((2, C, D // 2), jnp.int32),
            pltpu.VMEM_SHARED((NP, D), jnp.float32),
            pltpu.SemaphoreType.DMA,
            pltpu.SemaphoreType.DMA,
            pltpu.SemaphoreType.DMA,
            pltpu.SemaphoreType.DMA,
        ],
    )
    def sc_aggregate(x_hbm, e32_hbm, combo_hbm, out_hbm,
                     combo, sstage0, sstage1, dstage0, dstage1, xbuf, ebuf,
                     aggr, semx0, semx1, seme0, seme1):
        cid = lax.axis_index("c")
        sid = lax.axis_index("s")
        semx = (semx0, semx1)
        seme = (seme0, seme1)
        sstage = (sstage0, sstage1)
        dstage = (dstage0, dstage1)
        CROWS0 = NCH0 * C // 128
        CROWS1 = NCH1 * C // 128
        cbase = jnp.where(cid == 0, sid * NCH0, NS * NCH0 + sid * NCH1)
        nch = jnp.where(cid == 0, NCH0, NCH1)

        @pl.when(cid == 0)
        def _ld0():
            pltpu.sync_copy(combo_hbm.at[pl.ds(sid * CROWS0, CROWS0)],
                            combo.at[pl.ds(0, CROWS0)])

        @pl.when(cid == 1)
        def _ld1():
            pltpu.sync_copy(
                combo_hbm.at[pl.ds(NS * CROWS0 + sid * CROWS1, CROWS1)],
                combo.at[pl.ds(0, CROWS1)])

        zero = jnp.zeros((LANES,), jnp.float32)

        def zrow(i, _):
            for j in range(D // LANES):
                xbuf[0, i, pl.ds(j * LANES, LANES)] = zero
            return 0

        lax.fori_loop(0, C, zrow, 0)
        for k in range(RPT // C):
            pltpu.sync_copy(xbuf.at[0], aggr.at[pl.ds(sid * RPT + k * C, C)])
        plsc.subcore_barrier()

        def unpack(row, half, b):
            for j in range(C // LANES):
                sl = pl.ds(j * LANES, LANES)
                cv = combo[row, pl.ds(half * C + j * LANES, LANES)]
                sstage[b][sl] = cv & 0xFFFF
                dstage[b][sl] = lax.shift_right_logical(cv, 16)

        def issue(i, b):
            pltpu.async_copy(x_hbm.at[sstage[b]], xbuf.at[b], semx[b])
            pltpu.async_copy(e32_hbm.at[pl.ds((cbase + i) * C, C)],
                             ebuf.at[b], seme[b])

        unpack(0, 0, 0)
        issue(0, 0)

        def pair(g, _):
            for b in range(2):
                i = g * 2 + b

                @pl.when(i + 1 < nch)
                def _prefetch():
                    if b == 0:
                        unpack(g, 1, 1)
                    else:
                        unpack(g + 1, 0, 0)
                    issue(i + 1, b ^ 1)

                pltpu.make_async_copy(x_hbm.at[sstage[b]],
                                      xbuf.at[b], semx[b]).wait()
                pltpu.make_async_copy(e32_hbm.at[pl.ds(0, C)],
                                      ebuf.at[b], seme[b]).wait()
                xb = xbuf.at[b]
                eb = ebuf.at[b]

                def row(r, _):
                    for j in range(D // (2 * LANES)):
                        ev = eb[r, pl.ds(j * LANES, LANES)]
                        ea = lax.bitcast_convert_type(ev << 16, jnp.float32)
                        ebb = lax.bitcast_convert_type(
                            ev & jnp.int32(-65536), jnp.float32)
                        sl0 = pl.ds(j * 2 * LANES, LANES)
                        sl1 = pl.ds(j * 2 * LANES + LANES, LANES)
                        xb[r, sl0] = jnp.maximum(xb[r, sl0] + ea, 0.0)
                        xb[r, sl1] = jnp.maximum(xb[r, sl1] + ebb, 0.0)
                    return 0

                lax.fori_loop(0, C, row, 0)
                pltpu.sync_copy(xb, aggr.at[dstage[b]], add=True)
            return 0

        lax.fori_loop(0, nch // 2, pair, 0)
        plsc.subcore_barrier()
        pltpu.sync_copy(
            aggr.at[pl.ds(sid * RPT, RPT)],
            out_hbm.at[cid, pl.ds(sid * RPT, RPT)],
        )

    return sc_aggregate



def _make_node_body(N):
    def _node_body(x_ref, p_ref, w1_ref, b1_ref, w2_ref, b2_ref, g_ref,
                   bt_ref, out_ref):
        h = x_ref[...] + p_ref[0, :N] + p_ref[1, :N]
        h = jnp.maximum(
            jnp.dot(h, w1_ref[...], preferred_element_type=jnp.float32)
            + b1_ref[...], 0.0)
        h = (jnp.dot(h, w2_ref[...], preferred_element_type=jnp.float32)
             + b2_ref[...])
        mean = jnp.mean(h, axis=0, keepdims=True)
        var = jnp.mean((h - mean) ** 2, axis=0, keepdims=True)
        h = g_ref[...] * (h - mean) * lax.rsqrt(var + 1e-5) + bt_ref[...]
        out_ref[...] = jnp.maximum(h, 0.0)

    return _node_body


def _node_mlp(x, partials, W1, b1, W2, b2, gamma, beta):
    N, D = x.shape
    return pl.pallas_call(
        _make_node_body(N),
        out_shape=jax.ShapeDtypeStruct((N, D), jnp.float32),
    )(x, partials, W1, b1.reshape(1, D), W2, b2.reshape(1, D),
      gamma.reshape(1, D), beta.reshape(1, D))




def kernel(x, edge_index, edge_attr, W_e, b_e, W1, b1, W2, b2, gamma, beta):
    N, D = x.shape
    E, DE = edge_attr.shape
    NP = ((N + NS * C - 1) // (NS * C)) * (NS * C)
    EPW = NC * NS * C * 8
    EP = ((E + EPW - 1) // EPW) * EPW
    src = edge_index[0].astype(jnp.int32)
    dst = edge_index[1].astype(jnp.int32)
    if EP != E:
        pad = EP - E
        src = jnp.concatenate([src, jnp.zeros((pad,), jnp.int32)])
        deadrows = N + jax.lax.rem(jnp.arange(pad, dtype=jnp.int32), NP - N)
        dst = jnp.concatenate([dst, deadrows])
    combo2d = ((dst << 16) | src).reshape(EP // 128, 128)
    p = jnp.arange(D)
    perm = (p // 32) * 32 + (p % 32) // 2 + (p % 2) * 16
    e = _edge_proj(edge_attr, W_e[:, perm], b_e[perm], EP)
    e32 = lax.bitcast_convert_type(e.reshape(EP, D // 2, 2), jnp.int32)
    NCH0 = 240
    partials = _make_sc_aggregate(NP, EP, D, NCH0)(
        x, e32.reshape(EP, D // 2), combo2d)
    return _node_mlp(x, partials, W1, b1, W2, b2, gamma, beta)

# --- scband reference (transcript-rebuilt; emitter-appended) ---
"""Pipeline reference for scband-gineblock-68332929679679 (READ-ONLY COPY).

The authoritative reference and input builder live on the scoring server;
editing this copy changes nothing except your own understanding.
"""

import jax, jax.numpy as jnp
import numpy as np

N_NODES = 10000
N_EDGES = 320000
D_FEAT = 128
D_EDGE = 16


def setup_inputs(seed: int = 0) -> dict:
    key = jax.random.key(seed)
    ks = jax.random.split(key, 12)
    x = jax.random.normal(ks[0], (N_NODES, D_FEAT), dtype=jnp.float32)
    edge_index = jax.random.randint(ks[1], (2, N_EDGES), 0, N_NODES, dtype=jnp.int64)
    edge_attr = jax.random.normal(ks[2], (N_EDGES, D_EDGE), dtype=jnp.float32)
    # GINEConv edge projection: Linear(edge_dim -> in_dim)
    W_e = jax.random.normal(ks[3], (D_EDGE, D_FEAT), dtype=jnp.float32) * 0.05
    b_e = jnp.zeros((D_FEAT,), dtype=jnp.float32)
    # MLP: Linear(in_dim, out_dim) -> ReLU -> Linear(out_dim, out_dim)
    W1 = jax.random.normal(ks[4], (D_FEAT, D_FEAT), dtype=jnp.float32) * 0.05
    b1 = jnp.zeros((D_FEAT,), dtype=jnp.float32)
    W2 = jax.random.normal(ks[5], (D_FEAT, D_FEAT), dtype=jnp.float32) * 0.05
    b2 = jnp.zeros((D_FEAT,), dtype=jnp.float32)
    # BatchNorm1d affine params
    gamma = jnp.ones((D_FEAT,), dtype=jnp.float32)
    beta = jnp.zeros((D_FEAT,), dtype=jnp.float32)
    return {"x": x, "edge_index": edge_index, "edge_attr": edge_attr,
            "W_e": W_e, "b_e": b_e, "W1": W1, "b1": b1, "W2": W2, "b2": b2,
            "gamma": gamma, "beta": beta}


def reference(x, edge_index, edge_attr, W_e, b_e, W1, b1, W2, b2, gamma, beta):
    src = edge_index[0]
    dst = edge_index[1]
    # GINEConv message: ReLU(x_j + Lin(edge_attr))
    e = edge_attr @ W_e + b_e
    msg = jax.nn.relu(x[src] + e)
    # sum aggregation at destination nodes
    aggr = jax.ops.segment_sum(msg, dst, num_segments=x.shape[0])
    # (1 + eps) * x_i + aggr, eps = 0 (default, train_eps=False)
    h = x + aggr
    # MLP
    h = jax.nn.relu(h @ W1 + b1) @ W2 + b2
    # BatchNorm1d (training-mode batch statistics)
    mean = jnp.mean(h, axis=0)
    var = jnp.var(h, axis=0)
    h = gamma * (h - mean) / jnp.sqrt(var + 1e-5) + beta
    # ReLU; dropout is identity in eval / deterministic reference
    return jax.nn.relu(h)

if __name__ == "__main__":
    import jax
    _d = setup_inputs()
    print(jax.jit(kernel)(*tuple(_d.values())))

</pallas_src>

<mosaic_0001>
#map = affine_map<(d0, d1) -> (0, 0)>
#map1 = affine_map<(d0, d1) -> (0, 0, 0)>
module attributes {stable_mosaic.version = 14 : i64} {
  func.func @sc_aggregate(%arg0: i32, %arg1: i32, %arg2: memref<10000x128xf32, #tpu.memory_space<hbm>>, %arg3: memref<327680x64xi32, #tpu.memory_space<hbm>>, %arg4: memref<2560x128xi32, #tpu.memory_space<hbm>>, %arg5: memref<2x10240x128xf32, #tpu.memory_space<hbm>>, %arg6: memref<120x128xi32, #tpu.memory_space<vmem>>, %arg7: memref<64xi32, #tpu.memory_space<vmem>>, %arg8: memref<64xi32, #tpu.memory_space<vmem>>, %arg9: memref<64xi32, #tpu.memory_space<vmem>>, %arg10: memref<64xi32, #tpu.memory_space<vmem>>, %arg11: memref<2x64x128xf32, #tpu.memory_space<vmem>>, %arg12: memref<2x64x64xi32, #tpu.memory_space<vmem>>, %arg13: memref<10240x128xf32, #tpu.memory_space<vmem_shared>>, %arg14: memref<!tpu.dma_semaphore, #tpu.memory_space<semaphore_mem>>, %arg15: memref<!tpu.dma_semaphore, #tpu.memory_space<semaphore_mem>>, %arg16: memref<!tpu.dma_semaphore, #tpu.memory_space<semaphore_mem>>, %arg17: memref<!tpu.dma_semaphore, #tpu.memory_space<semaphore_mem>>) attributes {dimension_semantics = [#tpu.dimension_semantics<core_parallel>, #tpu.dimension_semantics<subcore_parallel>], iteration_bounds = array<i64: 2, 16>, scalar_prefetch = 0 : i64, scratch_operands = 12 : i64, tpu.core_type = #tpu.core_type<sc_vector_subcore>, window_params = [{transform_indices = #map}, {transform_indices = #map}, {transform_indices = #map}, {transform_indices = #map1}]} {
    %eq3A = arith.constant 0 : i32
    %eq3A_0 = arith.cmpi eq, %arg0, %eq3A : i32
    %mul3A = arith.constant 240 : i32
    %mul3A_1 = arith.muli %arg1, %mul3A : i32
    %mul3A_2 = arith.constant 80 : i32
    %mul3A_3 = arith.muli %arg1, %mul3A_2 : i32
    %add3A = arith.constant 3840 : i32
    %add3A_4 = arith.addi %add3A, %mul3A_3 : i32
    %select_n3A = arith.select %eq3A_0, %mul3A_1, %add3A_4 : i32
    %eq3A_5 = arith.constant 0 : i32
    %eq3A_6 = arith.cmpi eq, %arg0, %eq3A_5 : i32
    %jit3A = arith.constant 240 : i32
    %jit3A_7 = arith.constant 80 : i32
    %select_n3A_8 = arith.select %eq3A_6, %jit3A, %jit3A_7 : i32
    %eq3A_9 = arith.constant 0 : i32
    %eq3A_10 = arith.cmpi eq, %arg0, %eq3A_9 : i32
    %convert_element_type3A = arith.extui %eq3A_10 : i1 to i32
    %cond3A = arith.constant 0 : i32
    %cond3A_11 = arith.cmpi ne, %convert_element_type3A, %cond3A : i32
    scf.if %cond3A_11 {
      %mul3A_204 = arith.constant 120 : i32
      %mul3A_205 = arith.muli %arg1, %mul3A_204 : i32
      "tpu.region"() ({
        %run_scoped3A_206 = tpu.sem_alloc : memref<!tpu.dma_semaphore, #tpu.memory_space<semaphore_mem>>
        %dma_start3A_207 = arith.constant 0 : i32
        %dma_start3A_208 = arith.constant 0 : i32
        %dma_start3A_209 = tpu.memref_slice %arg6[%dma_start3A_207, %dma_start3A_208] : memref<120x128xi32, #tpu.memory_space<vmem>> -> memref<120x128xi32, #tpu.memory_space<vmem>>
        %dma_start3A_210 = arith.constant 0 : i32
        %dma_start3A_211 = tpu.memref_slice %arg4[%mul3A_205, %dma_start3A_210] : memref<2560x128xi32, #tpu.memory_space<hbm>> -> memref<120x128xi32, #tpu.memory_space<hbm>>
        %dma_start3A_212 = arith.constant 0 : i32
        %dma_start3A_213 = arith.constant 0 : i32
        %dma_start3A_214 = tpu.memref_slice %arg6[%dma_start3A_212, %dma_start3A_213] : memref<120x128xi32, #tpu.memory_space<vmem>> -> memref<120x128xi32, #tpu.memory_space<vmem>>
        %dma_start3A_215 = arith.constant 0 : i32
        %dma_start3A_216 = tpu.memref_slice %arg4[%mul3A_205, %dma_start3A_215] : memref<2560x128xi32, #tpu.memory_space<hbm>> -> memref<120x128xi32, #tpu.memory_space<hbm>>
        tpu.enqueue_dma source(%dma_start3A_216 : memref<120x128xi32, #tpu.memory_space<hbm>>) target(%dma_start3A_214 : memref<120x128xi32, #tpu.memory_space<vmem>>) target_semaphore(%run_scoped3A_206 : memref<!tpu.dma_semaphore, #tpu.memory_space<semaphore_mem>>)
        %dma_wait3A = arith.constant 0 : i32
        %dma_wait3A_217 = arith.constant 0 : i32
        %dma_wait3A_218 = tpu.memref_slice %arg6[%dma_wait3A, %dma_wait3A_217] : memref<120x128xi32, #tpu.memory_space<vmem>> -> memref<120x128xi32, #tpu.memory_space<vmem>>
        %dma_wait3A_219 = arith.constant 0 : i32
        %dma_wait3A_220 = tpu.memref_slice %arg4[%mul3A_205, %dma_wait3A_219] : memref<2560x128xi32, #tpu.memory_space<hbm>> -> memref<120x128xi32, #tpu.memory_space<hbm>>
        %dma_wait3A_221 = arith.constant 0 : i32
        %dma_wait3A_222 = arith.constant 0 : i32
        %dma_wait3A_223 = tpu.memref_slice %arg6[%dma_wait3A_221, %dma_wait3A_222] : memref<120x128xi32, #tpu.memory_space<vmem>> -> memref<120x128xi32, #tpu.memory_space<vmem>>
        %dma_wait3A_224 = arith.constant 0 : i32
        %dma_wait3A_225 = tpu.memref_slice %arg4[%mul3A_205, %dma_wait3A_224] : memref<2560x128xi32, #tpu.memory_space<hbm>> -> memref<120x128xi32, #tpu.memory_space<hbm>>
        tpu.wait_dma2 semaphore(%run_scoped3A_206 : memref<!tpu.dma_semaphore, #tpu.memory_space<semaphore_mem>>) src(%dma_wait3A_225 : memref<120x128xi32, #tpu.memory_space<hbm>>) dst(%dma_wait3A_223 : memref<120x128xi32, #tpu.memory_space<vmem>>)
        tpu.yield
      }) : () -> ()
    } else {
    }
    %eq3A_12 = arith.constant 1 : i32
    %eq3A_13 = arith.cmpi eq, %arg0, %eq3A_12 : i32
    %convert_element_type3A_14 = arith.extui %eq3A_13 : i1 to i32
    %cond3A_15 = arith.constant 0 : i32
    %cond3A_16 = arith.cmpi ne, %convert_element_type3A_14, %cond3A_15 : i32
    scf.if %cond3A_16 {
      %mul3A_204 = arith.constant 40 : i32
      %mul3A_205 = arith.muli %arg1, %mul3A_204 : i32
      %add3A_206 = arith.constant 1920 : i32
      %add3A_207 = arith.addi %add3A_206, %mul3A_205 : i32
      "tpu.region"() ({
        %run_scoped3A_208 = tpu.sem_alloc : memref<!tpu.dma_semaphore, #tpu.memory_space<semaphore_mem>>
        %dma_start3A_209 = arith.constant 0 : i32
        %dma_start3A_210 = arith.constant 0 : i32
        %dma_start3A_211 = tpu.memref_slice %arg6[%dma_start3A_209, %dma_start3A_210] : memref<120x128xi32, #tpu.memory_space<vmem>> -> memref<40x128xi32, #tpu.memory_space<vmem>>
        %dma_start3A_212 = arith.constant 0 : i32
        %dma_start3A_213 = tpu.memref_slice %arg4[%add3A_207, %dma_start3A_212] : memref<2560x128xi32, #tpu.memory_space<hbm>> -> memref<40x128xi32, #tpu.memory_space<hbm>>
        %dma_start3A_214 = arith.constant 0 : i32
        %dma_start3A_215 = arith.constant 0 : i32
        %dma_start3A_216 = tpu.memref_slice %arg6[%dma_start3A_214, %dma_start3A_215] : memref<120x128xi32, #tpu.memory_space<vmem>> -> memref<40x128xi32, #tpu.memory_space<vmem>>
        %dma_start3A_217 = arith.constant 0 : i32
        %dma_start3A_218 = tpu.memref_slice %arg4[%add3A_207, %dma_start3A_217] : memref<2560x128xi32, #tpu.memory_space<hbm>> -> memref<40x128xi32, #tpu.memory_space<hbm>>
        tpu.enqueue_dma source(%dma_start3A_218 : memref<40x128xi32, #tpu.memory_space<hbm>>) target(%dma_start3A_216 : memref<40x128xi32, #tpu.memory_space<vmem>>) target_semaphore(%run_scoped3A_208 : memref<!tpu.dma_semaphore, #tpu.memory_space<semaphore_mem>>)
        %dma_wait3A = arith.constant 0 : i32
        %dma_wait3A_219 = arith.constant 0 : i32
        %dma_wait3A_220 = tpu.memref_slice %arg6[%dma_wait3A, %dma_wait3A_219] : memref<120x128xi32, #tpu.memory_space<vmem>> -> memref<40x128xi32, #tpu.memory_space<vmem>>
        %dma_wait3A_221 = arith.constant 0 : i32
        %dma_wait3A_222 = tpu.memref_slice %arg4[%add3A_207, %dma_wait3A_221] : memref<2560x128xi32, #tpu.memory_space<hbm>> -> memref<40x128xi32, #tpu.memory_space<hbm>>
        %dma_wait3A_223 = arith.constant 0 : i32
        %dma_wait3A_224 = arith.constant 0 : i32
        %dma_wait3A_225 = tpu.memref_slice %arg6[%dma_wait3A_223, %dma_wait3A_224] : memref<120x128xi32, #tpu.memory_space<vmem>> -> memref<40x128xi32, #tpu.memory_space<vmem>>
        %dma_wait3A_226 = arith.constant 0 : i32
        %dma_wait3A_227 = tpu.memref_slice %arg4[%add3A_207, %dma_wait3A_226] : memref<2560x128xi32, #tpu.memory_space<hbm>> -> memref<40x128xi32, #tpu.memory_space<hbm>>
        tpu.wait_dma2 semaphore(%run_scoped3A_208 : memref<!tpu.dma_semaphore, #tpu.memory_space<semaphore_mem>>) src(%dma_wait3A_227 : memref<40x128xi32, #tpu.memory_space<hbm>>) dst(%dma_wait3A_225 : memref<40x128xi32, #tpu.memory_space<vmem>>)
        tpu.yield
      }) : () -> ()
    } else {
    }
    %broadcast_in_dim3A = arith.constant 0.000000e+00 : f32
    %broadcast_in_dim3A_17 = vector.broadcast %broadcast_in_dim3A : f32 to vector<16xf32>
    %scan3A = arith.constant 0 : i32
    %scan3A_18 = arith.constant 0 : i32
    %scan3A_19 = arith.constant 64 : i32
    %scan3A_20 = arith.addi %scan3A_18, %scan3A_19 : i32
    %scan3A_21 = arith.constant 1 : i32
    %scan3A_22 = scf.for %scan3A_204 = %scan3A_18 to %scan3A_20 step %scan3A_21 iter_args(%scan3A_205 = %scan3A) -> (i32)  : i32 {
      %swap3A_206 = arith.constant 0 : i32
      %swap3A_207 = arith.index_cast %swap3A_206 : i32 to index
      %swap3A_208 = arith.index_cast %scan3A_204 : i32 to index
      %swap3A_209 = arith.constant 0 : index
      %swap3A_210 = tpu.vector_load %arg11[%swap3A_207, %swap3A_208, %swap3A_209] {strides = array<i32>} : memref<2x64x128xf32, #tpu.memory_space<vmem>>, vector<1x1x16xf32>,
      %swap3A_211 = vector.shape_cast %swap3A_210 : vector<1x1x16xf32> to vector<16xf32>
      %swap3A_212 = vector.shape_cast %broadcast_in_dim3A_17 : vector<16xf32> to vector<1x1x16xf32>
      tpu.vector_store %arg11[%swap3A_207, %swap3A_208, %swap3A_209], %swap3A_212 {strides = array<i32>} : memref<2x64x128xf32, #tpu.memory_space<vmem>>, vector<1x1x16xf32>,
      %swap3A_213 = arith.constant 0 : i32
      %swap3A_214 = arith.index_cast %swap3A_213 : i32 to index
      %swap3A_215 = arith.index_cast %scan3A_204 : i32 to index
      %swap3A_216 = arith.constant 16 : index
      %swap3A_217 = tpu.vector_load %arg11[%swap3A_214, %swap3A_215, %swap3A_216] {strides = array<i32>} : memref<2x64x128xf32, #tpu.memory_space<vmem>>, vector<1x1x16xf32>,
      %swap3A_218 = vector.shape_cast %swap3A_217 : vector<1x1x16xf32> to vector<16xf32>
      %swap3A_219 = vector.shape_cast %broadcast_in_dim3A_17 : vector<16xf32> to vector<1x1x16xf32>
      tpu.vector_store %arg11[%swap3A_214, %swap3A_215, %swap3A_216], %swap3A_219 {strides = array<i32>} : memref<2x64x128xf32, #tpu.memory_space<vmem>>, vector<1x1x16xf32>,
      %swap3A_220 = arith.constant 0 : i32
      %swap3A_221 = arith.index_cast %swap3A_220 : i32 to index
      %swap3A_222 = arith.index_cast %scan3A_204 : i32 to index
      %swap3A_223 = arith.constant 32 : index
      %swap3A_224 = tpu.vector_load %arg11[%swap3A_221, %swap3A_222, %swap3A_223] {strides = array<i32>} : memref<2x64x128xf32, #tpu.memory_space<vmem>>, vector<1x1x16xf32>,
      %swap3A_225 = vector.shape_cast %swap3A_224 : vector<1x1x16xf32> to vector<16xf32>
      %swap3A_226 = vector.shape_cast %broadcast_in_dim3A_17 : vector<16xf32> to vector<1x1x16xf32>
      tpu.vector_store %arg11[%swap3A_221, %swap3A_222, %swap3A_223], %swap3A_226 {strides = array<i32>} : memref<2x64x128xf32, #tpu.memory_space<vmem>>, vector<1x1x16xf32>,
      %swap3A_227 = arith.constant 0 : i32
      %swap3A_228 = arith.index_cast %swap3A_227 : i32 to index
      %swap3A_229 = arith.index_cast %scan3A_204 : i32 to index
      %swap3A_230 = arith.constant 48 : index
      %swap3A_231 = tpu.vector_load %arg11[%swap3A_228, %swap3A_229, %swap3A_230] {strides = array<i32>} : memref<2x64x128xf32, #tpu.memory_space<vmem>>, vector<1x1x16xf32>,
      %swap3A_232 = vector.shape_cast %swap3A_231 : vector<1x1x16xf32> to vector<16xf32>
      %swap3A_233 = vector.shape_cast %broadcast_in_dim3A_17 : vector<16xf32> to vector<1x1x16xf32>
      tpu.vector_store %arg11[%swap3A_228, %swap3A_229, %swap3A_230], %swap3A_233 {strides = array<i32>} : memref<2x64x128xf32, #tpu.memory_space<vmem>>, vector<1x1x16xf32>,
      %swap3A_234 = arith.constant 0 : i32
      %swap3A_235 = arith.index_cast %swap3A_234 : i32 to index
      %swap3A_236 = arith.index_cast %scan3A_204 : i32 to index
      %swap3A_237 = arith.constant 64 : index
      %swap3A_238 = tpu.vector_load %arg11[%swap3A_235, %swap3A_236, %swap3A_237] {strides = array<i32>} : memref<2x64x128xf32, #tpu.memory_space<vmem>>, vector<1x1x16xf32>,
      %swap3A_239 = vector.shape_cast %swap3A_238 : vector<1x1x16xf32> to vector<16xf32>
      %swap3A_240 = vector.shape_cast %broadcast_in_dim3A_17 : vector<16xf32> to vector<1x1x16xf32>
      tpu.vector_store %arg11[%swap3A_235, %swap3A_236, %swap3A_237], %swap3A_240 {strides = array<i32>} : memref<2x64x128xf32, #tpu.memory_space<vmem>>, vector<1x1x16xf32>,
      %swap3A_241 = arith.constant 0 : i32
      %swap3A_242 = arith.index_cast %swap3A_241 : i32 to index
      %swap3A_243 = arith.index_cast %scan3A_204 : i32 to index
      %swap3A_244 = arith.constant 80 : index
      %swap3A_245 = tpu.vector_load %arg11[%swap3A_242, %swap3A_243, %swap3A_244] {strides = array<i32>} : memref<2x64x128xf32, #tpu.memory_space<vmem>>, vector<1x1x16xf32>,
      %swap3A_246 = vector.shape_cast %swap3A_245 : vector<1x1x16xf32> to vector<16xf32>
      %swap3A_247 = vector.shape_cast %broadcast_in_dim3A_17 : vector<16xf32> to vector<1x1x16xf32>
      tpu.vector_store %arg11[%swap3A_242, %swap3A_243, %swap3A_244], %swap3A_247 {strides = array<i32>} : memref<2x64x128xf32, #tpu.memory_space<vmem>>, vector<1x1x16xf32>,
      %swap3A_248 = arith.constant 0 : i32
      %swap3A_249 = arith.index_cast %swap3A_248 : i32 to index
      %swap3A_250 = arith.index_cast %scan3A_204 : i32 to index
      %swap3A_251 = arith.constant 96 : index
      %swap3A_252 = tpu.vector_load %arg11[%swap3A_249, %swap3A_250, %swap3A_251] {strides = array<i32>} : memref<2x64x128xf32, #tpu.memory_space<vmem>>, vector<1x1x16xf32>,
      %swap3A_253 = vector.shape_cast %swap3A_252 : vector<1x1x16xf32> to vector<16xf32>
      %swap3A_254 = vector.shape_cast %broadcast_in_dim3A_17 : vector<16xf32> to vector<1x1x16xf32>
      tpu.vector_store %arg11[%swap3A_249, %swap3A_250, %swap3A_251], %swap3A_254 {strides = array<i32>} : memref<2x64x128xf32, #tpu.memory_space<vmem>>, vector<1x1x16xf32>,
      %swap3A_255 = arith.constant 0 : i32
      %swap3A_256 = arith.index_cast %swap3A_255 : i32 to index
      %swap3A_257 = arith.index_cast %scan3A_204 : i32 to index
      %swap3A_258 = arith.constant 112 : index
      %swap3A_259 = tpu.vector_load %arg11[%swap3A_256, %swap3A_257, %swap3A_258] {strides = array<i32>} : memref<2x64x128xf32, #tpu.memory_space<vmem>>, vector<1x1x16xf32>,
      %swap3A_260 = vector.shape_cast %swap3A_259 : vector<1x1x16xf32> to vector<16xf32>
      %swap3A_261 = vector.shape_cast %broadcast_in_dim3A_17 : vector<16xf32> to vector<1x1x16xf32>
      tpu.vector_store %arg11[%swap3A_256, %swap3A_257, %swap3A_258], %swap3A_261 {strides = array<i32>} : memref<2x64x128xf32, #tpu.memory_space<vmem>>, vector<1x1x16xf32>,
      %scan3A_262 = arith.constant 0 : i32
      scf.yield %scan3A_262 : i32
    }
    %scan3A_23 = arith.constant 64 : i32
    %mul3A_24 = arith.constant 640 : i32
    %mul3A_25 = arith.muli %arg1, %mul3A_24 : i32
    %add3A_26 = arith.constant 0 : i32
    %add3A_27 = arith.addi %mul3A_25, %add3A_26 : i32
    %run_scoped3A = arith.constant 0 : i32
    "tpu.region"() ({
      %run_scoped3A_204 = tpu.sem_alloc : memref<!tpu.dma_semaphore, #tpu.memory_space<semaphore_mem>>
      %dma_start3A_205 = arith.constant 0 : i32
      %dma_start3A_206 = arith.constant 0 : i32
      %dma_start3A_207 = tpu.memref_slice %arg11[%run_scoped3A, %dma_start3A_205, %dma_start3A_206] : memref<2x64x128xf32, #tpu.memory_space<vmem>> -> memref<1x64x128xf32, #tpu.memory_space<vmem>>
      %dma_start3A_208 = tpu.memref_squeeze %dma_start3A_207 : memref<1x64x128xf32, #tpu.memory_space<vmem>> -> memref<64x128xf32, #tpu.memory_space<vmem>>
      %dma_start3A_209 = arith.constant 0 : i32
      %dma_start3A_210 = tpu.memref_slice %arg13[%add3A_27, %dma_start3A_209] : memref<10240x128xf32, #tpu.memory_space<vmem_shared>> -> memref<64x128xf32, #tpu.memory_space<vmem_shared>>
      %dma_start3A_211 = arith.constant 0 : i32
      %dma_start3A_212 = tpu.memref_slice %arg13[%add3A_27, %dma_start3A_211] : memref<10240x128xf32, #tpu.memory_space<vmem_shared>> -> memref<64x128xf32, #tpu.memory_space<vmem_shared>>
      %dma_start3A_213 = arith.constant 0 : i32
      %dma_start3A_214 = arith.constant 0 : i32
      %dma_start3A_215 = tpu.memref_slice %arg11[%run_scoped3A, %dma_start3A_213, %dma_start3A_214] : memref<2x64x128xf32, #tpu.memory_space<vmem>> -> memref<1x64x128xf32, #tpu.memory_space<vmem>>
      %dma_start3A_216 = tpu.memref_squeeze %dma_start3A_215 : memref<1x64x128xf32, #tpu.memory_space<vmem>> -> memref<64x128xf32, #tpu.memory_space<vmem>>
      tpu.enqueue_dma source(%dma_start3A_216 : memref<64x128xf32, #tpu.memory_space<vmem>>) target(%dma_start3A_212 : memref<64x128xf32, #tpu.memory_space<vmem_shared>>) target_semaphore(%run_scoped3A_204 : memref<!tpu.dma_semaphore, #tpu.memory_space<semaphore_mem>>)
      %dma_wait3A = arith.constant 0 : i32
      %dma_wait3A_217 = arith.constant 0 : i32
      %dma_wait3A_218 = tpu.memref_slice %arg11[%run_scoped3A, %dma_wait3A, %dma_wait3A_217] : memref<2x64x128xf32, #tpu.memory_space<vmem>> -> memref<1x64x128xf32, #tpu.memory_space<vmem>>
      %dma_wait3A_219 = tpu.memref_squeeze %dma_wait3A_218 : memref<1x64x128xf32, #tpu.memory_space<vmem>> -> memref<64x128xf32, #tpu.memory_space<vmem>>
      %dma_wait3A_220 = arith.constant 0 : i32
      %dma_wait3A_221 = tpu.memref_slice %arg13[%add3A_27, %dma_wait3A_220] : memref<10240x128xf32, #tpu.memory_space<vmem_shared>> -> memref<64x128xf32, #tpu.memory_space<vmem_shared>>
      %dma_wait3A_222 = arith.constant 0 : i32
      %dma_wait3A_223 = tpu.memref_slice %arg13[%add3A_27, %dma_wait3A_222] : memref<10240x128xf32, #tpu.memory_space<vmem_shared>> -> memref<64x128xf32, #tpu.memory_space<vmem_shared>>
      %dma_wait3A_224 = arith.constant 0 : i32
      %dma_wait3A_225 = arith.constant 0 : i32
      %dma_wait3A_226 = tpu.memref_slice %arg11[%run_scoped3A, %dma_wait3A_224, %dma_wait3A_225] : memref<2x64x128xf32, #tpu.memory_space<vmem>> -> memref<1x64x128xf32, #tpu.memory_space<vmem>>
      %dma_wait3A_227 = tpu.memref_squeeze %dma_wait3A_226 : memref<1x64x128xf32, #tpu.memory_space<vmem>> -> memref<64x128xf32, #tpu.memory_space<vmem>>
      tpu.wait_dma2 semaphore(%run_scoped3A_204 : memref<!tpu.dma_semaphore, #tpu.memory_space<semaphore_mem>>) src(%dma_wait3A_227 : memref<64x128xf32, #tpu.memory_space<vmem>>) dst(%dma_wait3A_223 : memref<64x128xf32, #tpu.memory_space<vmem_shared>>)
      tpu.yield
    }) : () -> ()
    %mul3A_28 = arith.constant 640 : i32
    %mul3A_29 = arith.muli %arg1, %mul3A_28 : i32
    %add3A_30 = arith.constant 64 : i32
    %add3A_31 = arith.addi %mul3A_29, %add3A_30 : i32
    %run_scoped3A_32 = arith.constant 0 : i32
    "tpu.region"() ({
      %run_scoped3A_204 = tpu.sem_alloc : memref<!tpu.dma_semaphore, #tpu.memory_space<semaphore_mem>>
      %dma_start3A_205 = arith.constant 0 : i32
      %dma_start3A_206 = arith.constant 0 : i32
      %dma_start3A_207 = tpu.memref_slice %arg11[%run_scoped3A_32, %dma_start3A_205, %dma_start3A_206] : memref<2x64x128xf32, #tpu.memory_space<vmem>> -> memref<1x64x128xf32, #tpu.memory_space<vmem>>
      %dma_start3A_208 = tpu.memref_squeeze %dma_start3A_207 : memref<1x64x128xf32, #tpu.memory_space<vmem>> -> memref<64x128xf32, #tpu.memory_space<vmem>>
      %dma_start3A_209 = arith.constant 0 : i32
      %dma_start3A_210 = tpu.memref_slice %arg13[%add3A_31, %dma_start3A_209] : memref<10240x128xf32, #tpu.memory_space<vmem_shared>> -> memref<64x128xf32, #tpu.memory_space<vmem_shared>>
      %dma_start3A_211 = arith.constant 0 : i32
      %dma_start3A_212 = tpu.memref_slice %arg13[%add3A_31, %dma_start3A_211] : memref<10240x128xf32, #tpu.memory_space<vmem_shared>> -> memref<64x128xf32, #tpu.memory_space<vmem_shared>>
      %dma_start3A_213 = arith.constant 0 : i32
      %dma_start3A_214 = arith.constant 0 : i32
      %dma_start3A_215 = tpu.memref_slice %arg11[%run_scoped3A_32, %dma_start3A_213, %dma_start3A_214] : memref<2x64x128xf32, #tpu.memory_space<vmem>> -> memref<1x64x128xf32, #tpu.memory_space<vmem>>
      %dma_start3A_216 = tpu.memref_squeeze %dma_start3A_215 : memref<1x64x128xf32, #tpu.memory_space<vmem>> -> memref<64x128xf32, #tpu.memory_space<vmem>>
      tpu.enqueue_dma source(%dma_start3A_216 : memref<64x128xf32, #tpu.memory_space<vmem>>) target(%dma_start3A_212 : memref<64x128xf32, #tpu.memory_space<vmem_shared>>) target_semaphore(%run_scoped3A_204 : memref<!tpu.dma_semaphore, #tpu.memory_space<semaphore_mem>>)
      %dma_wait3A = arith.constant 0 : i32
      %dma_wait3A_217 = arith.constant 0 : i32
      %dma_wait3A_218 = tpu.memref_slice %arg11[%run_scoped3A_32, %dma_wait3A, %dma_wait3A_217] : memref<2x64x128xf32, #tpu.memory_space<vmem>> -> memref<1x64x128xf32, #tpu.memory_space<vmem>>
      %dma_wait3A_219 = tpu.memref_squeeze %dma_wait3A_218 : memref<1x64x128xf32, #tpu.memory_space<vmem>> -> memref<64x128xf32, #tpu.memory_space<vmem>>
      %dma_wait3A_220 = arith.constant 0 : i32
      %dma_wait3A_221 = tpu.memref_slice %arg13[%add3A_31, %dma_wait3A_220] : memref<10240x128xf32, #tpu.memory_space<vmem_shared>> -> memref<64x128xf32, #tpu.memory_space<vmem_shared>>
      %dma_wait3A_222 = arith.constant 0 : i32
      %dma_wait3A_223 = tpu.memref_slice %arg13[%add3A_31, %dma_wait3A_222] : memref<10240x128xf32, #tpu.memory_space<vmem_shared>> -> memref<64x128xf32, #tpu.memory_space<vmem_shared>>
      %dma_wait3A_224 = arith.constant 0 : i32
      %dma_wait3A_225 = arith.constant 0 : i32
      %dma_wait3A_226 = tpu.memref_slice %arg11[%run_scoped3A_32, %dma_wait3A_224, %dma_wait3A_225] : memref<2x64x128xf32, #tpu.memory_space<vmem>> -> memref<1x64x128xf32, #tpu.memory_space<vmem>>
      %dma_wait3A_227 = tpu.memref_squeeze %dma_wait3A_226 : memref<1x64x128xf32, #tpu.memory_space<vmem>> -> memref<64x128xf32, #tpu.memory_space<vmem>>
      tpu.wait_dma2 semaphore(%run_scoped3A_204 : memref<!tpu.dma_semaphore, #tpu.memory_space<semaphore_mem>>) src(%dma_wait3A_227 : memref<64x128xf32, #tpu.memory_space<vmem>>) dst(%dma_wait3A_223 : memref<64x128xf32, #tpu.memory_space<vmem_shared>>)
      tpu.yield
    }) : () -> ()
    %mul3A_33 = arith.constant 640 : i32
    %mul3A_34 = arith.muli %arg1, %mul3A_33 : i32
    %add3A_35 = arith.constant 128 : i32
    %add3A_36 = arith.addi %mul3A_34, %add3A_35 : i32
    %run_scoped3A_37 = arith.constant 0 : i32
    "tpu.region"() ({
      %run_scoped3A_204 = tpu.sem_alloc : memref<!tpu.dma_semaphore, #tpu.memory_space<semaphore_mem>>
      %dma_start3A_205 = arith.constant 0 : i32
      %dma_start3A_206 = arith.constant 0 : i32
      %dma_start3A_207 = tpu.memref_slice %arg11[%run_scoped3A_37, %dma_start3A_205, %dma_start3A_206] : memref<2x64x128xf32, #tpu.memory_space<vmem>> -> memref<1x64x128xf32, #tpu.memory_space<vmem>>
      %dma_start3A_208 = tpu.memref_squeeze %dma_start3A_207 : memref<1x64x128xf32, #tpu.memory_space<vmem>> -> memref<64x128xf32, #tpu.memory_space<vmem>>
      %dma_start3A_209 = arith.constant 0 : i32
      %dma_start3A_210 = tpu.memref_slice %arg13[%add3A_36, %dma_start3A_209] : memref<10240x128xf32, #tpu.memory_space<vmem_shared>> -> memref<64x128xf32, #tpu.memory_space<vmem_shared>>
      %dma_start3A_211 = arith.constant 0 : i32
      %dma_start3A_212 = tpu.memref_slice %arg13[%add3A_36, %dma_start3A_211] : memref<10240x128xf32, #tpu.memory_space<vmem_shared>> -> memref<64x128xf32, #tpu.memory_space<vmem_shared>>
      %dma_start3A_213 = arith.constant 0 : i32
      %dma_start3A_214 = arith.constant 0 : i32
      %dma_start3A_215 = tpu.memref_slice %arg11[%run_scoped3A_37, %dma_start3A_213, %dma_start3A_214] : memref<2x64x128xf32, #tpu.memory_space<vmem>> -> memref<1x64x128xf32, #tpu.memory_space<vmem>>
      %dma_start3A_216 = tpu.memref_squeeze %dma_start3A_215 : memref<1x64x128xf32, #tpu.memory_space<vmem>> -> memref<64x128xf32, #tpu.memory_space<vmem>>
      tpu.enqueue_dma source(%dma_start3A_216 : memref<64x128xf32, #tpu.memory_space<vmem>>) target(%dma_start3A_212 : memref<64x128xf32, #tpu.memory_space<vmem_shared>>) target_semaphore(%run_scoped3A_204 : memref<!tpu.dma_semaphore, #tpu.memory_space<semaphore_mem>>)
      %dma_wait3A = arith.constant 0 : i32
      %dma_wait3A_217 = arith.constant 0 : i32
      %dma_wait3A_218 = tpu.memref_slice %arg11[%run_scoped3A_37, %dma_wait3A, %dma_wait3A_217] : memref<2x64x128xf32, #tpu.memory_space<vmem>> -> memref<1x64x128xf32, #tpu.memory_space<vmem>>
      %dma_wait3A_219 = tpu.memref_squeeze %dma_wait3A_218 : memref<1x64x128xf32, #tpu.memory_space<vmem>> -> memref<64x128xf32, #tpu.memory_space<vmem>>
      %dma_wait3A_220 = arith.constant 0 : i32
      %dma_wait3A_221 = tpu.memref_slice %arg13[%add3A_36, %dma_wait3A_220] : memref<10240x128xf32, #tpu.memory_space<vmem_shared>> -> memref<64x128xf32, #tpu.memory_space<vmem_shared>>
      %dma_wait3A_222 = arith.constant 0 : i32
      %dma_wait3A_223 = tpu.memref_slice %arg13[%add3A_36, %dma_wait3A_222] : memref<10240x128xf32, #tpu.memory_space<vmem_shared>> -> memref<64x128xf32, #tpu.memory_space<vmem_shared>>
      %dma_wait3A_224 = arith.constant 0 : i32
      %dma_wait3A_225 = arith.constant 0 : i32
      %dma_wait3A_226 = tpu.memref_slice %arg11[%run_scoped3A_37, %dma_wait3A_224, %dma_wait3A_225] : memref<2x64x128xf32, #tpu.memory_space<vmem>> -> memref<1x64x128xf32, #tpu.memory_space<vmem>>
      %dma_wait3A_227 = tpu.memref_squeeze %dma_wait3A_226 : memref<1x64x128xf32, #tpu.memory_space<vmem>> -> memref<64x128xf32, #tpu.memory_space<vmem>>
      tpu.wait_dma2 semaphore(%run_scoped3A_204 : memref<!tpu.dma_semaphore, #tpu.memory_space<semaphore_mem>>) src(%dma_wait3A_227 : memref<64x128xf32, #tpu.memory_space<vmem>>) dst(%dma_wait3A_223 : memref<64x128xf32, #tpu.memory_space<vmem_shared>>)
      tpu.yield
    }) : () -> ()
    %mul3A_38 = arith.constant 640 : i32
    %mul3A_39 = arith.muli %arg1, %mul3A_38 : i32
    %add3A_40 = arith.constant 192 : i32
    %add3A_41 = arith.addi %mul3A_39, %add3A_40 : i32
    %run_scoped3A_42 = arith.constant 0 : i32
    "tpu.region"() ({
      %run_scoped3A_204 = tpu.sem_alloc : memref<!tpu.dma_semaphore, #tpu.memory_space<semaphore_mem>>
      %dma_start3A_205 = arith.constant 0 : i32
      %dma_start3A_206 = arith.constant 0 : i32
      %dma_start3A_207 = tpu.memref_slice %arg11[%run_scoped3A_42, %dma_start3A_205, %dma_start3A_206] : memref<2x64x128xf32, #tpu.memory_space<vmem>> -> memref<1x64x128xf32, #tpu.memory_space<vmem>>
      %dma_start3A_208 = tpu.memref_squeeze %dma_start3A_207 : memref<1x64x128xf32, #tpu.memory_space<vmem>> -> memref<64x128xf32, #tpu.memory_space<vmem>>
      %dma_start3A_209 = arith.constant 0 : i32
      %dma_start3A_210 = tpu.memref_slice %arg13[%add3A_41, %dma_start3A_209] : memref<10240x128xf32, #tpu.memory_space<vmem_shared>> -> memref<64x128xf32, #tpu.memory_space<vmem_shared>>
      %dma_start3A_211 = arith.constant 0 : i32
      %dma_start3A_212 = tpu.memref_slice %arg13[%add3A_41, %dma_start3A_211] : memref<10240x128xf32, #tpu.memory_space<vmem_shared>> -> memref<64x128xf32, #tpu.memory_space<vmem_shared>>
      %dma_start3A_213 = arith.constant 0 : i32
      %dma_start3A_214 = arith.constant 0 : i32
      %dma_start3A_215 = tpu.memref_slice %arg11[%run_scoped3A_42, %dma_start3A_213, %dma_start3A_214] : memref<2x64x128xf32, #tpu.memory_space<vmem>> -> memref<1x64x128xf32, #tpu.memory_space<vmem>>
      %dma_start3A_216 = tpu.memref_squeeze %dma_start3A_215 : memref<1x64x128xf32, #tpu.memory_space<vmem>> -> memref<64x128xf32, #tpu.memory_space<vmem>>
      tpu.enqueue_dma source(%dma_start3A_216 : memref<64x128xf32, #tpu.memory_space<vmem>>) target(%dma_start3A_212 : memref<64x128xf32, #tpu.memory_space<vmem_shared>>) target_semaphore(%run_scoped3A_204 : memref<!tpu.dma_semaphore, #tpu.memory_space<semaphore_mem>>)
      %dma_wait3A = arith.constant 0 : i32
      %dma_wait3A_217 = arith.constant 0 : i32
      %dma_wait3A_218 = tpu.memref_slice %arg11[%run_scoped3A_42, %dma_wait3A, %dma_wait3A_217] : memref<2x64x128xf32, #tpu.memory_space<vmem>> -> memref<1x64x128xf32, #tpu.memory_space<vmem>>
      %dma_wait3A_219 = tpu.memref_squeeze %dma_wait3A_218 : memref<1x64x128xf32, #tpu.memory_space<vmem>> -> memref<64x128xf32, #tpu.memory_space<vmem>>
      %dma_wait3A_220 = arith.constant 0 : i32
      %dma_wait3A_221 = tpu.memref_slice %arg13[%add3A_41, %dma_wait3A_220] : memref<10240x128xf32, #tpu.memory_space<vmem_shared>> -> memref<64x128xf32, #tpu.memory_space<vmem_shared>>
      %dma_wait3A_222 = arith.constant 0 : i32
      %dma_wait3A_223 = tpu.memref_slice %arg13[%add3A_41, %dma_wait3A_222] : memref<10240x128xf32, #tpu.memory_space<vmem_shared>> -> memref<64x128xf32, #tpu.memory_space<vmem_shared>>
      %dma_wait3A_224 = arith.constant 0 : i32
      %dma_wait3A_225 = arith.constant 0 : i32
      %dma_wait3A_226 = tpu.memref_slice %arg11[%run_scoped3A_42, %dma_wait3A_224, %dma_wait3A_225] : memref<2x64x128xf32, #tpu.memory_space<vmem>> -> memref<1x64x128xf32, #tpu.memory_space<vmem>>
      %dma_wait3A_227 = tpu.memref_squeeze %dma_wait3A_226 : memref<1x64x128xf32, #tpu.memory_space<vmem>> -> memref<64x128xf32, #tpu.memory_space<vmem>>
      tpu.wait_dma2 semaphore(%run_scoped3A_204 : memref<!tpu.dma_semaphore, #tpu.memory_space<semaphore_mem>>) src(%dma_wait3A_227 : memref<64x128xf32, #tpu.memory_space<vmem>>) dst(%dma_wait3A_223 : memref<64x128xf32, #tpu.memory_space<vmem_shared>>)
      tpu.yield
    }) : () -> ()
    %mul3A_43 = arith.constant 640 : i32
    %mul3A_44 = arith.muli %arg1, %mul3A_43 : i32
    %add3A_45 = arith.constant 256 : i32
    %add3A_46 = arith.addi %mul3A_44, %add3A_45 : i32
    %run_scoped3A_47 = arith.constant 0 : i32
    "tpu.region"() ({
      %run_scoped3A_204 = tpu.sem_alloc : memref<!tpu.dma_semaphore, #tpu.memory_space<semaphore_mem>>
      %dma_start3A_205 = arith.constant 0 : i32
      %dma_start3A_206 = arith.constant 0 : i32
      %dma_start3A_207 = tpu.memref_slice %arg11[%run_scoped3A_47, %dma_start3A_205, %dma_start3A_206] : memref<2x64x128xf32, #tpu.memory_space<vmem>> -> memref<1x64x128xf32, #tpu.memory_space<vmem>>
      %dma_start3A_208 = tpu.memref_squeeze %dma_start3A_207 : memref<1x64x128xf32, #tpu.memory_space<vmem>> -> memref<64x128xf32, #tpu.memory_space<vmem>>
      %dma_start3A_209 = arith.constant 0 : i32
      %dma_start3A_210 = tpu.memref_slice %arg13[%add3A_46, %dma_start3A_209] : memref<10240x128xf32, #tpu.memory_space<vmem_shared>> -> memref<64x128xf32, #tpu.memory_space<vmem_shared>>
      %dma_start3A_211 = arith.constant 0 : i32
      %dma_start3A_212 = tpu.memref_slice %arg13[%add3A_46, %dma_start3A_211] : memref<10240x128xf32, #tpu.memory_space<vmem_shared>> -> memref<64x128xf32, #tpu.memory_space<vmem_shared>>
      %dma_start3A_213 = arith.constant 0 : i32
      %dma_start3A_214 = arith.constant 0 : i32
      %dma_start3A_215 = tpu.memref_slice %arg11[%run_scoped3A_47, %dma_start3A_213, %dma_start3A_214] : memref<2x64x128xf32, #tpu.memory_space<vmem>> -> memref<1x64x128xf32, #tpu.memory_space<vmem>>
      %dma_start3A_216 = tpu.memref_squeeze %dma_start3A_215 : memref<1x64x128xf32, #tpu.memory_space<vmem>> -> memref<64x128xf32, #tpu.memory_space<vmem>>
      tpu.enqueue_dma source(%dma_start3A_216 : memref<64x128xf32, #tpu.memory_space<vmem>>) target(%dma_start3A_212 : memref<64x128xf32, #tpu.memory_space<vmem_shared>>) target_semaphore(%run_scoped3A_204 : memref<!tpu.dma_semaphore, #tpu.memory_space<semaphore_mem>>)
      %dma_wait3A = arith.constant 0 : i32
      %dma_wait3A_217 = arith.constant 0 : i32
      %dma_wait3A_218 = tpu.memref_slice %arg11[%run_scoped3A_47, %dma_wait3A, %dma_wait3A_217] : memref<2x64x128xf32, #tpu.memory_space<vmem>> -> memref<1x64x128xf32, #tpu.memory_space<vmem>>
      %dma_wait3A_219 = tpu.memref_squeeze %dma_wait3A_218 : memref<1x64x128xf32, #tpu.memory_space<vmem>> -> memref<64x128xf32, #tpu.memory_space<vmem>>
      %dma_wait3A_220 = arith.constant 0 : i32
      %dma_wait3A_221 = tpu.memref_slice %arg13[%add3A_46, %dma_wait3A_220] : memref<10240x128xf32, #tpu.memory_space<vmem_shared>> -> memref<64x128xf32, #tpu.memory_space<vmem_shared>>
      %dma_wait3A_222 = arith.constant 0 : i32
      %dma_wait3A_223 = tpu.memref_slice %arg13[%add3A_46, %dma_wait3A_222] : memref<10240x128xf32, #tpu.memory_space<vmem_shared>> -> memref<64x128xf32, #tpu.memory_space<vmem_shared>>
      %dma_wait3A_224 = arith.constant 0 : i32
      %dma_wait3A_225 = arith.constant 0 : i32
      %dma_wait3A_226 = tpu.memref_slice %arg11[%run_scoped3A_47, %dma_wait3A_224, %dma_wait3A_225] : memref<2x64x128xf32, #tpu.memory_space<vmem>> -> memref<1x64x128xf32, #tpu.memory_space<vmem>>
      %dma_wait3A_227 = tpu.memref_squeeze %dma_wait3A_226 : memref<1x64x128xf32, #tpu.memory_space<vmem>> -> memref<64x128xf32, #tpu.memory_space<vmem>>
      tpu.wait_dma2 semaphore(%run_scoped3A_204 : memref<!tpu.dma_semaphore, #tpu.memory_space<semaphore_mem>>) src(%dma_wait3A_227 : memref<64x128xf32, #tpu.memory_space<vmem>>) dst(%dma_wait3A_223 : memref<64x128xf32, #tpu.memory_space<vmem_shared>>)
      tpu.yield
    }) : () -> ()
    %mul3A_48 = arith.constant 640 : i32
    %mul3A_49 = arith.muli %arg1, %mul3A_48 : i32
    %add3A_50 = arith.constant 320 : i32
    %add3A_51 = arith.addi %mul3A_49, %add3A_50 : i32
    %run_scoped3A_52 = arith.constant 0 : i32
    "tpu.region"() ({
      %run_scoped3A_204 = tpu.sem_alloc : memref<!tpu.dma_semaphore, #tpu.memory_space<semaphore_mem>>
      %dma_start3A_205 = arith.constant 0 : i32
      %dma_start3A_206 = arith.constant 0 : i32
      %dma_start3A_207 = tpu.memref_slice %arg11[%run_scoped3A_52, %dma_start3A_205, %dma_start3A_206] : memref<2x64x128xf32, #tpu.memory_space<vmem>> -> memref<1x64x128xf32, #tpu.memory_space<vmem>>
      %dma_start3A_208 = tpu.memref_squeeze %dma_start3A_207 : memref<1x64x128xf32, #tpu.memory_space<vmem>> -> memref<64x128xf32, #tpu.memory_space<vmem>>
      %dma_start3A_209 = arith.constant 0 : i32
      %dma_start3A_210 = tpu.memref_slice %arg13[%add3A_51, %dma_start3A_209] : memref<10240x128xf32, #tpu.memory_space<vmem_shared>> -> memref<64x128xf32, #tpu.memory_space<vmem_shared>>
      %dma_start3A_211 = arith.constant 0 : i32
      %dma_start3A_212 = tpu.memref_slice %arg13[%add3A_51, %dma_start3A_211] : memref<10240x128xf32, #tpu.memory_space<vmem_shared>> -> memref<64x128xf32, #tpu.memory_space<vmem_shared>>
      %dma_start3A_213 = arith.constant 0 : i32
      %dma_start3A_214 = arith.constant 0 : i32
      %dma_start3A_215 = tpu.memref_slice %arg11[%run_scoped3A_52, %dma_start3A_213, %dma_start3A_214] : memref<2x64x128xf32, #tpu.memory_space<vmem>> -> memref<1x64x128xf32, #tpu.memory_space<vmem>>
      %dma_start3A_216 = tpu.memref_squeeze %dma_start3A_215 : memref<1x64x128xf32, #tpu.memory_space<vmem>> -> memref<64x128xf32, #tpu.memory_space<vmem>>
      tpu.enqueue_dma source(%dma_start3A_216 : memref<64x128xf32, #tpu.memory_space<vmem>>) target(%dma_start3A_212 : memref<64x128xf32, #tpu.memory_space<vmem_shared>>) target_semaphore(%run_scoped3A_204 : memref<!tpu.dma_semaphore, #tpu.memory_space<semaphore_mem>>)
      %dma_wait3A = arith.constant 0 : i32
      %dma_wait3A_217 = arith.constant 0 : i32
      %dma_wait3A_218 = tpu.memref_slice %arg11[%run_scoped3A_52, %dma_wait3A, %dma_wait3A_217] : memref<2x64x128xf32, #tpu.memory_space<vmem>> -> memref<1x64x128xf32, #tpu.memory_space<vmem>>
      %dma_wait3A_219 = tpu.memref_squeeze %dma_wait3A_218 : memref<1x64x128xf32, #tpu.memory_space<vmem>> -> memref<64x128xf32, #tpu.memory_space<vmem>>
      %dma_wait3A_220 = arith.constant 0 : i32
      %dma_wait3A_221 = tpu.memref_slice %arg13[%add3A_51, %dma_wait3A_220] : memref<10240x128xf32, #tpu.memory_space<vmem_shared>> -> memref<64x128xf32, #tpu.memory_space<vmem_shared>>
      %dma_wait3A_222 = arith.constant 0 : i32
      %dma_wait3A_223 = tpu.memref_slice %arg13[%add3A_51, %dma_wait3A_222] : memref<10240x128xf32, #tpu.memory_space<vmem_shared>> -> memref<64x128xf32, #tpu.memory_space<vmem_shared>>
      %dma_wait3A_224 = arith.constant 0 : i32
      %dma_wait3A_225 = arith.constant 0 : i32
      %dma_wait3A_226 = tpu.memref_slice %arg11[%run_scoped3A_52, %dma_wait3A_224, %dma_wait3A_225] : memref<2x64x128xf32, #tpu.memory_space<vmem>> -> memref<1x64x128xf32, #tpu.memory_space<vmem>>
      %dma_wait3A_227 = tpu.memref_squeeze %dma_wait3A_226 : memref<1x64x128xf32, #tpu.memory_space<vmem>> -> memref<64x128xf32, #tpu.memory_space<vmem>>
      tpu.wait_dma2 semaphore(%run_scoped3A_204 : memref<!tpu.dma_semaphore, #tpu.memory_space<semaphore_mem>>) src(%dma_wait3A_227 : memref<64x128xf32, #tpu.memory_space<vmem>>) dst(%dma_wait3A_223 : memref<64x128xf32, #tpu.memory_space<vmem_shared>>)
      tpu.yield
    }) : () -> ()
    %mul3A_53 = arith.constant 640 : i32
    %mul3A_54 = arith.muli %arg1, %mul3A_53 : i32
    %add3A_55 = arith.constant 384 : i32
    %add3A_56 = arith.addi %mul3A_54, %add3A_55 : i32
    %run_scoped3A_57 = arith.constant 0 : i32
    "tpu.region"() ({
      %run_scoped3A_204 = tpu.sem_alloc : memref<!tpu.dma_semaphore, #tpu.memory_space<semaphore_mem>>
      %dma_start3A_205 = arith.constant 0 : i32
      %dma_start3A_206 = arith.constant 0 : i32
      %dma_start3A_207 = tpu.memref_slice %arg11[%run_scoped3A_57, %dma_start3A_205, %dma_start3A_206] : memref<2x64x128xf32, #tpu.memory_space<vmem>> -> memref<1x64x128xf32, #tpu.memory_space<vmem>>
      %dma_start3A_208 = tpu.memref_squeeze %dma_start3A_207 : memref<1x64x128xf32, #tpu.memory_space<vmem>> -> memref<64x128xf32, #tpu.memory_space<vmem>>
      %dma_start3A_209 = arith.constant 0 : i32
      %dma_start3A_210 = tpu.memref_slice %arg13[%add3A_56, %dma_start3A_209] : memref<10240x128xf32, #tpu.memory_space<vmem_shared>> -> memref<64x128xf32, #tpu.memory_space<vmem_shared>>
      %dma_start3A_211 = arith.constant 0 : i32
      %dma_start3A_212 = tpu.memref_slice %arg13[%add3A_56, %dma_start3A_211] : memref<10240x128xf32, #tpu.memory_space<vmem_shared>> -> memref<64x128xf32, #tpu.memory_space<vmem_shared>>
      %dma_start3A_213 = arith.constant 0 : i32
      %dma_start3A_214 = arith.constant 0 : i32
      %dma_start3A_215 = tpu.memref_slice %arg11[%run_scoped3A_57, %dma_start3A_213, %dma_start3A_214] : memref<2x64x128xf32, #tpu.memory_space<vmem>> -> memref<1x64x128xf32, #tpu.memory_space<vmem>>
      %dma_start3A_216 = tpu.memref_squeeze %dma_start3A_215 : memref<1x64x128xf32, #tpu.memory_space<vmem>> -> memref<64x128xf32, #tpu.memory_space<vmem>>
      tpu.enqueue_dma source(%dma_start3A_216 : memref<64x128xf32, #tpu.memory_space<vmem>>) target(%dma_start3A_212 : memref<64x128xf32, #tpu.memory_space<vmem_shared>>) target_semaphore(%run_scoped3A_204 : memref<!tpu.dma_semaphore, #tpu.memory_space<semaphore_mem>>)
      %dma_wait3A = arith.constant 0 : i32
      %dma_wait3A_217 = arith.constant 0 : i32
      %dma_wait3A_218 = tpu.memref_slice %arg11[%run_scoped3A_57, %dma_wait3A, %dma_wait3A_217] : memref<2x64x128xf32, #tpu.memory_space<vmem>> -> memref<1x64x128xf32, #tpu.memory_space<vmem>>
      %dma_wait3A_219 = tpu.memref_squeeze %dma_wait3A_218 : memref<1x64x128xf32, #tpu.memory_space<vmem>> -> memref<64x128xf32, #tpu.memory_space<vmem>>
      %dma_wait3A_220 = arith.constant 0 : i32
      %dma_wait3A_221 = tpu.memref_slice %arg13[%add3A_56, %dma_wait3A_220] : memref<10240x128xf32, #tpu.memory_space<vmem_shared>> -> memref<64x128xf32, #tpu.memory_space<vmem_shared>>
      %dma_wait3A_222 = arith.constant 0 : i32
      %dma_wait3A_223 = tpu.memref_slice %arg13[%add3A_56, %dma_wait3A_222] : memref<10240x128xf32, #tpu.memory_space<vmem_shared>> -> memref<64x128xf32, #tpu.memory_space<vmem_shared>>
      %dma_wait3A_224 = arith.constant 0 : i32
      %dma_wait3A_225 = arith.constant 0 : i32
      %dma_wait3A_226 = tpu.memref_slice %arg11[%run_scoped3A_57, %dma_wait3A_224, %dma_wait3A_225] : memref<2x64x128xf32, #tpu.memory_space<vmem>> -> memref<1x64x128xf32, #tpu.memory_space<vmem>>
      %dma_wait3A_227 = tpu.memref_squeeze %dma_wait3A_226 : memref<1x64x128xf32, #tpu.memory_space<vmem>> -> memref<64x128xf32, #tpu.memory_space<vmem>>
      tpu.wait_dma2 semaphore(%run_scoped3A_204 : memref<!tpu.dma_semaphore, #tpu.memory_space<semaphore_mem>>) src(%dma_wait3A_227 : memref<64x128xf32, #tpu.memory_space<vmem>>) dst(%dma_wait3A_223 : memref<64x128xf32, #tpu.memory_space<vmem_shared>>)
      tpu.yield
    }) : () -> ()
    %mul3A_58 = arith.constant 640 : i32
    %mul3A_59 = arith.muli %arg1, %mul3A_58 : i32
    %add3A_60 = arith.constant 448 : i32
    %add3A_61 = arith.addi %mul3A_59, %add3A_60 : i32
    %run_scoped3A_62 = arith.constant 0 : i32
    "tpu.region"() ({
      %run_scoped3A_204 = tpu.sem_alloc : memref<!tpu.dma_semaphore, #tpu.memory_space<semaphore_mem>>
      %dma_start3A_205 = arith.constant 0 : i32
      %dma_start3A_206 = arith.constant 0 : i32
      %dma_start3A_207 = tpu.memref_slice %arg11[%run_scoped3A_62, %dma_start3A_205, %dma_start3A_206] : memref<2x64x128xf32, #tpu.memory_space<vmem>> -> memref<1x64x128xf32, #tpu.memory_space<vmem>>
      %dma_start3A_208 = tpu.memref_squeeze %dma_start3A_207 : memref<1x64x128xf32, #tpu.memory_space<vmem>> -> memref<64x128xf32, #tpu.memory_space<vmem>>
      %dma_start3A_209 = arith.constant 0 : i32
      %dma_start3A_210 = tpu.memref_slice %arg13[%add3A_61, %dma_start3A_209] : memref<10240x128xf32, #tpu.memory_space<vmem_shared>> -> memref<64x128xf32, #tpu.memory_space<vmem_shared>>
      %dma_start3A_211 = arith.constant 0 : i32
      %dma_start3A_212 = tpu.memref_slice %arg13[%add3A_61, %dma_start3A_211] : memref<10240x128xf32, #tpu.memory_space<vmem_shared>> -> memref<64x128xf32, #tpu.memory_space<vmem_shared>>
      %dma_start3A_213 = arith.constant 0 : i32
      %dma_start3A_214 = arith.constant 0 : i32
      %dma_start3A_215 = tpu.memref_slice %arg11[%run_scoped3A_62, %dma_start3A_213, %dma_start3A_214] : memref<2x64x128xf32, #tpu.memory_space<vmem>> -> memref<1x64x128xf32, #tpu.memory_space<vmem>>
      %dma_start3A_216 = tpu.memref_squeeze %dma_start3A_215 : memref<1x64x128xf32, #tpu.memory_space<vmem>> -> memref<64x128xf32, #tpu.memory_space<vmem>>
      tpu.enqueue_dma source(%dma_start3A_216 : memref<64x128xf32, #tpu.memory_space<vmem>>) target(%dma_start3A_212 : memref<64x128xf32, #tpu.memory_space<vmem_shared>>) target_semaphore(%run_scoped3A_204 : memref<!tpu.dma_semaphore, #tpu.memory_space<semaphore_mem>>)
      %dma_wait3A = arith.constant 0 : i32
      %dma_wait3A_217 = arith.constant 0 : i32
      %dma_wait3A_218 = tpu.memref_slice %arg11[%run_scoped3A_62, %dma_wait3A, %dma_wait3A_217] : memref<2x64x128xf32, #tpu.memory_space<vmem>> -> memref<1x64x128xf32, #tpu.memory_space<vmem>>
      %dma_wait3A_219 = tpu.memref_squeeze %dma_wait3A_218 : memref<1x64x128xf32, #tpu.memory_space<vmem>> -> memref<64x128xf32, #tpu.memory_space<vmem>>
      %dma_wait3A_220 = arith.constant 0 : i32
      %dma_wait3A_221 = tpu.memref_slice %arg13[%add3A_61, %dma_wait3A_220] : memref<10240x128xf32, #tpu.memory_space<vmem_shared>> -> memref<64x128xf32, #tpu.memory_space<vmem_shared>>
      %dma_wait3A_222 = arith.constant 0 : i32
      %dma_wait3A_223 = tpu.memref_slice %arg13[%add3A_61, %dma_wait3A_222] : memref<10240x128xf32, #tpu.memory_space<vmem_shared>> -> memref<64x128xf32, #tpu.memory_space<vmem_shared>>
      %dma_wait3A_224 = arith.constant 0 : i32
      %dma_wait3A_225 = arith.constant 0 : i32
      %dma_wait3A_226 = tpu.memref_slice %arg11[%run_scoped3A_62, %dma_wait3A_224, %dma_wait3A_225] : memref<2x64x128xf32, #tpu.memory_space<vmem>> -> memref<1x64x128xf32, #tpu.memory_space<vmem>>
      %dma_wait3A_227 = tpu.memref_squeeze %dma_wait3A_226 : memref<1x64x128xf32, #tpu.memory_space<vmem>> -> memref<64x128xf32, #tpu.memory_space<vmem>>
      tpu.wait_dma2 semaphore(%run_scoped3A_204 : memref<!tpu.dma_semaphore, #tpu.memory_space<semaphore_mem>>) src(%dma_wait3A_227 : memref<64x128xf32, #tpu.memory_space<vmem>>) dst(%dma_wait3A_223 : memref<64x128xf32, #tpu.memory_space<vmem_shared>>)
      tpu.yield
    }) : () -> ()
    %mul3A_63 = arith.constant 640 : i32
    %mul3A_64 = arith.muli %arg1, %mul3A_63 : i32
    %add3A_65 = arith.constant 512 : i32
    %add3A_66 = arith.addi %mul3A_64, %add3A_65 : i32
    %run_scoped3A_67 = arith.constant 0 : i32
    "tpu.region"() ({
      %run_scoped3A_204 = tpu.sem_alloc : memref<!tpu.dma_semaphore, #tpu.memory_space<semaphore_mem>>
      %dma_start3A_205 = arith.constant 0 : i32
      %dma_start3A_206 = arith.constant 0 : i32
      %dma_start3A_207 = tpu.memref_slice %arg11[%run_scoped3A_67, %dma_start3A_205, %dma_start3A_206] : memref<2x64x128xf32, #tpu.memory_space<vmem>> -> memref<1x64x128xf32, #tpu.memory_space<vmem>>
      %dma_start3A_208 = tpu.memref_squeeze %dma_start3A_207 : memref<1x64x128xf32, #tpu.memory_space<vmem>> -> memref<64x128xf32, #tpu.memory_space<vmem>>
      %dma_start3A_209 = arith.constant 0 : i32
      %dma_start3A_210 = tpu.memref_slice %arg13[%add3A_66, %dma_start3A_209] : memref<10240x128xf32, #tpu.memory_space<vmem_shared>> -> memref<64x128xf32, #tpu.memory_space<vmem_shared>>
      %dma_start3A_211 = arith.constant 0 : i32
      %dma_start3A_212 = tpu.memref_slice %arg13[%add3A_66, %dma_start3A_211] : memref<10240x128xf32, #tpu.memory_space<vmem_shared>> -> memref<64x128xf32, #tpu.memory_space<vmem_shared>>
      %dma_start3A_213 = arith.constant 0 : i32
      %dma_start3A_214 = arith.constant 0 : i32
      %dma_start3A_215 = tpu.memref_slice %arg11[%run_scoped3A_67, %dma_start3A_213, %dma_start3A_214] : memref<2x64x128xf32, #tpu.memory_space<vmem>> -> memref<1x64x128xf32, #tpu.memory_space<vmem>>
      %dma_start3A_216 = tpu.memref_squeeze %dma_start3A_215 : memref<1x64x128xf32, #tpu.memory_space<vmem>> -> memref<64x128xf32, #tpu.memory_space<vmem>>
      tpu.enqueue_dma source(%dma_start3A_216 : memref<64x128xf32, #tpu.memory_space<vmem>>) target(%dma_start3A_212 : memref<64x128xf32, #tpu.memory_space<vmem_shared>>) target_semaphore(%run_scoped3A_204 : memref<!tpu.dma_semaphore, #tpu.memory_space<semaphore_mem>>)
      %dma_wait3A = arith.constant 0 : i32
      %dma_wait3A_217 = arith.constant 0 : i32
      %dma_wait3A_218 = tpu.memref_slice %arg11[%run_scoped3A_67, %dma_wait3A, %dma_wait3A_217] : memref<2x64x128xf32, #tpu.memory_space<vmem>> -> memref<1x64x128xf32, #tpu.memory_space<vmem>>
      %dma_wait3A_219 = tpu.memref_squeeze %dma_wait3A_218 : memref<1x64x128xf32, #tpu.memory_space<vmem>> -> memref<64x128xf32, #tpu.memory_space<vmem>>
      %dma_wait3A_220 = arith.constant 0 : i32
      %dma_wait3A_221 = tpu.memref_slice %arg13[%add3A_66, %dma_wait3A_220] : memref<10240x128xf32, #tpu.memory_space<vmem_shared>> -> memref<64x128xf32, #tpu.memory_space<vmem_shared>>
      %dma_wait3A_222 = arith.constant 0 : i32
      %dma_wait3A_223 = tpu.memref_slice %arg13[%add3A_66, %dma_wait3A_222] : memref<10240x128xf32, #tpu.memory_space<vmem_shared>> -> memref<64x128xf32, #tpu.memory_space<vmem_shared>>
      %dma_wait3A_224 = arith.constant 0 : i32
      %dma_wait3A_225 = arith.constant 0 : i32
      %dma_wait3A_226 = tpu.memref_slice %arg11[%run_scoped3A_67, %dma_wait3A_224, %dma_wait3A_225] : memref<2x64x128xf32, #tpu.memory_space<vmem>> -> memref<1x64x128xf32, #tpu.memory_space<vmem>>
      %dma_wait3A_227 = tpu.memref_squeeze %dma_wait3A_226 : memref<1x64x128xf32, #tpu.memory_space<vmem>> -> memref<64x128xf32, #tpu.memory_space<vmem>>
      tpu.wait_dma2 semaphore(%run_scoped3A_204 : memref<!tpu.dma_semaphore, #tpu.memory_space<semaphore_mem>>) src(%dma_wait3A_227 : memref<64x128xf32, #tpu.memory_space<vmem>>) dst(%dma_wait3A_223 : memref<64x128xf32, #tpu.memory_space<vmem_shared>>)
      tpu.yield
    }) : () -> ()
    %mul3A_68 = arith.constant 640 : i32
    %mul3A_69 = arith.muli %arg1, %mul3A_68 : i32
    %add3A_70 = arith.constant 576 : i32
    %add3A_71 = arith.addi %mul3A_69, %add3A_70 : i32
    %run_scoped3A_72 = arith.constant 0 : i32
    "tpu.region"() ({
      %run_scoped3A_204 = tpu.sem_alloc : memref<!tpu.dma_semaphore, #tpu.memory_space<semaphore_mem>>
      %dma_start3A_205 = arith.constant 0 : i32
      %dma_start3A_206 = arith.constant 0 : i32
      %dma_start3A_207 = tpu.memref_slice %arg11[%run_scoped3A_72, %dma_start3A_205, %dma_start3A_206] : memref<2x64x128xf32, #tpu.memory_space<vmem>> -> memref<1x64x128xf32, #tpu.memory_space<vmem>>
      %dma_start3A_208 = tpu.memref_squeeze %dma_start3A_207 : memref<1x64x128xf32, #tpu.memory_space<vmem>> -> memref<64x128xf32, #tpu.memory_space<vmem>>
      %dma_start3A_209 = arith.constant 0 : i32
      %dma_start3A_210 = tpu.memref_slice %arg13[%add3A_71, %dma_start3A_209] : memref<10240x128xf32, #tpu.memory_space<vmem_shared>> -> memref<64x128xf32, #tpu.memory_space<vmem_shared>>
      %dma_start3A_211 = arith.constant 0 : i32
      %dma_start3A_212 = tpu.memref_slice %arg13[%add3A_71, %dma_start3A_211] : memref<10240x128xf32, #tpu.memory_space<vmem_shared>> -> memref<64x128xf32, #tpu.memory_space<vmem_shared>>
      %dma_start3A_213 = arith.constant 0 : i32
      %dma_start3A_214 = arith.constant 0 : i32
      %dma_start3A_215 = tpu.memref_slice %arg11[%run_scoped3A_72, %dma_start3A_213, %dma_start3A_214] : memref<2x64x128xf32, #tpu.memory_space<vmem>> -> memref<1x64x128xf32, #tpu.memory_space<vmem>>
      %dma_start3A_216 = tpu.memref_squeeze %dma_start3A_215 : memref<1x64x128xf32, #tpu.memory_space<vmem>> -> memref<64x128xf32, #tpu.memory_space<vmem>>
      tpu.enqueue_dma source(%dma_start3A_216 : memref<64x128xf32, #tpu.memory_space<vmem>>) target(%dma_start3A_212 : memref<64x128xf32, #tpu.memory_space<vmem_shared>>) target_semaphore(%run_scoped3A_204 : memref<!tpu.dma_semaphore, #tpu.memory_space<semaphore_mem>>)
      %dma_wait3A = arith.constant 0 : i32
      %dma_wait3A_217 = arith.constant 0 : i32
      %dma_wait3A_218 = tpu.memref_slice %arg11[%run_scoped3A_72, %dma_wait3A, %dma_wait3A_217] : memref<2x64x128xf32, #tpu.memory_space<vmem>> -> memref<1x64x128xf32, #tpu.memory_space<vmem>>
      %dma_wait3A_219 = tpu.memref_squeeze %dma_wait3A_218 : memref<1x64x128xf32, #tpu.memory_space<vmem>> -> memref<64x128xf32, #tpu.memory_space<vmem>>
      %dma_wait3A_220 = arith.constant 0 : i32
      %dma_wait3A_221 = tpu.memref_slice %arg13[%add3A_71, %dma_wait3A_220] : memref<10240x128xf32, #tpu.memory_space<vmem_shared>> -> memref<64x128xf32, #tpu.memory_space<vmem_shared>>
      %dma_wait3A_222 = arith.constant 0 : i32
      %dma_wait3A_223 = tpu.memref_slice %arg13[%add3A_71, %dma_wait3A_222] : memref<10240x128xf32, #tpu.memory_space<vmem_shared>> -> memref<64x128xf32, #tpu.memory_space<vmem_shared>>
      %dma_wait3A_224 = arith.constant 0 : i32
      %dma_wait3A_225 = arith.constant 0 : i32
      %dma_wait3A_226 = tpu.memref_slice %arg11[%run_scoped3A_72, %dma_wait3A_224, %dma_wait3A_225] : memref<2x64x128xf32, #tpu.memory_space<vmem>> -> memref<1x64x128xf32, #tpu.memory_space<vmem>>
      %dma_wait3A_227 = tpu.memref_squeeze %dma_wait3A_226 : memref<1x64x128xf32, #tpu.memory_space<vmem>> -> memref<64x128xf32, #tpu.memory_space<vmem>>
      tpu.wait_dma2 semaphore(%run_scoped3A_204 : memref<!tpu.dma_semaphore, #tpu.memory_space<semaphore_mem>>) src(%dma_wait3A_227 : memref<64x128xf32, #tpu.memory_space<vmem>>) dst(%dma_wait3A_223 : memref<64x128xf32, #tpu.memory_space<vmem_shared>>)
      tpu.yield
    }) : () -> ()
    %barrier3A = arith.constant 0 : index
    tpu.barrier barrier_id(%barrier3A)
    %get3A = arith.constant 0 : i32
    %get3A_73 = arith.index_cast %get3A : i32 to index
    %get3A_74 = arith.constant 0 : index
    %get3A_75 = tpu.vector_load %arg6[%get3A_73, %get3A_74] {strides = array<i32>} : memref<120x128xi32, #tpu.memory_space<vmem>>, vector<1x16xi32>,
    %get3A_76 = vector.shape_cast %get3A_75 : vector<1x16xi32> to vector<16xi32>
    %and3A = arith.constant 65535 : i32
    %and3A_77 = vector.broadcast %and3A : i32 to vector<16xi32>
    %and3A_78 = arith.andi %get3A_76, %and3A_77 : vector<16xi32>
    %swap3A = arith.constant 0 : index
    %swap3A_79 = tpu.vector_load %arg7[%swap3A] {strides = array<i32>} : memref<64xi32, #tpu.memory_space<vmem>>, vector<16xi32>,
    %swap3A_80 = vector.shape_cast %swap3A_79 : vector<16xi32> to vector<16xi32>
    %swap3A_81 = vector.shape_cast %and3A_78 : vector<16xi32> to vector<16xi32>
    tpu.vector_store %arg7[%swap3A], %swap3A_81 {strides = array<i32>} : memref<64xi32, #tpu.memory_space<vmem>>, vector<16xi32>,
    %shift_right_logical3A = arith.constant 16 : i32
    %shift_right_logical3A_82 = vector.broadcast %shift_right_logical3A : i32 to vector<16xi32>
    %shift_right_logical3A_83 = arith.shrui %get3A_76, %shift_right_logical3A_82 : vector<16xi32>
    %swap3A_84 = arith.constant 0 : index
    %swap3A_85 = tpu.vector_load %arg9[%swap3A_84] {strides = array<i32>} : memref<64xi32, #tpu.memory_space<vmem>>, vector<16xi32>,
    %swap3A_86 = vector.shape_cast %swap3A_85 : vector<16xi32> to vector<16xi32>
    %swap3A_87 = vector.shape_cast %shift_right_logical3A_83 : vector<16xi32> to vector<16xi32>
    tpu.vector_store %arg9[%swap3A_84], %swap3A_87 {strides = array<i32>} : memref<64xi32, #tpu.memory_space<vmem>>, vector<16xi32>,
    %get3A_88 = arith.constant 0 : i32
    %get3A_89 = arith.index_cast %get3A_88 : i32 to index
    %get3A_90 = arith.constant 16 : index
    %get3A_91 = tpu.vector_load %arg6[%get3A_89, %get3A_90] {strides = array<i32>} : memref<120x128xi32, #tpu.memory_space<vmem>>, vector<1x16xi32>,
    %get3A_92 = vector.shape_cast %get3A_91 : vector<1x16xi32> to vector<16xi32>
    %and3A_93 = arith.constant 65535 : i32
    %and3A_94 = vector.broadcast %and3A_93 : i32 to vector<16xi32>
    %and3A_95 = arith.andi %get3A_92, %and3A_94 : vector<16xi32>
    %swap3A_96 = arith.constant 16 : index
    %swap3A_97 = tpu.vector_load %arg7[%swap3A_96] {strides = array<i32>} : memref<64xi32, #tpu.memory_space<vmem>>, vector<16xi32>,
    %swap3A_98 = vector.shape_cast %swap3A_97 : vector<16xi32> to vector<16xi32>
    %swap3A_99 = vector.shape_cast %and3A_95 : vector<16xi32> to vector<16xi32>
    tpu.vector_store %arg7[%swap3A_96], %swap3A_99 {strides = array<i32>} : memref<64xi32, #tpu.memory_space<vmem>>, vector<16xi32>,
    %shift_right_logical3A_100 = arith.constant 16 : i32
    %shift_right_logical3A_101 = vector.broadcast %shift_right_logical3A_100 : i32 to vector<16xi32>
    %shift_right_logical3A_102 = arith.shrui %get3A_92, %shift_right_logical3A_101 : vector<16xi32>
    %swap3A_103 = arith.constant 16 : index
    %swap3A_104 = tpu.vector_load %arg9[%swap3A_103] {strides = array<i32>} : memref<64xi32, #tpu.memory_space<vmem>>, vector<16xi32>,
    %swap3A_105 = vector.shape_cast %swap3A_104 : vector<16xi32> to vector<16xi32>
    %swap3A_106 = vector.shape_cast %shift_right_logical3A_102 : vector<16xi32> to vector<16xi32>
    tpu.vector_store %arg9[%swap3A_103], %swap3A_106 {strides = array<i32>} : memref<64xi32, #tpu.memory_space<vmem>>, vector<16xi32>,
    %get3A_107 = arith.constant 0 : i32
    %get3A_108 = arith.index_cast %get3A_107 : i32 to index
    %get3A_109 = arith.constant 32 : index
    %get3A_110 = tpu.vector_load %arg6[%get3A_108, %get3A_109] {strides = array<i32>} : memref<120x128xi32, #tpu.memory_space<vmem>>, vector<1x16xi32>,
    %get3A_111 = vector.shape_cast %get3A_110 : vector<1x16xi32> to vector<16xi32>
    %and3A_112 = arith.constant 65535 : i32
    %and3A_113 = vector.broadcast %and3A_112 : i32 to vector<16xi32>
    %and3A_114 = arith.andi %get3A_111, %and3A_113 : vector<16xi32>
    %swap3A_115 = arith.constant 32 : index
    %swap3A_116 = tpu.vector_load %arg7[%swap3A_115] {strides = array<i32>} : memref<64xi32, #tpu.memory_space<vmem>>, vector<16xi32>,
    %swap3A_117 = vector.shape_cast %swap3A_116 : vector<16xi32> to vector<16xi32>
    %swap3A_118 = vector.shape_cast %and3A_114 : vector<16xi32> to vector<16xi32>
    tpu.vector_store %arg7[%swap3A_115], %swap3A_118 {strides = array<i32>} : memref<64xi32, #tpu.memory_space<vmem>>, vector<16xi32>,
    %shift_right_logical3A_119 = arith.constant 16 : i32
    %shift_right_logical3A_120 = vector.broadcast %shift_right_logical3A_119 : i32 to vector<16xi32>
    %shift_right_logical3A_121 = arith.shrui %get3A_111, %shift_right_logical3A_120 : vector<16xi32>
    %swap3A_122 = arith.constant 32 : index
    %swap3A_123 = tpu.vector_load %arg9[%swap3A_122] {strides = array<i32>} : memref<64xi32, #tpu.memory_space<vmem>>, vector<16xi32>,
    %swap3A_124 = vector.shape_cast %swap3A_123 : vector<16xi32> to vector<16xi32>
    %swap3A_125 = vector.shape_cast %shift_right_logical3A_121 : vector<16xi32> to vector<16xi32>
    tpu.vector_store %arg9[%swap3A_122], %swap3A_125 {strides = array<i32>} : memref<64xi32, #tpu.memory_space<vmem>>, vector<16xi32>,
    %get3A_126 = arith.constant 0 : i32
    %get3A_127 = arith.index_cast %get3A_126 : i32 to index
    %get3A_128 = arith.constant 48 : index
    %get3A_129 = tpu.vector_load %arg6[%get3A_127, %get3A_128] {strides = array<i32>} : memref<120x128xi32, #tpu.memory_space<vmem>>, vector<1x16xi32>,
    %get3A_130 = vector.shape_cast %get3A_129 : vector<1x16xi32> to vector<16xi32>
    %and3A_131 = arith.constant 65535 : i32
    %and3A_132 = vector.broadcast %and3A_131 : i32 to vector<16xi32>
    %and3A_133 = arith.andi %get3A_130, %and3A_132 : vector<16xi32>
    %swap3A_134 = arith.constant 48 : index
    %swap3A_135 = tpu.vector_load %arg7[%swap3A_134] {strides = array<i32>} : memref<64xi32, #tpu.memory_space<vmem>>, vector<16xi32>,
    %swap3A_136 = vector.shape_cast %swap3A_135 : vector<16xi32> to vector<16xi32>
    %swap3A_137 = vector.shape_cast %and3A_133 : vector<16xi32> to vector<16xi32>
    tpu.vector_store %arg7[%swap3A_134], %swap3A_137 {strides = array<i32>} : memref<64xi32, #tpu.memory_space<vmem>>, vector<16xi32>,
    %shift_right_logical3A_138 = arith.constant 16 : i32
    %shift_right_logical3A_139 = vector.broadcast %shift_right_logical3A_138 : i32 to vector<16xi32>
    %shift_right_logical3A_140 = arith.shrui %get3A_130, %shift_right_logical3A_139 : vector<16xi32>
    %swap3A_141 = arith.constant 48 : index
    %swap3A_142 = tpu.vector_load %arg9[%swap3A_141] {strides = array<i32>} : memref<64xi32, #tpu.memory_space<vmem>>, vector<16xi32>,
    %swap3A_143 = vector.shape_cast %swap3A_142 : vector<16xi32> to vector<16xi32>
    %swap3A_144 = vector.shape_cast %shift_right_logical3A_140 : vector<16xi32> to vector<16xi32>
    tpu.vector_store %arg9[%swap3A_141], %swap3A_144 {strides = array<i32>} : memref<64xi32, #tpu.memory_space<vmem>>, vector<16xi32>,
    %dma_start3A = arith.constant 0 : i32
    %dma_start3A_145 = arith.constant 0 : i32
    %dma_start3A_146 = arith.constant 0 : i32
    %dma_start3A_147 = tpu.memref_slice %arg11[%dma_start3A, %dma_start3A_145, %dma_start3A_146] : memref<2x64x128xf32, #tpu.memory_space<vmem>> -> memref<1x64x128xf32, #tpu.memory_space<vmem>>
    %dma_start3A_148 = tpu.memref_squeeze %dma_start3A_147 : memref<1x64x128xf32, #tpu.memory_space<vmem>> -> memref<64x128xf32, #tpu.memory_space<vmem>>
    %dma_start3A_149 = arith.constant 0 : i32
    %dma_start3A_150 = arith.constant 0 : i32
    %dma_start3A_151 = tpu.memref_slice %arg2[%dma_start3A_149, %dma_start3A_150] : memref<10000x128xf32, #tpu.memory_space<hbm>> -> memref<10000x128xf32, #tpu.memory_space<hbm>>
    tpu.enqueue_indirect_dma source(%dma_start3A_151 : memref<10000x128xf32, #tpu.memory_space<hbm>>) target(%dma_start3A_148 : memref<64x128xf32, #tpu.memory_space<vmem>>) offsets(%arg7 : memref<64xi32, #tpu.memory_space<vmem>>) semaphore(%arg14 : memref<!tpu.dma_semaphore, #tpu.memory_space<semaphore_mem>>)
    %add3A_152 = arith.constant 0 : i32
    %add3A_153 = arith.addi %select_n3A, %add3A_152 : i32
    %mul3A_154 = arith.constant 64 : i32
    %mul3A_155 = arith.muli %add3A_153, %mul3A_154 : i32
    %dma_start3A_156 = arith.constant 0 : i32
    %dma_start3A_157 = arith.constant 0 : i32
    %dma_start3A_158 = arith.constant 0 : i32
    %dma_start3A_159 = tpu.memref_slice %arg12[%dma_start3A_156, %dma_start3A_157, %dma_start3A_158] : memref<2x64x64xi32, #tpu.memory_space<vmem>> -> memref<1x64x64xi32, #tpu.memory_space<vmem>>
    %dma_start3A_160 = tpu.memref_squeeze %dma_start3A_159 : memref<1x64x64xi32, #tpu.memory_space<vmem>> -> memref<64x64xi32, #tpu.memory_space<vmem>>
    %dma_start3A_161 = arith.constant 0 : i32
    %dma_start3A_162 = tpu.memref_slice %arg3[%mul3A_155, %dma_start3A_161] : memref<327680x64xi32, #tpu.memory_space<hbm>> -> memref<64x64xi32, #tpu.memory_space<hbm>>
    %dma_start3A_163 = arith.constant 0 : i32
    %dma_start3A_164 = arith.constant 0 : i32
    %dma_start3A_165 = tpu.memref_slice %arg12[%dma_start3A_156, %dma_start3A_163, %dma_start3A_164] : memref<2x64x64xi32, #tpu.memory_space<vmem>> -> memref<1x64x64xi32, #tpu.memory_space<vmem>>
    %dma_start3A_166 = tpu.memref_squeeze %dma_start3A_165 : memref<1x64x64xi32, #tpu.memory_space<vmem>> -> memref<64x64xi32, #tpu.memory_space<vmem>>
    %dma_start3A_167 = arith.constant 0 : i32
    %dma_start3A_168 = tpu.memref_slice %arg3[%mul3A_155, %dma_start3A_167] : memref<327680x64xi32, #tpu.memory_space<hbm>> -> memref<64x64xi32, #tpu.memory_space<hbm>>
    tpu.enqueue_dma source(%dma_start3A_168 : memref<64x64xi32, #tpu.memory_space<hbm>>) target(%dma_start3A_166 : memref<64x64xi32, #tpu.memory_space<vmem>>) target_semaphore(%arg16 : memref<!tpu.dma_semaphore, #tpu.memory_space<semaphore_mem>>)
    %jit3A_169 = arith.constant 2 : i32
    %div3A = arith.divsi %select_n3A_8, %jit3A_169 : i32
    %sign3A = arith.constant 0 : i32
    %sign3A_170 = arith.cmpi sgt, %select_n3A_8, %sign3A : i32
    %sign3A_171 = arith.extui %sign3A_170 : i1 to i32
    %sign3A_172 = arith.constant 0 : i32
    %sign3A_173 = arith.cmpi slt, %select_n3A_8, %sign3A_172 : i32
    %sign3A_174 = arith.extui %sign3A_173 : i1 to i32
    %sign3A_175 = arith.subi %sign3A_171, %sign3A_174 : i32
    %sign3A_176 = arith.constant 0 : i32
    %sign3A_177 = arith.cmpi sgt, %jit3A_169, %sign3A_176 : i32
    %sign3A_178 = arith.extui %sign3A_177 : i1 to i32
    %sign3A_179 = arith.constant 0 : i32
    %sign3A_180 = arith.cmpi slt, %jit3A_169, %sign3A_179 : i32
    %sign3A_181 = arith.extui %sign3A_180 : i1 to i32
    %sign3A_182 = arith.subi %sign3A_178, %sign3A_181 : i32
    %ne3A = arith.cmpi ne, %sign3A_175, %sign3A_182 : i32
    %rem3A = arith.remsi %select_n3A_8, %jit3A_169 : i32
    %ne3A_183 = arith.constant 0 : i32
    %ne3A_184 = arith.cmpi ne, %rem3A, %ne3A_183 : i32
    %and3A_185 = arith.andi %ne3A, %ne3A_184 : i1
    %sub3A = arith.constant 1 : i32
    %sub3A_186 = arith.subi %div3A, %sub3A : i32
    %select_n3A_187 = arith.select %and3A_185, %sub3A_186, %div3A : i32
    %while3A = arith.constant 0 : i32
    %while3A_188 = arith.constant 0 : i32
    %while3A_189 = arith.subi %select_n3A_187, %while3A : i32
    %while3A_190 = arith.addi %while3A, %while3A_189 : i32
    %while3A_191 = arith.constant 1 : i32
    %while3A_192 = arith.divsi %while3A_189, %while3A_191 : i32
    %while3A_193 = arith.muli %while3A_192, %while3A_191 : i32
    %while3A_194 = arith.addi %while3A, %while3A_193 : i32
    %while3A_195 = arith.constant 1 : i32
    %while3A_196 = scf.for %while3A_204 = %while3A to %while3A_194 step %while3A_195 iter_args(%while3A_205 = %while3A_188) -> (i32)  : i32 {
      %mul3A_206 = arith.constant 2 : i32
      %mul3A_207 = arith.muli %while3A_204, %mul3A_206 : i32
      %add3A_208 = arith.constant 0 : i32
      %add3A_209 = arith.addi %mul3A_207, %add3A_208 : i32
      %add3A_210 = arith.constant 1 : i32
      %add3A_211 = arith.addi %add3A_209, %add3A_210 : i32
      %lt3A = arith.cmpi slt, %add3A_211, %select_n3A_8 : i32
      %convert_element_type3A_212 = arith.extui %lt3A : i1 to i32
      %cond3A_213 = arith.constant 0 : i32
      %cond3A_214 = arith.cmpi ne, %convert_element_type3A_212, %cond3A_213 : i32
      scf.if %cond3A_214 {
        %get3A_291 = arith.index_cast %while3A_204 : i32 to index
        %get3A_292 = arith.constant 64 : index
        %get3A_293 = tpu.vector_load %arg6[%get3A_291, %get3A_292] {strides = array<i32>} : memref<120x128xi32, #tpu.memory_space<vmem>>, vector<1x16xi32>,
        %get3A_294 = vector.shape_cast %get3A_293 : vector<1x16xi32> to vector<16xi32>
        %and3A_295 = arith.constant 65535 : i32
        %and3A_296 = vector.broadcast %and3A_295 : i32 to vector<16xi32>
        %and3A_297 = arith.andi %get3A_294, %and3A_296 : vector<16xi32>
        %swap3A_298 = arith.constant 0 : index
        %swap3A_299 = tpu.vector_load %arg8[%swap3A_298] {strides = array<i32>} : memref<64xi32, #tpu.memory_space<vmem>>, vector<16xi32>,
        %swap3A_300 = vector.shape_cast %swap3A_299 : vector<16xi32> to vector<16xi32>
        %swap3A_301 = vector.shape_cast %and3A_297 : vector<16xi32> to vector<16xi32>
        tpu.vector_store %arg8[%swap3A_298], %swap3A_301 {strides = array<i32>} : memref<64xi32, #tpu.memory_space<vmem>>, vector<16xi32>,
        %shift_right_logical3A_302 = arith.constant 16 : i32
        %shift_right_logical3A_303 = vector.broadcast %shift_right_logical3A_302 : i32 to vector<16xi32>
        %shift_right_logical3A_304 = arith.shrui %get3A_294, %shift_right_logical3A_303 : vector<16xi32>
        %swap3A_305 = arith.constant 0 : index
        %swap3A_306 = tpu.vector_load %arg10[%swap3A_305] {strides = array<i32>} : memref<64xi32, #tpu.memory_space<vmem>>, vector<16xi32>,
        %swap3A_307 = vector.shape_cast %swap3A_306 : vector<16xi32> to vector<16xi32>
        %swap3A_308 = vector.shape_cast %shift_right_logical3A_304 : vector<16xi32> to vector<16xi32>
        tpu.vector_store %arg10[%swap3A_305], %swap3A_308 {strides = array<i32>} : memref<64xi32, #tpu.memory_space<vmem>>, vector<16xi32>,
        %get3A_309 = arith.index_cast %while3A_204 : i32 to index
        %get3A_310 = arith.constant 80 : index
        %get3A_311 = tpu.vector_load %arg6[%get3A_309, %get3A_310] {strides = array<i32>} : memref<120x128xi32, #tpu.memory_space<vmem>>, vector<1x16xi32>,
        %get3A_312 = vector.shape_cast %get3A_311 : vector<1x16xi32> to vector<16xi32>
        %and3A_313 = arith.constant 65535 : i32
        %and3A_314 = vector.broadcast %and3A_313 : i32 to vector<16xi32>
        %and3A_315 = arith.andi %get3A_312, %and3A_314 : vector<16xi32>
        %swap3A_316 = arith.constant 16 : index
        %swap3A_317 = tpu.vector_load %arg8[%swap3A_316] {strides = array<i32>} : memref<64xi32, #tpu.memory_space<vmem>>, vector<16xi32>,
        %swap3A_318 = vector.shape_cast %swap3A_317 : vector<16xi32> to vector<16xi32>
        %swap3A_319 = vector.shape_cast %and3A_315 : vector<16xi32> to vector<16xi32>
        tpu.vector_store %arg8[%swap3A_316], %swap3A_319 {strides = array<i32>} : memref<64xi32, #tpu.memory_space<vmem>>, vector<16xi32>,
        %shift_right_logical3A_320 = arith.constant 16 : i32
        %shift_right_logical3A_321 = vector.broadcast %shift_right_logical3A_320 : i32 to vector<16xi32>
        %shift_right_logical3A_322 = arith.shrui %get3A_312, %shift_right_logical3A_321 : vector<16xi32>
        %swap3A_323 = arith.constant 16 : index
        %swap3A_324 = tpu.vector_load %arg10[%swap3A_323] {strides = array<i32>} : memref<64xi32, #tpu.memory_space<vmem>>, vector<16xi32>,
        %swap3A_325 = vector.shape_cast %swap3A_324 : vector<16xi32> to vector<16xi32>
        %swap3A_326 = vector.shape_cast %shift_right_logical3A_322 : vector<16xi32> to vector<16xi32>
        tpu.vector_store %arg10[%swap3A_323], %swap3A_326 {strides = array<i32>} : memref<64xi32, #tpu.memory_space<vmem>>, vector<16xi32>,
        %get3A_327 = arith.index_cast %while3A_204 : i32 to index
        %get3A_328 = arith.constant 96 : index
        %get3A_329 = tpu.vector_load %arg6[%get3A_327, %get3A_328] {strides = array<i32>} : memref<120x128xi32, #tpu.memory_space<vmem>>, vector<1x16xi32>,
        %get3A_330 = vector.shape_cast %get3A_329 : vector<1x16xi32> to vector<16xi32>
        %and3A_331 = arith.constant 65535 : i32
        %and3A_332 = vector.broadcast %and3A_331 : i32 to vector<16xi32>
        %and3A_333 = arith.andi %get3A_330, %and3A_332 : vector<16xi32>
        %swap3A_334 = arith.constant 32 : index
        %swap3A_335 = tpu.vector_load %arg8[%swap3A_334] {strides = array<i32>} : memref<64xi32, #tpu.memory_space<vmem>>, vector<16xi32>,
        %swap3A_336 = vector.shape_cast %swap3A_335 : vector<16xi32> to vector<16xi32>
        %swap3A_337 = vector.shape_cast %and3A_333 : vector<16xi32> to vector<16xi32>
        tpu.vector_store %arg8[%swap3A_334], %swap3A_337 {strides = array<i32>} : memref<64xi32, #tpu.memory_space<vmem>>, vector<16xi32>,
        %shift_right_logical3A_338 = arith.constant 16 : i32
        %shift_right_logical3A_339 = vector.broadcast %shift_right_logical3A_338 : i32 to vector<16xi32>
        %shift_right_logical3A_340 = arith.shrui %get3A_330, %shift_right_logical3A_339 : vector<16xi32>
        %swap3A_341 = arith.constant 32 : index
        %swap3A_342 = tpu.vector_load %arg10[%swap3A_341] {strides = array<i32>} : memref<64xi32, #tpu.memory_space<vmem>>, vector<16xi32>,
        %swap3A_343 = vector.shape_cast %swap3A_342 : vector<16xi32> to vector<16xi32>
        %swap3A_344 = vector.shape_cast %shift_right_logical3A_340 : vector<16xi32> to vector<16xi32>
        tpu.vector_store %arg10[%swap3A_341], %swap3A_344 {strides = array<i32>} : memref<64xi32, #tpu.memory_space<vmem>>, vector<16xi32>,
        %get3A_345 = arith.index_cast %while3A_204 : i32 to index
        %get3A_346 = arith.constant 112 : index
        %get3A_347 = tpu.vector_load %arg6[%get3A_345, %get3A_346] {strides = array<i32>} : memref<120x128xi32, #tpu.memory_space<vmem>>, vector<1x16xi32>,
        %get3A_348 = vector.shape_cast %get3A_347 : vector<1x16xi32> to vector<16xi32>
        %and3A_349 = arith.constant 65535 : i32
        %and3A_350 = vector.broadcast %and3A_349 : i32 to vector<16xi32>
        %and3A_351 = arith.andi %get3A_348, %and3A_350 : vector<16xi32>
        %swap3A_352 = arith.constant 48 : index
        %swap3A_353 = tpu.vector_load %arg8[%swap3A_352] {strides = array<i32>} : memref<64xi32, #tpu.memory_space<vmem>>, vector<16xi32>,
        %swap3A_354 = vector.shape_cast %swap3A_353 : vector<16xi32> to vector<16xi32>
        %swap3A_355 = vector.shape_cast %and3A_351 : vector<16xi32> to vector<16xi32>
        tpu.vector_store %arg8[%swap3A_352], %swap3A_355 {strides = array<i32>} : memref<64xi32, #tpu.memory_space<vmem>>, vector<16xi32>,
        %shift_right_logical3A_356 = arith.constant 16 : i32
        %shift_right_logical3A_357 = vector.broadcast %shift_right_logical3A_356 : i32 to vector<16xi32>
        %shift_right_logical3A_358 = arith.shrui %get3A_348, %shift_right_logical3A_357 : vector<16xi32>
        %swap3A_359 = arith.constant 48 : index
        %swap3A_360 = tpu.vector_load %arg10[%swap3A_359] {strides = array<i32>} : memref<64xi32, #tpu.memory_space<vmem>>, vector<16xi32>,
        %swap3A_361 = vector.shape_cast %swap3A_360 : vector<16xi32> to vector<16xi32>
        %swap3A_362 = vector.shape_cast %shift_right_logical3A_358 : vector<16xi32> to vector<16xi32>
        tpu.vector_store %arg10[%swap3A_359], %swap3A_362 {strides = array<i32>} : memref<64xi32, #tpu.memory_space<vmem>>, vector<16xi32>,
        %add3A_363 = arith.constant 1 : i32
        %add3A_364 = arith.addi %add3A_209, %add3A_363 : i32
        %dma_start3A_365 = arith.constant 1 : i32
        %dma_start3A_366 = arith.constant 0 : i32
        %dma_start3A_367 = arith.constant 0 : i32
        %dma_start3A_368 = tpu.memref_slice %arg11[%dma_start3A_365, %dma_start3A_366, %dma_start3A_367] : memref<2x64x128xf32, #tpu.memory_space<vmem>> -> memref<1x64x128xf32, #tpu.memory_space<vmem>>
        %dma_start3A_369 = tpu.memref_squeeze %dma_start3A_368 : memref<1x64x128xf32, #tpu.memory_space<vmem>> -> memref<64x128xf32, #tpu.memory_space<vmem>>
        %dma_start3A_370 = arith.constant 0 : i32
        %dma_start3A_371 = arith.constant 0 : i32
        %dma_start3A_372 = tpu.memref_slice %arg2[%dma_start3A_370, %dma_start3A_371] : memref<10000x128xf32, #tpu.memory_space<hbm>> -> memref<10000x128xf32, #tpu.memory_space<hbm>>
        tpu.enqueue_indirect_dma source(%dma_start3A_372 : memref<10000x128xf32, #tpu.memory_space<hbm>>) target(%dma_start3A_369 : memref<64x128xf32, #tpu.memory_space<vmem>>) offsets(%arg8 : memref<64xi32, #tpu.memory_space<vmem>>) semaphore(%arg15 : memref<!tpu.dma_semaphore, #tpu.memory_space<semaphore_mem>>)
        %add3A_373 = arith.addi %select_n3A, %add3A_364 : i32
        %mul3A_374 = arith.constant 64 : i32
        %mul3A_375 = arith.muli %add3A_373, %mul3A_374 : i32
        %dma_start3A_376 = arith.constant 1 : i32
        %dma_start3A_377 = arith.constant 0 : i32
        %dma_start3A_378 = arith.constant 0 : i32
        %dma_start3A_379 = tpu.memref_slice %arg12[%dma_start3A_376, %dma_start3A_377, %dma_start3A_378] : memref<2x64x64xi32, #tpu.memory_space<vmem>> -> memref<1x64x64xi32, #tpu.memory_space<vmem>>
        %dma_start3A_380 = tpu.memref_squeeze %dma_start3A_379 : memref<1x64x64xi32, #tpu.memory_space<vmem>> -> memref<64x64xi32, #tpu.memory_space<vmem>>
        %dma_start3A_381 = arith.constant 0 : i32
        %dma_start3A_382 = tpu.memref_slice %arg3[%mul3A_375, %dma_start3A_381] : memref<327680x64xi32, #tpu.memory_space<hbm>> -> memref<64x64xi32, #tpu.memory_space<hbm>>
        %dma_start3A_383 = arith.constant 0 : i32
        %dma_start3A_384 = arith.constant 0 : i32
        %dma_start3A_385 = tpu.memref_slice %arg12[%dma_start3A_376, %dma_start3A_383, %dma_start3A_384] : memref<2x64x64xi32, #tpu.memory_space<vmem>> -> memref<1x64x64xi32, #tpu.memory_space<vmem>>
        %dma_start3A_386 = tpu.memref_squeeze %dma_start3A_385 : memref<1x64x64xi32, #tpu.memory_space<vmem>> -> memref<64x64xi32, #tpu.memory_space<vmem>>
        %dma_start3A_387 = arith.constant 0 : i32
        %dma_start3A_388 = tpu.memref_slice %arg3[%mul3A_375, %dma_start3A_387] : memref<327680x64xi32, #tpu.memory_space<hbm>> -> memref<64x64xi32, #tpu.memory_space<hbm>>
        tpu.enqueue_dma source(%dma_start3A_388 : memref<64x64xi32, #tpu.memory_space<hbm>>) target(%dma_start3A_386 : memref<64x64xi32, #tpu.memory_space<vmem>>) target_semaphore(%arg17 : memref<!tpu.dma_semaphore, #tpu.memory_space<semaphore_mem>>)
      } else {
      }
      %dma_wait3A = arith.constant 0 : i32
      %dma_wait3A_215 = arith.constant 0 : i32
      %dma_wait3A_216 = arith.constant 0 : i32
      %dma_wait3A_217 = tpu.memref_slice %arg11[%dma_wait3A, %dma_wait3A_215, %dma_wait3A_216] : memref<2x64x128xf32, #tpu.memory_space<vmem>> -> memref<1x64x128xf32, #tpu.memory_space<vmem>>
      %dma_wait3A_218 = tpu.memref_squeeze %dma_wait3A_217 : memref<1x64x128xf32, #tpu.memory_space<vmem>> -> memref<64x128xf32, #tpu.memory_space<vmem>>
      %dma_wait3A_219 = arith.constant 0 : i32
      %dma_wait3A_220 = arith.constant 0 : i32
      %dma_wait3A_221 = tpu.memref_slice %arg2[%dma_wait3A_219, %dma_wait3A_220] : memref<10000x128xf32, #tpu.memory_space<hbm>> -> memref<10000x128xf32, #tpu.memory_space<hbm>>
      tpu.wait_indirect_dma semaphore(%arg14 : memref<!tpu.dma_semaphore, #tpu.memory_space<semaphore_mem>>) src(%dma_wait3A_221 : memref<10000x128xf32, #tpu.memory_space<hbm>>) dst(%dma_wait3A_218 : memref<64x128xf32, #tpu.memory_space<vmem>>)
      %dma_wait3A_222 = arith.constant 0 : i32
      %dma_wait3A_223 = arith.constant 0 : i32
      %dma_wait3A_224 = arith.constant 0 : i32
      %dma_wait3A_225 = tpu.memref_slice %arg12[%dma_wait3A_222, %dma_wait3A_223, %dma_wait3A_224] : memref<2x64x64xi32, #tpu.memory_space<vmem>> -> memref<1x64x64xi32, #tpu.memory_space<vmem>>
      %dma_wait3A_226 = tpu.memref_squeeze %dma_wait3A_225 : memref<1x64x64xi32, #tpu.memory_space<vmem>> -> memref<64x64xi32, #tpu.memory_space<vmem>>
      %dma_wait3A_227 = arith.constant 0 : i32
      %dma_wait3A_228 = arith.constant 0 : i32
      %dma_wait3A_229 = tpu.memref_slice %arg3[%dma_wait3A_227, %dma_wait3A_228] : memref<327680x64xi32, #tpu.memory_space<hbm>> -> memref<64x64xi32, #tpu.memory_space<hbm>>
      %dma_wait3A_230 = arith.constant 0 : i32
      %dma_wait3A_231 = arith.constant 0 : i32
      %dma_wait3A_232 = tpu.memref_slice %arg12[%dma_wait3A_222, %dma_wait3A_230, %dma_wait3A_231] : memref<2x64x64xi32, #tpu.memory_space<vmem>> -> memref<1x64x64xi32, #tpu.memory_space<vmem>>
      %dma_wait3A_233 = tpu.memref_squeeze %dma_wait3A_232 : memref<1x64x64xi32, #tpu.memory_space<vmem>> -> memref<64x64xi32, #tpu.memory_space<vmem>>
      %dma_wait3A_234 = arith.constant 0 : i32
      %dma_wait3A_235 = arith.constant 0 : i32
      %dma_wait3A_236 = tpu.memref_slice %arg3[%dma_wait3A_234, %dma_wait3A_235] : memref<327680x64xi32, #tpu.memory_space<hbm>> -> memref<64x64xi32, #tpu.memory_space<hbm>>
      tpu.wait_dma2 semaphore(%arg16 : memref<!tpu.dma_semaphore, #tpu.memory_space<semaphore_mem>>) src(%dma_wait3A_236 : memref<64x64xi32, #tpu.memory_space<hbm>>) dst(%dma_wait3A_233 : memref<64x64xi32, #tpu.memory_space<vmem>>)
      %scan3A_237 = arith.constant 0 : i32
      %scan3A_238 = arith.constant 0 : i32
      %scan3A_239 = arith.constant 0 : i32
      %scan3A_240 = arith.constant 0 : i32
      %scan3A_241 = arith.constant 64 : i32
      %scan3A_242 = arith.addi %scan3A_240, %scan3A_241 : i32
      %scan3A_243 = arith.constant 1 : i32
      %scan3A_244 = scf.for %scan3A_291 = %scan3A_240 to %scan3A_242 step %scan3A_243 iter_args(%scan3A_292 = %scan3A_239) -> (i32)  : i32 {
        %get3A_293 = arith.constant 0 : i32
        %get3A_294 = arith.constant 0 : i32
        %get3A_295 = tpu.memref_slice %arg12[%scan3A_237, %get3A_293, %get3A_294] : memref<2x64x64xi32, #tpu.memory_space<vmem>> -> memref<1x64x64xi32, #tpu.memory_space<vmem>>
        %get3A_296 = tpu.memref_squeeze %get3A_295 : memref<1x64x64xi32, #tpu.memory_space<vmem>> -> memref<64x64xi32, #tpu.memory_space<vmem>>
        %get3A_297 = arith.index_cast %scan3A_291 : i32 to index
        %get3A_298 = arith.constant 0 : index
        %get3A_299 = tpu.vector_load %get3A_296[%get3A_297, %get3A_298] {strides = array<i32>} : memref<64x64xi32, #tpu.memory_space<vmem>>, vector<1x16xi32>,
        %get3A_300 = vector.shape_cast %get3A_299 : vector<1x16xi32> to vector<16xi32>
        %shift_left3A = arith.constant 16 : i32
        %shift_left3A_301 = vector.broadcast %shift_left3A : i32 to vector<16xi32>
        %shift_left3A_302 = arith.shli %get3A_300, %shift_left3A_301 : vector<16xi32>
        %bitcast_convert_type3A = tpu.bitcast %shift_left3A_302 : vector<16xi32> -> vector<16xf32>
        %and3A_303 = arith.constant -65536 : i32
        %and3A_304 = vector.broadcast %and3A_303 : i32 to vector<16xi32>
        %and3A_305 = arith.andi %get3A_300, %and3A_304 : vector<16xi32>
        %bitcast_convert_type3A_306 = tpu.bitcast %and3A_305 : vector<16xi32> -> vector<16xf32>
        %get3A_307 = arith.constant 0 : i32
        %get3A_308 = arith.constant 0 : i32
        %get3A_309 = tpu.memref_slice %arg11[%scan3A_238, %get3A_307, %get3A_308] : memref<2x64x128xf32, #tpu.memory_space<vmem>> -> memref<1x64x128xf32, #tpu.memory_space<vmem>>
        %get3A_310 = tpu.memref_squeeze %get3A_309 : memref<1x64x128xf32, #tpu.memory_space<vmem>> -> memref<64x128xf32, #tpu.memory_space<vmem>>
        %get3A_311 = arith.index_cast %scan3A_291 : i32 to index
        %get3A_312 = arith.constant 0 : index
        %get3A_313 = tpu.vector_load %get3A_310[%get3A_311, %get3A_312] {strides = array<i32>} : memref<64x128xf32, #tpu.memory_space<vmem>>, vector<1x16xf32>,
        %get3A_314 = vector.shape_cast %get3A_313 : vector<1x16xf32> to vector<16xf32>
        %add3A_315 = arith.addf %get3A_314, %bitcast_convert_type3A : vector<16xf32>
        %max3A = arith.constant 0.000000e+00 : f32
        %max3A_316 = vector.broadcast %max3A : f32 to vector<16xf32>
        %max3A_317 = arith.maximumf %add3A_315, %max3A_316 : vector<16xf32>
        %swap3A_318 = arith.constant 0 : i32
        %swap3A_319 = arith.constant 0 : i32
        %swap3A_320 = tpu.memref_slice %arg11[%scan3A_238, %swap3A_318, %swap3A_319] : memref<2x64x128xf32, #tpu.memory_space<vmem>> -> memref<1x64x128xf32, #tpu.memory_space<vmem>>
        %swap3A_321 = tpu.memref_squeeze %swap3A_320 : memref<1x64x128xf32, #tpu.memory_space<vmem>> -> memref<64x128xf32, #tpu.memory_space<vmem>>
        %swap3A_322 = arith.index_cast %scan3A_291 : i32 to index
        %swap3A_323 = arith.constant 0 : index
        %swap3A_324 = tpu.vector_load %swap3A_321[%swap3A_322, %swap3A_323] {strides = array<i32>} : memref<64x128xf32, #tpu.memory_space<vmem>>, vector<1x16xf32>,
        %swap3A_325 = vector.shape_cast %swap3A_324 : vector<1x16xf32> to vector<16xf32>
        %swap3A_326 = vector.shape_cast %max3A_317 : vector<16xf32> to vector<1x16xf32>
        tpu.vector_store %swap3A_321[%swap3A_322, %swap3A_323], %swap3A_326 {strides = array<i32>} : memref<64x128xf32, #tpu.memory_space<vmem>>, vector<1x16xf32>,
        %get3A_327 = arith.constant 0 : i32
        %get3A_328 = arith.constant 0 : i32
        %get3A_329 = tpu.memref_slice %arg11[%scan3A_238, %get3A_327, %get3A_328] : memref<2x64x128xf32, #tpu.memory_space<vmem>> -> memref<1x64x128xf32, #tpu.memory_space<vmem>>
        %get3A_330 = tpu.memref_squeeze %get3A_329 : memref<1x64x128xf32, #tpu.memory_space<vmem>> -> memref<64x128xf32, #tpu.memory_space<vmem>>
        %get3A_331 = arith.index_cast %scan3A_291 : i32 to index
        %get3A_332 = arith.constant 16 : index
        %get3A_333 = tpu.vector_load %get3A_330[%get3A_331, %get3A_332] {strides = array<i32>} : memref<64x128xf32, #tpu.memory_space<vmem>>, vector<1x16xf32>,
        %get3A_334 = vector.shape_cast %get3A_333 : vector<1x16xf32> to vector<16xf32>
        %add3A_335 = arith.addf %get3A_334, %bitcast_convert_type3A_306 : vector<16xf32>
        %max3A_336 = arith.constant 0.000000e+00 : f32
        %max3A_337 = vector.broadcast %max3A_336 : f32 to vector<16xf32>
        %max3A_338 = arith.maximumf %add3A_335, %max3A_337 : vector<16xf32>
        %swap3A_339 = arith.constant 0 : i32
        %swap3A_340 = arith.constant 0 : i32
        %swap3A_341 = tpu.memref_slice %arg11[%scan3A_238, %swap3A_339, %swap3A_340] : memref<2x64x128xf32, #tpu.memory_space<vmem>> -> memref<1x64x128xf32, #tpu.memory_space<vmem>>
        %swap3A_342 = tpu.memref_squeeze %swap3A_341 : memref<1x64x128xf32, #tpu.memory_space<vmem>> -> memref<64x128xf32, #tpu.memory_space<vmem>>
        %swap3A_343 = arith.index_cast %scan3A_291 : i32 to index
        %swap3A_344 = arith.constant 16 : index
        %swap3A_345 = tpu.vector_load %swap3A_342[%swap3A_343, %swap3A_344] {strides = array<i32>} : memref<64x128xf32, #tpu.memory_space<vmem>>, vector<1x16xf32>,
        %swap3A_346 = vector.shape_cast %swap3A_345 : vector<1x16xf32> to vector<16xf32>
        %swap3A_347 = vector.shape_cast %max3A_338 : vector<16xf32> to vector<1x16xf32>
        tpu.vector_store %swap3A_342[%swap3A_343, %swap3A_344], %swap3A_347 {strides = array<i32>} : memref<64x128xf32, #tpu.memory_space<vmem>>, vector<1x16xf32>,
        %get3A_348 = arith.constant 0 : i32
        %get3A_349 = arith.constant 0 : i32
        %get3A_350 = tpu.memref_slice %arg12[%scan3A_237, %get3A_348, %get3A_349] : memref<2x64x64xi32, #tpu.memory_space<vmem>> -> memref<1x64x64xi32, #tpu.memory_space<vmem>>
        %get3A_351 = tpu.memref_squeeze %get3A_350 : memref<1x64x64xi32, #tpu.memory_space<vmem>> -> memref<64x64xi32, #tpu.memory_space<vmem>>
        %get3A_352 = arith.index_cast %scan3A_291 : i32 to index
        %get3A_353 = arith.constant 16 : index
        %get3A_354 = tpu.vector_load %get3A_351[%get3A_352, %get3A_353] {strides = array<i32>} : memref<64x64xi32, #tpu.memory_space<vmem>>, vector<1x16xi32>,
        %get3A_355 = vector.shape_cast %get3A_354 : vector<1x16xi32> to vector<16xi32>
        %shift_left3A_356 = arith.constant 16 : i32
        %shift_left3A_357 = vector.broadcast %shift_left3A_356 : i32 to vector<16xi32>
        %shift_left3A_358 = arith.shli %get3A_355, %shift_left3A_357 : vector<16xi32>
        %bitcast_convert_type3A_359 = tpu.bitcast %shift_left3A_358 : vector<16xi32> -> vector<16xf32>
        %and3A_360 = arith.constant -65536 : i32
        %and3A_361 = vector.broadcast %and3A_360 : i32 to vector<16xi32>
        %and3A_362 = arith.andi %get3A_355, %and3A_361 : vector<16xi32>
        %bitcast_convert_type3A_363 = tpu.bitcast %and3A_362 : vector<16xi32> -> vector<16xf32>
        %get3A_364 = arith.constant 0 : i32
        %get3A_365 = arith.constant 0 : i32
        %get3A_366 = tpu.memref_slice %arg11[%scan3A_238, %get3A_364, %get3A_365] : memref<2x64x128xf32, #tpu.memory_space<vmem>> -> memref<1x64x128xf32, #tpu.memory_space<vmem>>
        %get3A_367 = tpu.memref_squeeze %get3A_366 : memref<1x64x128xf32, #tpu.memory_space<vmem>> -> memref<64x128xf32, #tpu.memory_space<vmem>>
        %get3A_368 = arith.index_cast %scan3A_291 : i32 to index
        %get3A_369 = arith.constant 32 : index
        %get3A_370 = tpu.vector_load %get3A_367[%get3A_368, %get3A_369] {strides = array<i32>} : memref<64x128xf32, #tpu.memory_space<vmem>>, vector<1x16xf32>,
        %get3A_371 = vector.shape_cast %get3A_370 : vector<1x16xf32> to vector<16xf32>
        %add3A_372 = arith.addf %get3A_371, %bitcast_convert_type3A_359 : vector<16xf32>
        %max3A_373 = arith.constant 0.000000e+00 : f32
        %max3A_374 = vector.broadcast %max3A_373 : f32 to vector<16xf32>
        %max3A_375 = arith.maximumf %add3A_372, %max3A_374 : vector<16xf32>
        %swap3A_376 = arith.constant 0 : i32
        %swap3A_377 = arith.constant 0 : i32
        %swap3A_378 = tpu.memref_slice %arg11[%scan3A_238, %swap3A_376, %swap3A_377] : memref<2x64x128xf32, #tpu.memory_space<vmem>> -> memref<1x64x128xf32, #tpu.memory_space<vmem>>
        %swap3A_379 = tpu.memref_squeeze %swap3A_378 : memref<1x64x128xf32, #tpu.memory_space<vmem>> -> memref<64x128xf32, #tpu.memory_space<vmem>>
        %swap3A_380 = arith.index_cast %scan3A_291 : i32 to index
        %swap3A_381 = arith.constant 32 : index
        %swap3A_382 = tpu.vector_load %swap3A_379[%swap3A_380, %swap3A_381] {strides = array<i32>} : memref<64x128xf32, #tpu.memory_space<vmem>>, vector<1x16xf32>,
        %swap3A_383 = vector.shape_cast %swap3A_382 : vector<1x16xf32> to vector<16xf32>
        %swap3A_384 = vector.shape_cast %max3A_375 : vector<16xf32> to vector<1x16xf32>
        tpu.vector_store %swap3A_379[%swap3A_380, %swap3A_381], %swap3A_384 {strides = array<i32>} : memref<64x128xf32, #tpu.memory_space<vmem>>, vector<1x16xf32>,
        %get3A_385 = arith.constant 0 : i32
        %get3A_386 = arith.constant 0 : i32
        %get3A_387 = tpu.memref_slice %arg11[%scan3A_238, %get3A_385, %get3A_386] : memref<2x64x128xf32, #tpu.memory_space<vmem>> -> memref<1x64x128xf32, #tpu.memory_space<vmem>>
        %get3A_388 = tpu.memref_squeeze %get3A_387 : memref<1x64x128xf32, #tpu.memory_space<vmem>> -> memref<64x128xf32, #tpu.memory_space<vmem>>
        %get3A_389 = arith.index_cast %scan3A_291 : i32 to index
        %get3A_390 = arith.constant 48 : index
        %get3A_391 = tpu.vector_load %get3A_388[%get3A_389, %get3A_390] {strides = array<i32>} : memref<64x128xf32, #tpu.memory_space<vmem>>, vector<1x16xf32>,
        %get3A_392 = vector.shape_cast %get3A_391 : vector<1x16xf32> to vector<16xf32>
        %add3A_393 = arith.addf %get3A_392, %bitcast_convert_type3A_363 : vector<16xf32>
        %max3A_394 = arith.constant 0.000000e+00 : f32
        %max3A_395 = vector.broadcast %max3A_394 : f32 to vector<16xf32>
        %max3A_396 = arith.maximumf %add3A_393, %max3A_395 : vector<16xf32>
        %swap3A_397 = arith.constant 0 : i32
        %swap3A_398 = arith.constant 0 : i32
        %swap3A_399 = tpu.memref_slice %arg11[%scan3A_238, %swap3A_397, %swap3A_398] : memref<2x64x128xf32, #tpu.memory_space<vmem>> -> memref<1x64x128xf32, #tpu.memory_space<vmem>>
        %swap3A_400 = tpu.memref_squeeze %swap3A_399 : memref<1x64x128xf32, #tpu.memory_space<vmem>> -> memref<64x128xf32, #tpu.memory_space<vmem>>
        %swap3A_401 = arith.index_cast %scan3A_291 : i32 to index
        %swap3A_402 = arith.constant 48 : index
        %swap3A_403 = tpu.vector_load %swap3A_400[%swap3A_401, %swap3A_402] {strides = array<i32>} : memref<64x128xf32, #tpu.memory_space<vmem>>, vector<1x16xf32>,
        %swap3A_404 = vector.shape_cast %swap3A_403 : vector<1x16xf32> to vector<16xf32>
        %swap3A_405 = vector.shape_cast %max3A_396 : vector<16xf32> to vector<1x16xf32>
        tpu.vector_store %swap3A_400[%swap3A_401, %swap3A_402], %swap3A_405 {strides = array<i32>} : memref<64x128xf32, #tpu.memory_space<vmem>>, vector<1x16xf32>,
        %get3A_406 = arith.constant 0 : i32
        %get3A_407 = arith.constant 0 : i32
        %get3A_408 = tpu.memref_slice %arg12[%scan3A_237, %get3A_406, %get3A_407] : memref<2x64x64xi32, #tpu.memory_space<vmem>> -> memref<1x64x64xi32, #tpu.memory_space<vmem>>
        %get3A_409 = tpu.memref_squeeze %get3A_408 : memref<1x64x64xi32, #tpu.memory_space<vmem>> -> memref<64x64xi32, #tpu.memory_space<vmem>>
        %get3A_410 = arith.index_cast %scan3A_291 : i32 to index
        %get3A_411 = arith.constant 32 : index
        %get3A_412 = tpu.vector_load %get3A_409[%get3A_410, %get3A_411] {strides = array<i32>} : memref<64x64xi32, #tpu.memory_space<vmem>>, vector<1x16xi32>,
        %get3A_413 = vector.shape_cast %get3A_412 : vector<1x16xi32> to vector<16xi32>
        %shift_left3A_414 = arith.constant 16 : i32
        %shift_left3A_415 = vector.broadcast %shift_left3A_414 : i32 to vector<16xi32>
        %shift_left3A_416 = arith.shli %get3A_413, %shift_left3A_415 : vector<16xi32>
        %bitcast_convert_type3A_417 = tpu.bitcast %shift_left3A_416 : vector<16xi32> -> vector<16xf32>
        %and3A_418 = arith.constant -65536 : i32
        %and3A_419 = vector.broadcast %and3A_418 : i32 to vector<16xi32>
        %and3A_420 = arith.andi %get3A_413, %and3A_419 : vector<16xi32>
        %bitcast_convert_type3A_421 = tpu.bitcast %and3A_420 : vector<16xi32> -> vector<16xf32>
        %get3A_422 = arith.constant 0 : i32
        %get3A_423 = arith.constant 0 : i32
        %get3A_424 = tpu.memref_slice %arg11[%scan3A_238, %get3A_422, %get3A_423] : memref<2x64x128xf32, #tpu.memory_space<vmem>> -> memref<1x64x128xf32, #tpu.memory_space<vmem>>
        %get3A_425 = tpu.memref_squeeze %get3A_424 : memref<1x64x128xf32, #tpu.memory_space<vmem>> -> memref<64x128xf32, #tpu.memory_space<vmem>>
        %get3A_426 = arith.index_cast %scan3A_291 : i32 to index
        %get3A_427 = arith.constant 64 : index
        %get3A_428 = tpu.vector_load %get3A_425[%get3A_426, %get3A_427] {strides = array<i32>} : memref<64x128xf32, #tpu.memory_space<vmem>>, vector<1x16xf32>,
        %get3A_429 = vector.shape_cast %get3A_428 : vector<1x16xf32> to vector<16xf32>
        %add3A_430 = arith.addf %get3A_429, %bitcast_convert_type3A_417 : vector<16xf32>
        %max3A_431 = arith.constant 0.000000e+00 : f32
        %max3A_432 = vector.broadcast %max3A_431 : f32 to vector<16xf32>
        %max3A_433 = arith.maximumf %add3A_430, %max3A_432 : vector<16xf32>
        %swap3A_434 = arith.constant 0 : i32
        %swap3A_435 = arith.constant 0 : i32
        %swap3A_436 = tpu.memref_slice %arg11[%scan3A_238, %swap3A_434, %swap3A_435] : memref<2x64x128xf32, #tpu.memory_space<vmem>> -> memref<1x64x128xf32, #tpu.memory_space<vmem>>
        %swap3A_437 = tpu.memref_squeeze %swap3A_436 : memref<1x64x128xf32, #tpu.memory_space<vmem>> -> memref<64x128xf32, #tpu.memory_space<vmem>>
        %swap3A_438 = arith.index_cast %scan3A_291 : i32 to index
        %swap3A_439 = arith.constant 64 : index
        %swap3A_440 = tpu.vector_load %swap3A_437[%swap3A_438, %swap3A_439] {strides = array<i32>} : memref<64x128xf32, #tpu.memory_space<vmem>>, vector<1x16xf32>,
        %swap3A_441 = vector.shape_cast %swap3A_440 : vector<1x16xf32> to vector<16xf32>
        %swap3A_442 = vector.shape_cast %max3A_433 : vector<16xf32> to vector<1x16xf32>
        tpu.vector_store %swap3A_437[%swap3A_438, %swap3A_439], %swap3A_442 {strides = array<i32>} : memref<64x128xf32, #tpu.memory_space<vmem>>, vector<1x16xf32>,
        %get3A_443 = arith.constant 0 : i32
        %get3A_444 = arith.constant 0 : i32
        %get3A_445 = tpu.memref_slice %arg11[%scan3A_238, %get3A_443, %get3A_444] : memref<2x64x128xf32, #tpu.memory_space<vmem>> -> memref<1x64x128xf32, #tpu.memory_space<vmem>>
        %get3A_446 = tpu.memref_squeeze %get3A_445 : memref<1x64x128xf32, #tpu.memory_space<vmem>> -> memref<64x128xf32, #tpu.memory_space<vmem>>
        %get3A_447 = arith.index_cast %scan3A_291 : i32 to index
        %get3A_448 = arith.constant 80 : index
        %get3A_449 = tpu.vector_load %get3A_446[%get3A_447, %get3A_448] {strides = array<i32>} : memref<64x128xf32, #tpu.memory_space<vmem>>, vector<1x16xf32>,
        %get3A_450 = vector.shape_cast %get3A_449 : vector<1x16xf32> to vector<16xf32>
        %add3A_451 = arith.addf %get3A_450, %bitcast_convert_type3A_421 : vector<16xf32>
        %max3A_452 = arith.constant 0.000000e+00 : f32
        %max3A_453 = vector.broadcast %max3A_452 : f32 to vector<16xf32>
        %max3A_454 = arith.maximumf %add3A_451, %max3A_453 : vector<16xf32>
        %swap3A_455 = arith.constant 0 : i32
        %swap3A_456 = arith.constant 0 : i32
        %swap3A_457 = tpu.memref_slice %arg11[%scan3A_238, %swap3A_455, %swap3A_456] : memref<2x64x128xf32, #tpu.memory_space<vmem>> -> memref<1x64x128xf32, #tpu.memory_space<vmem>>
        %swap3A_458 = tpu.memref_squeeze %swap3A_457 : memref<1x64x128xf32, #tpu.memory_space<vmem>> -> memref<64x128xf32, #tpu.memory_space<vmem>>
        %swap3A_459 = arith.index_cast %scan3A_291 : i32 to index
        %swap3A_460 = arith.constant 80 : index
        %swap3A_461 = tpu.vector_load %swap3A_458[%swap3A_459, %swap3A_460] {strides = array<i32>} : memref<64x128xf32, #tpu.memory_space<vmem>>, vector<1x16xf32>,
        %swap3A_462 = vector.shape_cast %swap3A_461 : vector<1x16xf32> to vector<16xf32>
        %swap3A_463 = vector.shape_cast %max3A_454 : vector<16xf32> to vector<1x16xf32>
        tpu.vector_store %swap3A_458[%swap3A_459, %swap3A_460], %swap3A_463 {strides = array<i32>} : memref<64x128xf32, #tpu.memory_space<vmem>>, vector<1x16xf32>,
        %get3A_464 = arith.constant 0 : i32
        %get3A_465 = arith.constant 0 : i32
        %get3A_466 = tpu.memref_slice %arg12[%scan3A_237, %get3A_464, %get3A_465] : memref<2x64x64xi32, #tpu.memory_space<vmem>> -> memref<1x64x64xi32, #tpu.memory_space<vmem>>
        %get3A_467 = tpu.memref_squeeze %get3A_466 : memref<1x64x64xi32, #tpu.memory_space<vmem>> -> memref<64x64xi32, #tpu.memory_space<vmem>>
        %get3A_468 = arith.index_cast %scan3A_291 : i32 to index
        %get3A_469 = arith.constant 48 : index
        %get3A_470 = tpu.vector_load %get3A_467[%get3A_468, %get3A_469] {strides = array<i32>} : memref<64x64xi32, #tpu.memory_space<vmem>>, vector<1x16xi32>,
        %get3A_471 = vector.shape_cast %get3A_470 : vector<1x16xi32> to vector<16xi32>
        %shift_left3A_472 = arith.constant 16 : i32
        %shift_left3A_473 = vector.broadcast %shift_left3A_472 : i32 to vector<16xi32>
        %shift_left3A_474 = arith.shli %get3A_471, %shift_left3A_473 : vector<16xi32>
        %bitcast_convert_type3A_475 = tpu.bitcast %shift_left3A_474 : vector<16xi32> -> vector<16xf32>
        %and3A_476 = arith.constant -65536 : i32
        %and3A_477 = vector.broadcast %and3A_476 : i32 to vector<16xi32>
        %and3A_478 = arith.andi %get3A_471, %and3A_477 : vector<16xi32>
        %bitcast_convert_type3A_479 = tpu.bitcast %and3A_478 : vector<16xi32> -> vector<16xf32>
        %get3A_480 = arith.constant 0 : i32
        %get3A_481 = arith.constant 0 : i32
        %get3A_482 = tpu.memref_slice %arg11[%scan3A_238, %get3A_480, %get3A_481] : memref<2x64x128xf32, #tpu.memory_space<vmem>> -> memref<1x64x128xf32, #tpu.memory_space<vmem>>
        %get3A_483 = tpu.memref_squeeze %get3A_482 : memref<1x64x128xf32, #tpu.memory_space<vmem>> -> memref<64x128xf32, #tpu.memory_space<vmem>>
        %get3A_484 = arith.index_cast %scan3A_291 : i32 to index
        %get3A_485 = arith.constant 96 : index
        %get3A_486 = tpu.vector_load %get3A_483[%get3A_484, %get3A_485] {strides = array<i32>} : memref<64x128xf32, #tpu.memory_space<vmem>>, vector<1x16xf32>,
        %get3A_487 = vector.shape_cast %get3A_486 : vector<1x16xf32> to vector<16xf32>
        %add3A_488 = arith.addf %get3A_487, %bitcast_convert_type3A_475 : vector<16xf32>
        %max3A_489 = arith.constant 0.000000e+00 : f32
        %max3A_490 = vector.broadcast %max3A_489 : f32 to vector<16xf32>
        %max3A_491 = arith.maximumf %add3A_488, %max3A_490 : vector<16xf32>
        %swap3A_492 = arith.constant 0 : i32
        %swap3A_493 = arith.constant 0 : i32
        %swap3A_494 = tpu.memref_slice %arg11[%scan3A_238, %swap3A_492, %swap3A_493] : memref<2x64x128xf32, #tpu.memory_space<vmem>> -> memref<1x64x128xf32, #tpu.memory_space<vmem>>
        %swap3A_495 = tpu.memref_squeeze %swap3A_494 : memref<1x64x128xf32, #tpu.memory_space<vmem>> -> memref<64x128xf32, #tpu.memory_space<vmem>>
        %swap3A_496 = arith.index_cast %scan3A_291 : i32 to index
        %swap3A_497 = arith.constant 96 : index
        %swap3A_498 = tpu.vector_load %swap3A_495[%swap3A_496, %swap3A_497] {strides = array<i32>} : memref<64x128xf32, #tpu.memory_space<vmem>>, vector<1x16xf32>,
        %swap3A_499 = vector.shape_cast %swap3A_498 : vector<1x16xf32> to vector<16xf32>
        %swap3A_500 = vector.shape_cast %max3A_491 : vector<16xf32> to vector<1x16xf32>
        tpu.vector_store %swap3A_495[%swap3A_496, %swap3A_497], %swap3A_500 {strides = array<i32>} : memref<64x128xf32, #tpu.memory_space<vmem>>, vector<1x16xf32>,
        %get3A_501 = arith.constant 0 : i32
        %get3A_502 = arith.constant 0 : i32
        %get3A_503 = tpu.memref_slice %arg11[%scan3A_238, %get3A_501, %get3A_502] : memref<2x64x128xf32, #tpu.memory_space<vmem>> -> memref<1x64x128xf32, #tpu.memory_space<vmem>>
        %get3A_504 = tpu.memref_squeeze %get3A_503 : memref<1x64x128xf32, #tpu.memory_space<vmem>> -> memref<64x128xf32, #tpu.memory_space<vmem>>
        %get3A_505 = arith.index_cast %scan3A_291 : i32 to index
        %get3A_506 = arith.constant 112 : index
        %get3A_507 = tpu.vector_load %get3A_504[%get3A_505, %get3A_506] {strides = array<i32>} : memref<64x128xf32, #tpu.memory_space<vmem>>, vector<1x16xf32>,
        %get3A_508 = vector.shape_cast %get3A_507 : vector<1x16xf32> to vector<16xf32>
        %add3A_509 = arith.addf %get3A_508, %bitcast_convert_type3A_479 : vector<16xf32>
        %max3A_510 = arith.constant 0.000000e+00 : f32
        %max3A_511 = vector.broadcast %max3A_510 : f32 to vector<16xf32>
        %max3A_512 = arith.maximumf %add3A_509, %max3A_511 : vector<16xf32>
        %swap3A_513 = arith.constant 0 : i32
        %swap3A_514 = arith.constant 0 : i32
        %swap3A_515 = tpu.memref_slice %arg11[%scan3A_238, %swap3A_513, %swap3A_514] : memref<2x64x128xf32, #tpu.memory_space<vmem>> -> memref<1x64x128xf32, #tpu.memory_space<vmem>>
        %swap3A_516 = tpu.memref_squeeze %swap3A_515 : memref<1x64x128xf32, #tpu.memory_space<vmem>> -> memref<64x128xf32, #tpu.memory_space<vmem>>
        %swap3A_517 = arith.index_cast %scan3A_291 : i32 to index
        %swap3A_518 = arith.constant 112 : index
        %swap3A_519 = tpu.vector_load %swap3A_516[%swap3A_517, %swap3A_518] {strides = array<i32>} : memref<64x128xf32, #tpu.memory_space<vmem>>, vector<1x16xf32>,
        %swap3A_520 = vector.shape_cast %swap3A_519 : vector<1x16xf32> to vector<16xf32>
        %swap3A_521 = vector.shape_cast %max3A_512 : vector<16xf32> to vector<1x16xf32>
        tpu.vector_store %swap3A_516[%swap3A_517, %swap3A_518], %swap3A_521 {strides = array<i32>} : memref<64x128xf32, #tpu.memory_space<vmem>>, vector<1x16xf32>,
        %scan3A_522 = arith.constant 0 : i32
        scf.yield %scan3A_522 : i32
      }
      %scan3A_245 = arith.constant 64 : i32
      %run_scoped3A_246 = arith.constant 0 : i32
      "tpu.region"() ({
        %run_scoped3A_291 = tpu.sem_alloc : memref<!tpu.dma_semaphore, #tpu.memory_space<semaphore_mem>>
        %dma_start3A_292 = arith.constant 0 : i32
        %dma_start3A_293 = arith.constant 0 : i32
        %dma_start3A_294 = tpu.memref_slice %arg11[%run_scoped3A_246, %dma_start3A_292, %dma_start3A_293] : memref<2x64x128xf32, #tpu.memory_space<vmem>> -> memref<1x64x128xf32, #tpu.memory_space<vmem>>
        %dma_start3A_295 = tpu.memref_squeeze %dma_start3A_294 : memref<1x64x128xf32, #tpu.memory_space<vmem>> -> memref<64x128xf32, #tpu.memory_space<vmem>>
        %dma_start3A_296 = arith.constant 0 : i32
        %dma_start3A_297 = arith.constant 0 : i32
        %dma_start3A_298 = tpu.memref_slice %arg13[%dma_start3A_296, %dma_start3A_297] : memref<10240x128xf32, #tpu.memory_space<vmem_shared>> -> memref<10240x128xf32, #tpu.memory_space<vmem_shared>>
        tpu.enqueue_indirect_dma source(%dma_start3A_295 : memref<64x128xf32, #tpu.memory_space<vmem>>) target(%dma_start3A_298 : memref<10240x128xf32, #tpu.memory_space<vmem_shared>>) offsets(%arg9 : memref<64xi32, #tpu.memory_space<vmem>>) semaphore(%run_scoped3A_291 : memref<!tpu.dma_semaphore, #tpu.memory_space<semaphore_mem>>) {add = true}
        %dma_wait3A_299 = arith.constant 0 : i32
        %dma_wait3A_300 = arith.constant 0 : i32
        %dma_wait3A_301 = tpu.memref_slice %arg11[%run_scoped3A_246, %dma_wait3A_299, %dma_wait3A_300] : memref<2x64x128xf32, #tpu.memory_space<vmem>> -> memref<1x64x128xf32, #tpu.memory_space<vmem>>
        %dma_wait3A_302 = tpu.memref_squeeze %dma_wait3A_301 : memref<1x64x128xf32, #tpu.memory_space<vmem>> -> memref<64x128xf32, #tpu.memory_space<vmem>>
        %dma_wait3A_303 = arith.constant 0 : i32
        %dma_wait3A_304 = arith.constant 0 : i32
        %dma_wait3A_305 = tpu.memref_slice %arg13[%dma_wait3A_303, %dma_wait3A_304] : memref<10240x128xf32, #tpu.memory_space<vmem_shared>> -> memref<10240x128xf32, #tpu.memory_space<vmem_shared>>
        tpu.wait_indirect_dma semaphore(%run_scoped3A_291 : memref<!tpu.dma_semaphore, #tpu.memory_space<semaphore_mem>>) src(%dma_wait3A_302 : memref<64x128xf32, #tpu.memory_space<vmem>>) dst(%dma_wait3A_305 : memref<10240x128xf32, #tpu.memory_space<vmem_shared>>)
        tpu.yield
      }) : () -> ()
      %mul3A_247 = arith.constant 2 : i32
      %mul3A_248 = arith.muli %while3A_204, %mul3A_247 : i32
      %add3A_249 = arith.constant 1 : i32
      %add3A_250 = arith.addi %mul3A_248, %add3A_249 : i32
      %add3A_251 = arith.constant 1 : i32
      %add3A_252 = arith.addi %add3A_250, %add3A_251 : i32
      %lt3A_253 = arith.cmpi slt, %add3A_252, %select_n3A_8 : i32
      %convert_element_type3A_254 = arith.extui %lt3A_253 : i1 to i32
      %cond3A_255 = arith.constant 0 : i32
      %cond3A_256 = arith.cmpi ne, %convert_element_type3A_254, %cond3A_255 : i32
      scf.if %cond3A_256 {
        %add3A_291 = arith.constant 1 : i32
        %add3A_292 = arith.addi %while3A_204, %add3A_291 : i32
        %get3A_293 = arith.index_cast %add3A_292 : i32 to index
        %get3A_294 = arith.constant 0 : index
        %get3A_295 = tpu.vector_load %arg6[%get3A_293, %get3A_294] {strides = array<i32>} : memref<120x128xi32, #tpu.memory_space<vmem>>, vector<1x16xi32>,
        %get3A_296 = vector.shape_cast %get3A_295 : vector<1x16xi32> to vector<16xi32>
        %and3A_297 = arith.constant 65535 : i32
        %and3A_298 = vector.broadcast %and3A_297 : i32 to vector<16xi32>
        %and3A_299 = arith.andi %get3A_296, %and3A_298 : vector<16xi32>
        %swap3A_300 = arith.constant 0 : index
        %swap3A_301 = tpu.vector_load %arg7[%swap3A_300] {strides = array<i32>} : memref<64xi32, #tpu.memory_space<vmem>>, vector<16xi32>,
        %swap3A_302 = vector.shape_cast %swap3A_301 : vector<16xi32> to vector<16xi32>
        %swap3A_303 = vector.shape_cast %and3A_299 : vector<16xi32> to vector<16xi32>
        tpu.vector_store %arg7[%swap3A_300], %swap3A_303 {strides = array<i32>} : memref<64xi32, #tpu.memory_space<vmem>>, vector<16xi32>,
        %shift_right_logical3A_304 = arith.constant 16 : i32
        %shift_right_logical3A_305 = vector.broadcast %shift_right_logical3A_304 : i32 to vector<16xi32>
        %shift_right_logical3A_306 = arith.shrui %get3A_296, %shift_right_logical3A_305 : vector<16xi32>
        %swap3A_307 = arith.constant 0 : index
        %swap3A_308 = tpu.vector_load %arg9[%swap3A_307] {strides = array<i32>} : memref<64xi32, #tpu.memory_space<vmem>>, vector<16xi32>,
        %swap3A_309 = vector.shape_cast %swap3A_308 : vector<16xi32> to vector<16xi32>
        %swap3A_310 = vector.shape_cast %shift_right_logical3A_306 : vector<16xi32> to vector<16xi32>
        tpu.vector_store %arg9[%swap3A_307], %swap3A_310 {strides = array<i32>} : memref<64xi32, #tpu.memory_space<vmem>>, vector<16xi32>,
        %get3A_311 = arith.index_cast %add3A_292 : i32 to index
        %get3A_312 = arith.constant 16 : index
        %get3A_313 = tpu.vector_load %arg6[%get3A_311, %get3A_312] {strides = array<i32>} : memref<120x128xi32, #tpu.memory_space<vmem>>, vector<1x16xi32>,
        %get3A_314 = vector.shape_cast %get3A_313 : vector<1x16xi32> to vector<16xi32>
        %and3A_315 = arith.constant 65535 : i32
        %and3A_316 = vector.broadcast %and3A_315 : i32 to vector<16xi32>
        %and3A_317 = arith.andi %get3A_314, %and3A_316 : vector<16xi32>
        %swap3A_318 = arith.constant 16 : index
        %swap3A_319 = tpu.vector_load %arg7[%swap3A_318] {strides = array<i32>} : memref<64xi32, #tpu.memory_space<vmem>>, vector<16xi32>,
        %swap3A_320 = vector.shape_cast %swap3A_319 : vector<16xi32> to vector<16xi32>
        %swap3A_321 = vector.shape_cast %and3A_317 : vector<16xi32> to vector<16xi32>
        tpu.vector_store %arg7[%swap3A_318], %swap3A_321 {strides = array<i32>} : memref<64xi32, #tpu.memory_space<vmem>>, vector<16xi32>,
        %shift_right_logical3A_322 = arith.constant 16 : i32
        %shift_right_logical3A_323 = vector.broadcast %shift_right_logical3A_322 : i32 to vector<16xi32>
        %shift_right_logical3A_324 = arith.shrui %get3A_314, %shift_right_logical3A_323 : vector<16xi32>
        %swap3A_325 = arith.constant 16 : index
        %swap3A_326 = tpu.vector_load %arg9[%swap3A_325] {strides = array<i32>} : memref<64xi32, #tpu.memory_space<vmem>>, vector<16xi32>,
        %swap3A_327 = vector.shape_cast %swap3A_326 : vector<16xi32> to vector<16xi32>
        %swap3A_328 = vector.shape_cast %shift_right_logical3A_324 : vector<16xi32> to vector<16xi32>
        tpu.vector_store %arg9[%swap3A_325], %swap3A_328 {strides = array<i32>} : memref<64xi32, #tpu.memory_space<vmem>>, vector<16xi32>,
        %get3A_329 = arith.index_cast %add3A_292 : i32 to index
        %get3A_330 = arith.constant 32 : index
        %get3A_331 = tpu.vector_load %arg6[%get3A_329, %get3A_330] {strides = array<i32>} : memref<120x128xi32, #tpu.memory_space<vmem>>, vector<1x16xi32>,
        %get3A_332 = vector.shape_cast %get3A_331 : vector<1x16xi32> to vector<16xi32>
        %and3A_333 = arith.constant 65535 : i32
        %and3A_334 = vector.broadcast %and3A_333 : i32 to vector<16xi32>
        %and3A_335 = arith.andi %get3A_332, %and3A_334 : vector<16xi32>
        %swap3A_336 = arith.constant 32 : index
        %swap3A_337 = tpu.vector_load %arg7[%swap3A_336] {strides = array<i32>} : memref<64xi32, #tpu.memory_space<vmem>>, vector<16xi32>,
        %swap3A_338 = vector.shape_cast %swap3A_337 : vector<16xi32> to vector<16xi32>
        %swap3A_339 = vector.shape_cast %and3A_335 : vector<16xi32> to vector<16xi32>
        tpu.vector_store %arg7[%swap3A_336], %swap3A_339 {strides = array<i32>} : memref<64xi32, #tpu.memory_space<vmem>>, vector<16xi32>,
        %shift_right_logical3A_340 = arith.constant 16 : i32
        %shift_right_logical3A_341 = vector.broadcast %shift_right_logical3A_340 : i32 to vector<16xi32>
        %shift_right_logical3A_342 = arith.shrui %get3A_332, %shift_right_logical3A_341 : vector<16xi32>
        %swap3A_343 = arith.constant 32 : index
        %swap3A_344 = tpu.vector_load %arg9[%swap3A_343] {strides = array<i32>} : memref<64xi32, #tpu.memory_space<vmem>>, vector<16xi32>,
        %swap3A_345 = vector.shape_cast %swap3A_344 : vector<16xi32> to vector<16xi32>
        %swap3A_346 = vector.shape_cast %shift_right_logical3A_342 : vector<16xi32> to vector<16xi32>
        tpu.vector_store %arg9[%swap3A_343], %swap3A_346 {strides = array<i32>} : memref<64xi32, #tpu.memory_space<vmem>>, vector<16xi32>,
        %get3A_347 = arith.index_cast %add3A_292 : i32 to index
        %get3A_348 = arith.constant 48 : index
        %get3A_349 = tpu.vector_load %arg6[%get3A_347, %get3A_348] {strides = array<i32>} : memref<120x128xi32, #tpu.memory_space<vmem>>, vector<1x16xi32>,
        %get3A_350 = vector.shape_cast %get3A_349 : vector<1x16xi32> to vector<16xi32>
        %and3A_351 = arith.constant 65535 : i32
        %and3A_352 = vector.broadcast %and3A_351 : i32 to vector<16xi32>
        %and3A_353 = arith.andi %get3A_350, %and3A_352 : vector<16xi32>
        %swap3A_354 = arith.constant 48 : index
        %swap3A_355 = tpu.vector_load %arg7[%swap3A_354] {strides = array<i32>} : memref<64xi32, #tpu.memory_space<vmem>>, vector<16xi32>,
        %swap3A_356 = vector.shape_cast %swap3A_355 : vector<16xi32> to vector<16xi32>
        %swap3A_357 = vector.shape_cast %and3A_353 : vector<16xi32> to vector<16xi32>
        tpu.vector_store %arg7[%swap3A_354], %swap3A_357 {strides = array<i32>} : memref<64xi32, #tpu.memory_space<vmem>>, vector<16xi32>,
        %shift_right_logical3A_358 = arith.constant 16 : i32
        %shift_right_logical3A_359 = vector.broadcast %shift_right_logical3A_358 : i32 to vector<16xi32>
        %shift_right_logical3A_360 = arith.shrui %get3A_350, %shift_right_logical3A_359 : vector<16xi32>
        %swap3A_361 = arith.constant 48 : index
        %swap3A_362 = tpu.vector_load %arg9[%swap3A_361] {strides = array<i32>} : memref<64xi32, #tpu.memory_space<vmem>>, vector<16xi32>,
        %swap3A_363 = vector.shape_cast %swap3A_362 : vector<16xi32> to vector<16xi32>
        %swap3A_364 = vector.shape_cast %shift_right_logical3A_360 : vector<16xi32> to vector<16xi32>
        tpu.vector_store %arg9[%swap3A_361], %swap3A_364 {strides = array<i32>} : memref<64xi32, #tpu.memory_space<vmem>>, vector<16xi32>,
        %add3A_365 = arith.constant 1 : i32
        %add3A_366 = arith.addi %add3A_250, %add3A_365 : i32
        %dma_start3A_367 = arith.constant 0 : i32
        %dma_start3A_368 = arith.constant 0 : i32
        %dma_start3A_369 = arith.constant 0 : i32
        %dma_start3A_370 = tpu.memref_slice %arg11[%dma_start3A_367, %dma_start3A_368, %dma_start3A_369] : memref<2x64x128xf32, #tpu.memory_space<vmem>> -> memref<1x64x128xf32, #tpu.memory_space<vmem>>
        %dma_start3A_371 = tpu.memref_squeeze %dma_start3A_370 : memref<1x64x128xf32, #tpu.memory_space<vmem>> -> memref<64x128xf32, #tpu.memory_space<vmem>>
        %dma_start3A_372 = arith.constant 0 : i32
        %dma_start3A_373 = arith.constant 0 : i32
        %dma_start3A_374 = tpu.memref_slice %arg2[%dma_start3A_372, %dma_start3A_373] : memref<10000x128xf32, #tpu.memory_space<hbm>> -> memref<10000x128xf32, #tpu.memory_space<hbm>>
        tpu.enqueue_indirect_dma source(%dma_start3A_374 : memref<10000x128xf32, #tpu.memory_space<hbm>>) target(%dma_start3A_371 : memref<64x128xf32, #tpu.memory_space<vmem>>) offsets(%arg7 : memref<64xi32, #tpu.memory_space<vmem>>) semaphore(%arg14 : memref<!tpu.dma_semaphore, #tpu.memory_space<semaphore_mem>>)
        %add3A_375 = arith.addi %select_n3A, %add3A_366 : i32
        %mul3A_376 = arith.constant 64 : i32
        %mul3A_377 = arith.muli %add3A_375, %mul3A_376 : i32
        %dma_start3A_378 = arith.constant 0 : i32
        %dma_start3A_379 = arith.constant 0 : i32
        %dma_start3A_380 = arith.constant 0 : i32
        %dma_start3A_381 = tpu.memref_slice %arg12[%dma_start3A_378, %dma_start3A_379, %dma_start3A_380] : memref<2x64x64xi32, #tpu.memory_space<vmem>> -> memref<1x64x64xi32, #tpu.memory_space<vmem>>
        %dma_start3A_382 = tpu.memref_squeeze %dma_start3A_381 : memref<1x64x64xi32, #tpu.memory_space<vmem>> -> memref<64x64xi32, #tpu.memory_space<vmem>>
        %dma_start3A_383 = arith.constant 0 : i32
        %dma_start3A_384 = tpu.memref_slice %arg3[%mul3A_377, %dma_start3A_383] : memref<327680x64xi32, #tpu.memory_space<hbm>> -> memref<64x64xi32, #tpu.memory_space<hbm>>
        %dma_start3A_385 = arith.constant 0 : i32
        %dma_start3A_386 = arith.constant 0 : i32
        %dma_start3A_387 = tpu.memref_slice %arg12[%dma_start3A_378, %dma_start3A_385, %dma_start3A_386] : memref<2x64x64xi32, #tpu.memory_space<vmem>> -> memref<1x64x64xi32, #tpu.memory_space<vmem>>
        %dma_start3A_388 = tpu.memref_squeeze %dma_start3A_387 : memref<1x64x64xi32, #tpu.memory_space<vmem>> -> memref<64x64xi32, #tpu.memory_space<vmem>>
        %dma_start3A_389 = arith.constant 0 : i32
        %dma_start3A_390 = tpu.memref_slice %arg3[%mul3A_377, %dma_start3A_389] : memref<327680x64xi32, #tpu.memory_space<hbm>> -> memref<64x64xi32, #tpu.memory_space<hbm>>
        tpu.enqueue_dma source(%dma_start3A_390 : memref<64x64xi32, #tpu.memory_space<hbm>>) target(%dma_start3A_388 : memref<64x64xi32, #tpu.memory_space<vmem>>) target_semaphore(%arg16 : memref<!tpu.dma_semaphore, #tpu.memory_space<semaphore_mem>>)
      } else {
      }
      %dma_wait3A_257 = arith.constant 1 : i32
      %dma_wait3A_258 = arith.constant 0 : i32
      %dma_wait3A_259 = arith.constant 0 : i32
      %dma_wait3A_260 = tpu.memref_slice %arg11[%dma_wait3A_257, %dma_wait3A_258, %dma_wait3A_259] : memref<2x64x128xf32, #tpu.memory_space<vmem>> -> memref<1x64x128xf32, #tpu.memory_space<vmem>>
      %dma_wait3A_261 = tpu.memref_squeeze %dma_wait3A_260 : memref<1x64x128xf32, #tpu.memory_space<vmem>> -> memref<64x128xf32, #tpu.memory_space<vmem>>
      %dma_wait3A_262 = arith.constant 0 : i32
      %dma_wait3A_263 = arith.constant 0 : i32
      %dma_wait3A_264 = tpu.memref_slice %arg2[%dma_wait3A_262, %dma_wait3A_263] : memref<10000x128xf32, #tpu.memory_space<hbm>> -> memref<10000x128xf32, #tpu.memory_space<hbm>>
      tpu.wait_indirect_dma semaphore(%arg15 : memref<!tpu.dma_semaphore, #tpu.memory_space<semaphore_mem>>) src(%dma_wait3A_264 : memref<10000x128xf32, #tpu.memory_space<hbm>>) dst(%dma_wait3A_261 : memref<64x128xf32, #tpu.memory_space<vmem>>)
      %dma_wait3A_265 = arith.constant 1 : i32
      %dma_wait3A_266 = arith.constant 0 : i32
      %dma_wait3A_267 = arith.constant 0 : i32
      %dma_wait3A_268 = tpu.memref_slice %arg12[%dma_wait3A_265, %dma_wait3A_266, %dma_wait3A_267] : memref<2x64x64xi32, #tpu.memory_space<vmem>> -> memref<1x64x64xi32, #tpu.memory_space<vmem>>
      %dma_wait3A_269 = tpu.memref_squeeze %dma_wait3A_268 : memref<1x64x64xi32, #tpu.memory_space<vmem>> -> memref<64x64xi32, #tpu.memory_space<vmem>>
      %dma_wait3A_270 = arith.constant 0 : i32
      %dma_wait3A_271 = arith.constant 0 : i32
      %dma_wait3A_272 = tpu.memref_slice %arg3[%dma_wait3A_270, %dma_wait3A_271] : memref<327680x64xi32, #tpu.memory_space<hbm>> -> memref<64x64xi32, #tpu.memory_space<hbm>>
      %dma_wait3A_273 = arith.constant 0 : i32
      %dma_wait3A_274 = arith.constant 0 : i32
      %dma_wait3A_275 = tpu.memref_slice %arg12[%dma_wait3A_265, %dma_wait3A_273, %dma_wait3A_274] : memref<2x64x64xi32, #tpu.memory_space<vmem>> -> memref<1x64x64xi32, #tpu.memory_space<vmem>>
      %dma_wait3A_276 = tpu.memref_squeeze %dma_wait3A_275 : memref<1x64x64xi32, #tpu.memory_space<vmem>> -> memref<64x64xi32, #tpu.memory_space<vmem>>
      %dma_wait3A_277 = arith.constant 0 : i32
      %dma_wait3A_278 = arith.constant 0 : i32
      %dma_wait3A_279 = tpu.memref_slice %arg3[%dma_wait3A_277, %dma_wait3A_278] : memref<327680x64xi32, #tpu.memory_space<hbm>> -> memref<64x64xi32, #tpu.memory_space<hbm>>
      tpu.wait_dma2 semaphore(%arg17 : memref<!tpu.dma_semaphore, #tpu.memory_space<semaphore_mem>>) src(%dma_wait3A_279 : memref<64x64xi32, #tpu.memory_space<hbm>>) dst(%dma_wait3A_276 : memref<64x64xi32, #tpu.memory_space<vmem>>)
      %scan3A_280 = arith.constant 1 : i32
      %scan3A_281 = arith.constant 1 : i32
      %scan3A_282 = arith.constant 0 : i32
      %scan3A_283 = arith.constant 0 : i32
      %scan3A_284 = arith.constant 64 : i32
      %scan3A_285 = arith.addi %scan3A_283, %scan3A_284 : i32
      %scan3A_286 = arith.constant 1 : i32
      %scan3A_287 = scf.for %scan3A_291 = %scan3A_283 to %scan3A_285 step %scan3A_286 iter_args(%scan3A_292 = %scan3A_282) -> (i32)  : i32 {
        %get3A_293 = arith.constant 0 : i32
        %get3A_294 = arith.constant 0 : i32
        %get3A_295 = tpu.memref_slice %arg12[%scan3A_280, %get3A_293, %get3A_294] : memref<2x64x64xi32, #tpu.memory_space<vmem>> -> memref<1x64x64xi32, #tpu.memory_space<vmem>>
        %get3A_296 = tpu.memref_squeeze %get3A_295 : memref<1x64x64xi32, #tpu.memory_space<vmem>> -> memref<64x64xi32, #tpu.memory_space<vmem>>
        %get3A_297 = arith.index_cast %scan3A_291 : i32 to index
        %get3A_298 = arith.constant 0 : index
        %get3A_299 = tpu.vector_load %get3A_296[%get3A_297, %get3A_298] {strides = array<i32>} : memref<64x64xi32, #tpu.memory_space<vmem>>, vector<1x16xi32>,
        %get3A_300 = vector.shape_cast %get3A_299 : vector<1x16xi32> to vector<16xi32>
        %shift_left3A = arith.constant 16 : i32
        %shift_left3A_301 = vector.broadcast %shift_left3A : i32 to vector<16xi32>
        %shift_left3A_302 = arith.shli %get3A_300, %shift_left3A_301 : vector<16xi32>
        %bitcast_convert_type3A = tpu.bitcast %shift_left3A_302 : vector<16xi32> -> vector<16xf32>
        %and3A_303 = arith.constant -65536 : i32
        %and3A_304 = vector.broadcast %and3A_303 : i32 to vector<16xi32>
        %and3A_305 = arith.andi %get3A_300, %and3A_304 : vector<16xi32>
        %bitcast_convert_type3A_306 = tpu.bitcast %and3A_305 : vector<16xi32> -> vector<16xf32>
        %get3A_307 = arith.constant 0 : i32
        %get3A_308 = arith.constant 0 : i32
        %get3A_309 = tpu.memref_slice %arg11[%scan3A_281, %get3A_307, %get3A_308] : memref<2x64x128xf32, #tpu.memory_space<vmem>> -> memref<1x64x128xf32, #tpu.memory_space<vmem>>
        %get3A_310 = tpu.memref_squeeze %get3A_309 : memref<1x64x128xf32, #tpu.memory_space<vmem>> -> memref<64x128xf32, #tpu.memory_space<vmem>>
        %get3A_311 = arith.index_cast %scan3A_291 : i32 to index
        %get3A_312 = arith.constant 0 : index
        %get3A_313 = tpu.vector_load %get3A_310[%get3A_311, %get3A_312] {strides = array<i32>} : memref<64x128xf32, #tpu.memory_space<vmem>>, vector<1x16xf32>,
        %get3A_314 = vector.shape_cast %get3A_313 : vector<1x16xf32> to vector<16xf32>
        %add3A_315 = arith.addf %get3A_314, %bitcast_convert_type3A : vector<16xf32>
        %max3A = arith.constant 0.000000e+00 : f32
        %max3A_316 = vector.broadcast %max3A : f32 to vector<16xf32>
        %max3A_317 = arith.maximumf %add3A_315, %max3A_316 : vector<16xf32>
        %swap3A_318 = arith.constant 0 : i32
        %swap3A_319 = arith.constant 0 : i32
        %swap3A_320 = tpu.memref_slice %arg11[%scan3A_281, %swap3A_318, %swap3A_319] : memref<2x64x128xf32, #tpu.memory_space<vmem>> -> memref<1x64x128xf32, #tpu.memory_space<vmem>>
        %swap3A_321 = tpu.memref_squeeze %swap3A_320 : memref<1x64x128xf32, #tpu.memory_space<vmem>> -> memref<64x128xf32, #tpu.memory_space<vmem>>
        %swap3A_322 = arith.index_cast %scan3A_291 : i32 to index
        %swap3A_323 = arith.constant 0 : index
        %swap3A_324 = tpu.vector_load %swap3A_321[%swap3A_322, %swap3A_323] {strides = array<i32>} : memref<64x128xf32, #tpu.memory_space<vmem>>, vector<1x16xf32>,
        %swap3A_325 = vector.shape_cast %swap3A_324 : vector<1x16xf32> to vector<16xf32>
        %swap3A_326 = vector.shape_cast %max3A_317 : vector<16xf32> to vector<1x16xf32>
        tpu.vector_store %swap3A_321[%swap3A_322, %swap3A_323], %swap3A_326 {strides = array<i32>} : memref<64x128xf32, #tpu.memory_space<vmem>>, vector<1x16xf32>,
        %get3A_327 = arith.constant 0 : i32
        %get3A_328 = arith.constant 0 : i32
        %get3A_329 = tpu.memref_slice %arg11[%scan3A_281, %get3A_327, %get3A_328] : memref<2x64x128xf32, #tpu.memory_space<vmem>> -> memref<1x64x128xf32, #tpu.memory_space<vmem>>
        %get3A_330 = tpu.memref_squeeze %get3A_329 : memref<1x64x128xf32, #tpu.memory_space<vmem>> -> memref<64x128xf32, #tpu.memory_space<vmem>>
        %get3A_331 = arith.index_cast %scan3A_291 : i32 to index
        %get3A_332 = arith.constant 16 : index
        %get3A_333 = tpu.vector_load %get3A_330[%get3A_331, %get3A_332] {strides = array<i32>} : memref<64x128xf32, #tpu.memory_space<vmem>>, vector<1x16xf32>,
        %get3A_334 = vector.shape_cast %get3A_333 : vector<1x16xf32> to vector<16xf32>
        %add3A_335 = arith.addf %get3A_334, %bitcast_convert_type3A_306 : vector<16xf32>
        %max3A_336 = arith.constant 0.000000e+00 : f32
        %max3A_337 = vector.broadcast %max3A_336 : f32 to vector<16xf32>
        %max3A_338 = arith.maximumf %add3A_335, %max3A_337 : vector<16xf32>
        %swap3A_339 = arith.constant 0 : i32
        %swap3A_340 = arith.constant 0 : i32
        %swap3A_341 = tpu.memref_slice %arg11[%scan3A_281, %swap3A_339, %swap3A_340] : memref<2x64x128xf32, #tpu.memory_space<vmem>> -> memref<1x64x128xf32, #tpu.memory_space<vmem>>
        %swap3A_342 = tpu.memref_squeeze %swap3A_341 : memref<1x64x128xf32, #tpu.memory_space<vmem>> -> memref<64x128xf32, #tpu.memory_space<vmem>>
        %swap3A_343 = arith.index_cast %scan3A_291 : i32 to index
        %swap3A_344 = arith.constant 16 : index
        %swap3A_345 = tpu.vector_load %swap3A_342[%swap3A_343, %swap3A_344] {strides = array<i32>} : memref<64x128xf32, #tpu.memory_space<vmem>>, vector<1x16xf32>,
        %swap3A_346 = vector.shape_cast %swap3A_345 : vector<1x16xf32> to vector<16xf32>
        %swap3A_347 = vector.shape_cast %max3A_338 : vector<16xf32> to vector<1x16xf32>
        tpu.vector_store %swap3A_342[%swap3A_343, %swap3A_344], %swap3A_347 {strides = array<i32>} : memref<64x128xf32, #tpu.memory_space<vmem>>, vector<1x16xf32>,
        %get3A_348 = arith.constant 0 : i32
        %get3A_349 = arith.constant 0 : i32
        %get3A_350 = tpu.memref_slice %arg12[%scan3A_280, %get3A_348, %get3A_349] : memref<2x64x64xi32, #tpu.memory_space<vmem>> -> memref<1x64x64xi32, #tpu.memory_space<vmem>>
        %get3A_351 = tpu.memref_squeeze %get3A_350 : memref<1x64x64xi32, #tpu.memory_space<vmem>> -> memref<64x64xi32, #tpu.memory_space<vmem>>
        %get3A_352 = arith.index_cast %scan3A_291 : i32 to index
        %get3A_353 = arith.constant 16 : index
        %get3A_354 = tpu.vector_load %get3A_351[%get3A_352, %get3A_353] {strides = array<i32>} : memref<64x64xi32, #tpu.memory_space<vmem>>, vector<1x16xi32>,
        %get3A_355 = vector.shape_cast %get3A_354 : vector<1x16xi32> to vector<16xi32>
        %shift_left3A_356 = arith.constant 16 : i32
        %shift_left3A_357 = vector.broadcast %shift_left3A_356 : i32 to vector<16xi32>
        %shift_left3A_358 = arith.shli %get3A_355, %shift_left3A_357 : vector<16xi32>
        %bitcast_convert_type3A_359 = tpu.bitcast %shift_left3A_358 : vector<16xi32> -> vector<16xf32>
        %and3A_360 = arith.constant -65536 : i32
        %and3A_361 = vector.broadcast %and3A_360 : i32 to vector<16xi32>
        %and3A_362 = arith.andi %get3A_355, %and3A_361 : vector<16xi32>
        %bitcast_convert_type3A_363 = tpu.bitcast %and3A_362 : vector<16xi32> -> vector<16xf32>
        %get3A_364 = arith.constant 0 : i32
        %get3A_365 = arith.constant 0 : i32
        %get3A_366 = tpu.memref_slice %arg11[%scan3A_281, %get3A_364, %get3A_365] : memref<2x64x128xf32, #tpu.memory_space<vmem>> -> memref<1x64x128xf32, #tpu.memory_space<vmem>>
        %get3A_367 = tpu.memref_squeeze %get3A_366 : memref<1x64x128xf32, #tpu.memory_space<vmem>> -> memref<64x128xf32, #tpu.memory_space<vmem>>
        %get3A_368 = arith.index_cast %scan3A_291 : i32 to index
        %get3A_369 = arith.constant 32 : index
        %get3A_370 = tpu.vector_load %get3A_367[%get3A_368, %get3A_369] {strides = array<i32>} : memref<64x128xf32, #tpu.memory_space<vmem>>, vector<1x16xf32>,
        %get3A_371 = vector.shape_cast %get3A_370 : vector<1x16xf32> to vector<16xf32>
        %add3A_372 = arith.addf %get3A_371, %bitcast_convert_type3A_359 : vector<16xf32>
        %max3A_373 = arith.constant 0.000000e+00 : f32
        %max3A_374 = vector.broadcast %max3A_373 : f32 to vector<16xf32>
        %max3A_375 = arith.maximumf %add3A_372, %max3A_374 : vector<16xf32>
        %swap3A_376 = arith.constant 0 : i32
        %swap3A_377 = arith.constant 0 : i32
        %swap3A_378 = tpu.memref_slice %arg11[%scan3A_281, %swap3A_376, %swap3A_377] : memref<2x64x128xf32, #tpu.memory_space<vmem>> -> memref<1x64x128xf32, #tpu.memory_space<vmem>>
        %swap3A_379 = tpu.memref_squeeze %swap3A_378 : memref<1x64x128xf32, #tpu.memory_space<vmem>> -> memref<64x128xf32, #tpu.memory_space<vmem>>
        %swap3A_380 = arith.index_cast %scan3A_291 : i32 to index
        %swap3A_381 = arith.constant 32 : index
        %swap3A_382 = tpu.vector_load %swap3A_379[%swap3A_380, %swap3A_381] {strides = array<i32>} : memref<64x128xf32, #tpu.memory_space<vmem>>, vector<1x16xf32>,
        %swap3A_383 = vector.shape_cast %swap3A_382 : vector<1x16xf32> to vector<16xf32>
        %swap3A_384 = vector.shape_cast %max3A_375 : vector<16xf32> to vector<1x16xf32>
        tpu.vector_store %swap3A_379[%swap3A_380, %swap3A_381], %swap3A_384 {strides = array<i32>} : memref<64x128xf32, #tpu.memory_space<vmem>>, vector<1x16xf32>,
        %get3A_385 = arith.constant 0 : i32
        %get3A_386 = arith.constant 0 : i32
        %get3A_387 = tpu.memref_slice %arg11[%scan3A_281, %get3A_385, %get3A_386] : memref<2x64x128xf32, #tpu.memory_space<vmem>> -> memref<1x64x128xf32, #tpu.memory_space<vmem>>
        %get3A_388 = tpu.memref_squeeze %get3A_387 : memref<1x64x128xf32, #tpu.memory_space<vmem>> -> memref<64x128xf32, #tpu.memory_space<vmem>>
        %get3A_389 = arith.index_cast %scan3A_291 : i32 to index
        %get3A_390 = arith.constant 48 : index
        %get3A_391 = tpu.vector_load %get3A_388[%get3A_389, %get3A_390] {strides = array<i32>} : memref<64x128xf32, #tpu.memory_space<vmem>>, vector<1x16xf32>,
        %get3A_392 = vector.shape_cast %get3A_391 : vector<1x16xf32> to vector<16xf32>
        %add3A_393 = arith.addf %get3A_392, %bitcast_convert_type3A_363 : vector<16xf32>
        %max3A_394 = arith.constant 0.000000e+00 : f32
        %max3A_395 = vector.broadcast %max3A_394 : f32 to vector<16xf32>
        %max3A_396 = arith.maximumf %add3A_393, %max3A_395 : vector<16xf32>
        %swap3A_397 = arith.constant 0 : i32
        %swap3A_398 = arith.constant 0 : i32
        %swap3A_399 = tpu.memref_slice %arg11[%scan3A_281, %swap3A_397, %swap3A_398] : memref<2x64x128xf32, #tpu.memory_space<vmem>> -> memref<1x64x128xf32, #tpu.memory_space<vmem>>
        %swap3A_400 = tpu.memref_squeeze %swap3A_399 : memref<1x64x128xf32, #tpu.memory_space<vmem>> -> memref<64x128xf32, #tpu.memory_space<vmem>>
        %swap3A_401 = arith.index_cast %scan3A_291 : i32 to index
        %swap3A_402 = arith.constant 48 : index
        %swap3A_403 = tpu.vector_load %swap3A_400[%swap3A_401, %swap3A_402] {strides = array<i32>} : memref<64x128xf32, #tpu.memory_space<vmem>>, vector<1x16xf32>,
        %swap3A_404 = vector.shape_cast %swap3A_403 : vector<1x16xf32> to vector<16xf32>
        %swap3A_405 = vector.shape_cast %max3A_396 : vector<16xf32> to vector<1x16xf32>
        tpu.vector_store %swap3A_400[%swap3A_401, %swap3A_402], %swap3A_405 {strides = array<i32>} : memref<64x128xf32, #tpu.memory_space<vmem>>, vector<1x16xf32>,
        %get3A_406 = arith.constant 0 : i32
        %get3A_407 = arith.constant 0 : i32
        %get3A_408 = tpu.memref_slice %arg12[%scan3A_280, %get3A_406, %get3A_407] : memref<2x64x64xi32, #tpu.memory_space<vmem>> -> memref<1x64x64xi32, #tpu.memory_space<vmem>>
        %get3A_409 = tpu.memref_squeeze %get3A_408 : memref<1x64x64xi32, #tpu.memory_space<vmem>> -> memref<64x64xi32, #tpu.memory_space<vmem>>
        %get3A_410 = arith.index_cast %scan3A_291 : i32 to index
        %get3A_411 = arith.constant 32 : index
        %get3A_412 = tpu.vector_load %get3A_409[%get3A_410, %get3A_411] {strides = array<i32>} : memref<64x64xi32, #tpu.memory_space<vmem>>, vector<1x16xi32>,
        %get3A_413 = vector.shape_cast %get3A_412 : vector<1x16xi32> to vector<16xi32>
        %shift_left3A_414 = arith.constant 16 : i32
        %shift_left3A_415 = vector.broadcast %shift_left3A_414 : i32 to vector<16xi32>
        %shift_left3A_416 = arith.shli %get3A_413, %shift_left3A_415 : vector<16xi32>
        %bitcast_convert_type3A_417 = tpu.bitcast %shift_left3A_416 : vector<16xi32> -> vector<16xf32>
        %and3A_418 = arith.constant -65536 : i32
        %and3A_419 = vector.broadcast %and3A_418 : i32 to vector<16xi32>
        %and3A_420 = arith.andi %get3A_413, %and3A_419 : vector<16xi32>
        %bitcast_convert_type3A_421 = tpu.bitcast %and3A_420 : vector<16xi32> -> vector<16xf32>
        %get3A_422 = arith.constant 0 : i32
        %get3A_423 = arith.constant 0 : i32
        %get3A_424 = tpu.memref_slice %arg11[%scan3A_281, %get3A_422, %get3A_423] : memref<2x64x128xf32, #tpu.memory_space<vmem>> -> memref<1x64x128xf32, #tpu.memory_space<vmem>>
        %get3A_425 = tpu.memref_squeeze %get3A_424 : memref<1x64x128xf32, #tpu.memory_space<vmem>> -> memref<64x128xf32, #tpu.memory_space<vmem>>
        %get3A_426 = arith.index_cast %scan3A_291 : i32 to index
        %get3A_427 = arith.constant 64 : index
        %get3A_428 = tpu.vector_load %get3A_425[%get3A_426, %get3A_427] {strides = array<i32>} : memref<64x128xf32, #tpu.memory_space<vmem>>, vector<1x16xf32>,
        %get3A_429 = vector.shape_cast %get3A_428 : vector<1x16xf32> to vector<16xf32>
        %add3A_430 = arith.addf %get3A_429, %bitcast_convert_type3A_417 : vector<16xf32>
        %max3A_431 = arith.constant 0.000000e+00 : f32
        %max3A_432 = vector.broadcast %max3A_431 : f32 to vector<16xf32>
        %max3A_433 = arith.maximumf %add3A_430, %max3A_432 : vector<16xf32>
        %swap3A_434 = arith.constant 0 : i32
        %swap3A_435 = arith.constant 0 : i32
        %swap3A_436 = tpu.memref_slice %arg11[%scan3A_281, %swap3A_434, %swap3A_435] : memref<2x64x128xf32, #tpu.memory_space<vmem>> -> memref<1x64x128xf32, #tpu.memory_space<vmem>>
        %swap3A_437 = tpu.memref_squeeze %swap3A_436 : memref<1x64x128xf32, #tpu.memory_space<vmem>> -> memref<64x128xf32, #tpu.memory_space<vmem>>
        %swap3A_438 = arith.index_cast %scan3A_291 : i32 to index
        %swap3A_439 = arith.constant 64 : index
        %swap3A_440 = tpu.vector_load %swap3A_437[%swap3A_438, %swap3A_439] {strides = array<i32>} : memref<64x128xf32, #tpu.memory_space<vmem>>, vector<1x16xf32>,
        %swap3A_441 = vector.shape_cast %swap3A_440 : vector<1x16xf32> to vector<16xf32>
        %swap3A_442 = vector.shape_cast %max3A_433 : vector<16xf32> to vector<1x16xf32>
        tpu.vector_store %swap3A_437[%swap3A_438, %swap3A_439], %swap3A_442 {strides = array<i32>} : memref<64x128xf32, #tpu.memory_space<vmem>>, vector<1x16xf32>,
        %get3A_443 = arith.constant 0 : i32
        %get3A_444 = arith.constant 0 : i32
        %get3A_445 = tpu.memref_slice %arg11[%scan3A_281, %get3A_443, %get3A_444] : memref<2x64x128xf32, #tpu.memory_space<vmem>> -> memref<1x64x128xf32, #tpu.memory_space<vmem>>
        %get3A_446 = tpu.memref_squeeze %get3A_445 : memref<1x64x128xf32, #tpu.memory_space<vmem>> -> memref<64x128xf32, #tpu.memory_space<vmem>>
        %get3A_447 = arith.index_cast %scan3A_291 : i32 to index
        %get3A_448 = arith.constant 80 : index
        %get3A_449 = tpu.vector_load %get3A_446[%get3A_447, %get3A_448] {strides = array<i32>} : memref<64x128xf32, #tpu.memory_space<vmem>>, vector<1x16xf32>,
        %get3A_450 = vector.shape_cast %get3A_449 : vector<1x16xf32> to vector<16xf32>
        %add3A_451 = arith.addf %get3A_450, %bitcast_convert_type3A_421 : vector<16xf32>
        %max3A_452 = arith.constant 0.000000e+00 : f32
        %max3A_453 = vector.broadcast %max3A_452 : f32 to vector<16xf32>
        %max3A_454 = arith.maximumf %add3A_451, %max3A_453 : vector<16xf32>
        %swap3A_455 = arith.constant 0 : i32
        %swap3A_456 = arith.constant 0 : i32
        %swap3A_457 = tpu.memref_slice %arg11[%scan3A_281, %swap3A_455, %swap3A_456] : memref<2x64x128xf32, #tpu.memory_space<vmem>> -> memref<1x64x128xf32, #tpu.memory_space<vmem>>
        %swap3A_458 = tpu.memref_squeeze %swap3A_457 : memref<1x64x128xf32, #tpu.memory_space<vmem>> -> memref<64x128xf32, #tpu.memory_space<vmem>>
        %swap3A_459 = arith.index_cast %scan3A_291 : i32 to index
        %swap3A_460 = arith.constant 80 : index
        %swap3A_461 = tpu.vector_load %swap3A_458[%swap3A_459, %swap3A_460] {strides = array<i32>} : memref<64x128xf32, #tpu.memory_space<vmem>>, vector<1x16xf32>,
        %swap3A_462 = vector.shape_cast %swap3A_461 : vector<1x16xf32> to vector<16xf32>
        %swap3A_463 = vector.shape_cast %max3A_454 : vector<16xf32> to vector<1x16xf32>
        tpu.vector_store %swap3A_458[%swap3A_459, %swap3A_460], %swap3A_463 {strides = array<i32>} : memref<64x128xf32, #tpu.memory_space<vmem>>, vector<1x16xf32>,
        %get3A_464 = arith.constant 0 : i32
        %get3A_465 = arith.constant 0 : i32
        %get3A_466 = tpu.memref_slice %arg12[%scan3A_280, %get3A_464, %get3A_465] : memref<2x64x64xi32, #tpu.memory_space<vmem>> -> memref<1x64x64xi32, #tpu.memory_space<vmem>>
        %get3A_467 = tpu.memref_squeeze %get3A_466 : memref<1x64x64xi32, #tpu.memory_space<vmem>> -> memref<64x64xi32, #tpu.memory_space<vmem>>
        %get3A_468 = arith.index_cast %scan3A_291 : i32 to index
        %get3A_469 = arith.constant 48 : index
        %get3A_470 = tpu.vector_load %get3A_467[%get3A_468, %get3A_469] {strides = array<i32>} : memref<64x64xi32, #tpu.memory_space<vmem>>, vector<1x16xi32>,
        %get3A_471 = vector.shape_cast %get3A_470 : vector<1x16xi32> to vector<16xi32>
        %shift_left3A_472 = arith.constant 16 : i32
        %shift_left3A_473 = vector.broadcast %shift_left3A_472 : i32 to vector<16xi32>
        %shift_left3A_474 = arith.shli %get3A_471, %shift_left3A_473 : vector<16xi32>
        %bitcast_convert_type3A_475 = tpu.bitcast %shift_left3A_474 : vector<16xi32> -> vector<16xf32>
        %and3A_476 = arith.constant -65536 : i32
        %and3A_477 = vector.broadcast %and3A_476 : i32 to vector<16xi32>
        %and3A_478 = arith.andi %get3A_471, %and3A_477 : vector<16xi32>
        %bitcast_convert_type3A_479 = tpu.bitcast %and3A_478 : vector<16xi32> -> vector<16xf32>
        %get3A_480 = arith.constant 0 : i32
        %get3A_481 = arith.constant 0 : i32
        %get3A_482 = tpu.memref_slice %arg11[%scan3A_281, %get3A_480, %get3A_481] : memref<2x64x128xf32, #tpu.memory_space<vmem>> -> memref<1x64x128xf32, #tpu.memory_space<vmem>>
        %get3A_483 = tpu.memref_squeeze %get3A_482 : memref<1x64x128xf32, #tpu.memory_space<vmem>> -> memref<64x128xf32, #tpu.memory_space<vmem>>
        %get3A_484 = arith.index_cast %scan3A_291 : i32 to index
        %get3A_485 = arith.constant 96 : index
        %get3A_486 = tpu.vector_load %get3A_483[%get3A_484, %get3A_485] {strides = array<i32>} : memref<64x128xf32, #tpu.memory_space<vmem>>, vector<1x16xf32>,
        %get3A_487 = vector.shape_cast %get3A_486 : vector<1x16xf32> to vector<16xf32>
        %add3A_488 = arith.addf %get3A_487, %bitcast_convert_type3A_475 : vector<16xf32>
        %max3A_489 = arith.constant 0.000000e+00 : f32
        %max3A_490 = vector.broadcast %max3A_489 : f32 to vector<16xf32>
        %max3A_491 = arith.maximumf %add3A_488, %max3A_490 : vector<16xf32>
        %swap3A_492 = arith.constant 0 : i32
        %swap3A_493 = arith.constant 0 : i32
        %swap3A_494 = tpu.memref_slice %arg11[%scan3A_281, %swap3A_492, %swap3A_493] : memref<2x64x128xf32, #tpu.memory_space<vmem>> -> memref<1x64x128xf32, #tpu.memory_space<vmem>>
        %swap3A_495 = tpu.memref_squeeze %swap3A_494 : memref<1x64x128xf32, #tpu.memory_space<vmem>> -> memref<64x128xf32, #tpu.memory_space<vmem>>
        %swap3A_496 = arith.index_cast %scan3A_291 : i32 to index
        %swap3A_497 = arith.constant 96 : index
        %swap3A_498 = tpu.vector_load %swap3A_495[%swap3A_496, %swap3A_497] {strides = array<i32>} : memref<64x128xf32, #tpu.memory_space<vmem>>, vector<1x16xf32>,
        %swap3A_499 = vector.shape_cast %swap3A_498 : vector<1x16xf32> to vector<16xf32>
        %swap3A_500 = vector.shape_cast %max3A_491 : vector<16xf32> to vector<1x16xf32>
        tpu.vector_store %swap3A_495[%swap3A_496, %swap3A_497], %swap3A_500 {strides = array<i32>} : memref<64x128xf32, #tpu.memory_space<vmem>>, vector<1x16xf32>,
        %get3A_501 = arith.constant 0 : i32
        %get3A_502 = arith.constant 0 : i32
        %get3A_503 = tpu.memref_slice %arg11[%scan3A_281, %get3A_501, %get3A_502] : memref<2x64x128xf32, #tpu.memory_space<vmem>> -> memref<1x64x128xf32, #tpu.memory_space<vmem>>
        %get3A_504 = tpu.memref_squeeze %get3A_503 : memref<1x64x128xf32, #tpu.memory_space<vmem>> -> memref<64x128xf32, #tpu.memory_space<vmem>>
        %get3A_505 = arith.index_cast %scan3A_291 : i32 to index
        %get3A_506 = arith.constant 112 : index
        %get3A_507 = tpu.vector_load %get3A_504[%get3A_505, %get3A_506] {strides = array<i32>} : memref<64x128xf32, #tpu.memory_space<vmem>>, vector<1x16xf32>,
        %get3A_508 = vector.shape_cast %get3A_507 : vector<1x16xf32> to vector<16xf32>
        %add3A_509 = arith.addf %get3A_508, %bitcast_convert_type3A_479 : vector<16xf32>
        %max3A_510 = arith.constant 0.000000e+00 : f32
        %max3A_511 = vector.broadcast %max3A_510 : f32 to vector<16xf32>
        %max3A_512 = arith.maximumf %add3A_509, %max3A_511 : vector<16xf32>
        %swap3A_513 = arith.constant 0 : i32
        %swap3A_514 = arith.constant 0 : i32
        %swap3A_515 = tpu.memref_slice %arg11[%scan3A_281, %swap3A_513, %swap3A_514] : memref<2x64x128xf32, #tpu.memory_space<vmem>> -> memref<1x64x128xf32, #tpu.memory_space<vmem>>
        %swap3A_516 = tpu.memref_squeeze %swap3A_515 : memref<1x64x128xf32, #tpu.memory_space<vmem>> -> memref<64x128xf32, #tpu.memory_space<vmem>>
        %swap3A_517 = arith.index_cast %scan3A_291 : i32 to index
        %swap3A_518 = arith.constant 112 : index
        %swap3A_519 = tpu.vector_load %swap3A_516[%swap3A_517, %swap3A_518] {strides = array<i32>} : memref<64x128xf32, #tpu.memory_space<vmem>>, vector<1x16xf32>,
        %swap3A_520 = vector.shape_cast %swap3A_519 : vector<1x16xf32> to vector<16xf32>
        %swap3A_521 = vector.shape_cast %max3A_512 : vector<16xf32> to vector<1x16xf32>
        tpu.vector_store %swap3A_516[%swap3A_517, %swap3A_518], %swap3A_521 {strides = array<i32>} : memref<64x128xf32, #tpu.memory_space<vmem>>, vector<1x16xf32>,
        %scan3A_522 = arith.constant 0 : i32
        scf.yield %scan3A_522 : i32
      }
      %scan3A_288 = arith.constant 64 : i32
      %run_scoped3A_289 = arith.constant 1 : i32
      "tpu.region"() ({
        %run_scoped3A_291 = tpu.sem_alloc : memref<!tpu.dma_semaphore, #tpu.memory_space<semaphore_mem>>
        %dma_start3A_292 = arith.constant 0 : i32
        %dma_start3A_293 = arith.constant 0 : i32
        %dma_start3A_294 = tpu.memref_slice %arg11[%run_scoped3A_289, %dma_start3A_292, %dma_start3A_293] : memref<2x64x128xf32, #tpu.memory_space<vmem>> -> memref<1x64x128xf32, #tpu.memory_space<vmem>>
        %dma_start3A_295 = tpu.memref_squeeze %dma_start3A_294 : memref<1x64x128xf32, #tpu.memory_space<vmem>> -> memref<64x128xf32, #tpu.memory_space<vmem>>
        %dma_start3A_296 = arith.constant 0 : i32
        %dma_start3A_297 = arith.constant 0 : i32
        %dma_start3A_298 = tpu.memref_slice %arg13[%dma_start3A_296, %dma_start3A_297] : memref<10240x128xf32, #tpu.memory_space<vmem_shared>> -> memref<10240x128xf32, #tpu.memory_space<vmem_shared>>
        tpu.enqueue_indirect_dma source(%dma_start3A_295 : memref<64x128xf32, #tpu.memory_space<vmem>>) target(%dma_start3A_298 : memref<10240x128xf32, #tpu.memory_space<vmem_shared>>) offsets(%arg10 : memref<64xi32, #tpu.memory_space<vmem>>) semaphore(%run_scoped3A_291 : memref<!tpu.dma_semaphore, #tpu.memory_space<semaphore_mem>>) {add = true}
        %dma_wait3A_299 = arith.constant 0 : i32
        %dma_wait3A_300 = arith.constant 0 : i32
        %dma_wait3A_301 = tpu.memref_slice %arg11[%run_scoped3A_289, %dma_wait3A_299, %dma_wait3A_300] : memref<2x64x128xf32, #tpu.memory_space<vmem>> -> memref<1x64x128xf32, #tpu.memory_space<vmem>>
        %dma_wait3A_302 = tpu.memref_squeeze %dma_wait3A_301 : memref<1x64x128xf32, #tpu.memory_space<vmem>> -> memref<64x128xf32, #tpu.memory_space<vmem>>
        %dma_wait3A_303 = arith.constant 0 : i32
        %dma_wait3A_304 = arith.constant 0 : i32
        %dma_wait3A_305 = tpu.memref_slice %arg13[%dma_wait3A_303, %dma_wait3A_304] : memref<10240x128xf32, #tpu.memory_space<vmem_shared>> -> memref<10240x128xf32, #tpu.memory_space<vmem_shared>>
        tpu.wait_indirect_dma semaphore(%run_scoped3A_291 : memref<!tpu.dma_semaphore, #tpu.memory_space<semaphore_mem>>) src(%dma_wait3A_302 : memref<64x128xf32, #tpu.memory_space<vmem>>) dst(%dma_wait3A_305 : memref<10240x128xf32, #tpu.memory_space<vmem_shared>>)
        tpu.yield
      }) : () -> ()
      %while3A_290 = arith.constant 0 : i32
      scf.yield %while3A_290 : i32
    }
    %while3A_197 = arith.constant 1 : i32
    %while3A_198 = scf.for %while3A_204 = %while3A_194 to %while3A_190 step %while3A_197 iter_args(%while3A_205 = %while3A_196) -> (i32)  : i32 {
      %mul3A_206 = arith.constant 2 : i32
      %mul3A_207 = arith.muli %while3A_204, %mul3A_206 : i32
      %add3A_208 = arith.constant 0 : i32
      %add3A_209 = arith.addi %mul3A_207, %add3A_208 : i32
      %add3A_210 = arith.constant 1 : i32
      %add3A_211 = arith.addi %add3A_209, %add3A_210 : i32
      %lt3A = arith.cmpi slt, %add3A_211, %select_n3A_8 : i32
      %convert_element_type3A_212 = arith.extui %lt3A : i1 to i32
      %cond3A_213 = arith.constant 0 : i32
      %cond3A_214 = arith.cmpi ne, %convert_element_type3A_212, %cond3A_213 : i32
      scf.if %cond3A_214 {
        %get3A_291 = arith.index_cast %while3A_204 : i32 to index
        %get3A_292 = arith.constant 64 : index
        %get3A_293 = tpu.vector_load %arg6[%get3A_291, %get3A_292] {strides = array<i32>} : memref<120x128xi32, #tpu.memory_space<vmem>>, vector<1x16xi32>,
        %get3A_294 = vector.shape_cast %get3A_293 : vector<1x16xi32> to vector<16xi32>
        %and3A_295 = arith.constant 65535 : i32
        %and3A_296 = vector.broadcast %and3A_295 : i32 to vector<16xi32>
        %and3A_297 = arith.andi %get3A_294, %and3A_296 : vector<16xi32>
        %swap3A_298 = arith.constant 0 : index
        %swap3A_299 = tpu.vector_load %arg8[%swap3A_298] {strides = array<i32>} : memref<64xi32, #tpu.memory_space<vmem>>, vector<16xi32>,
        %swap3A_300 = vector.shape_cast %swap3A_299 : vector<16xi32> to vector<16xi32>
        %swap3A_301 = vector.shape_cast %and3A_297 : vector<16xi32> to vector<16xi32>
        tpu.vector_store %arg8[%swap3A_298], %swap3A_301 {strides = array<i32>} : memref<64xi32, #tpu.memory_space<vmem>>, vector<16xi32>,
        %shift_right_logical3A_302 = arith.constant 16 : i32
        %shift_right_logical3A_303 = vector.broadcast %shift_right_logical3A_302 : i32 to vector<16xi32>
        %shift_right_logical3A_304 = arith.shrui %get3A_294, %shift_right_logical3A_303 : vector<16xi32>
        %swap3A_305 = arith.constant 0 : index
        %swap3A_306 = tpu.vector_load %arg10[%swap3A_305] {strides = array<i32>} : memref<64xi32, #tpu.memory_space<vmem>>, vector<16xi32>,
        %swap3A_307 = vector.shape_cast %swap3A_306 : vector<16xi32> to vector<16xi32>
        %swap3A_308 = vector.shape_cast %shift_right_logical3A_304 : vector<16xi32> to vector<16xi32>
        tpu.vector_store %arg10[%swap3A_305], %swap3A_308 {strides = array<i32>} : memref<64xi32, #tpu.memory_space<vmem>>, vector<16xi32>,
        %get3A_309 = arith.index_cast %while3A_204 : i32 to index
        %get3A_310 = arith.constant 80 : index
        %get3A_311 = tpu.vector_load %arg6[%get3A_309, %get3A_310] {strides = array<i32>} : memref<120x128xi32, #tpu.memory_space<vmem>>, vector<1x16xi32>,
        %get3A_312 = vector.shape_cast %get3A_311 : vector<1x16xi32> to vector<16xi32>
        %and3A_313 = arith.constant 65535 : i32
        %and3A_314 = vector.broadcast %and3A_313 : i32 to vector<16xi32>
        %and3A_315 = arith.andi %get3A_312, %and3A_314 : vector<16xi32>
        %swap3A_316 = arith.constant 16 : index
        %swap3A_317 = tpu.vector_load %arg8[%swap3A_316] {strides = array<i32>} : memref<64xi32, #tpu.memory_space<vmem>>, vector<16xi32>,
        %swap3A_318 = vector.shape_cast %swap3A_317 : vector<16xi32> to vector<16xi32>
        %swap3A_319 = vector.shape_cast %and3A_315 : vector<16xi32> to vector<16xi32>
        tpu.vector_store %arg8[%swap3A_316], %swap3A_319 {strides = array<i32>} : memref<64xi32, #tpu.memory_space<vmem>>, vector<16xi32>,
        %shift_right_logical3A_320 = arith.constant 16 : i32
        %shift_right_logical3A_321 = vector.broadcast %shift_right_logical3A_320 : i32 to vector<16xi32>
        %shift_right_logical3A_322 = arith.shrui %get3A_312, %shift_right_logical3A_321 : vector<16xi32>
        %swap3A_323 = arith.constant 16 : index
        %swap3A_324 = tpu.vector_load %arg10[%swap3A_323] {strides = array<i32>} : memref<64xi32, #tpu.memory_space<vmem>>, vector<16xi32>,
        %swap3A_325 = vector.shape_cast %swap3A_324 : vector<16xi32> to vector<16xi32>
        %swap3A_326 = vector.shape_cast %shift_right_logical3A_322 : vector<16xi32> to vector<16xi32>
        tpu.vector_store %arg10[%swap3A_323], %swap3A_326 {strides = array<i32>} : memref<64xi32, #tpu.memory_space<vmem>>, vector<16xi32>,
        %get3A_327 = arith.index_cast %while3A_204 : i32 to index
        %get3A_328 = arith.constant 96 : index
        %get3A_329 = tpu.vector_load %arg6[%get3A_327, %get3A_328] {strides = array<i32>} : memref<120x128xi32, #tpu.memory_space<vmem>>, vector<1x16xi32>,
        %get3A_330 = vector.shape_cast %get3A_329 : vector<1x16xi32> to vector<16xi32>
        %and3A_331 = arith.constant 65535 : i32
        %and3A_332 = vector.broadcast %and3A_331 : i32 to vector<16xi32>
        %and3A_333 = arith.andi %get3A_330, %and3A_332 : vector<16xi32>
        %swap3A_334 = arith.constant 32 : index
        %swap3A_335 = tpu.vector_load %arg8[%swap3A_334] {strides = array<i32>} : memref<64xi32, #tpu.memory_space<vmem>>, vector<16xi32>,
        %swap3A_336 = vector.shape_cast %swap3A_335 : vector<16xi32> to vector<16xi32>
        %swap3A_337 = vector.shape_cast %and3A_333 : vector<16xi32> to vector<16xi32>
        tpu.vector_store %arg8[%swap3A_334], %swap3A_337 {strides = array<i32>} : memref<64xi32, #tpu.memory_space<vmem>>, vector<16xi32>,
        %shift_right_logical3A_338 = arith.constant 16 : i32
        %shift_right_logical3A_339 = vector.broadcast %shift_right_logical3A_338 : i32 to vector<16xi32>
        %shift_right_logical3A_340 = arith.shrui %get3A_330, %shift_right_logical3A_339 : vector<16xi32>
        %swap3A_341 = arith.constant 32 : index
        %swap3A_342 = tpu.vector_load %arg10[%swap3A_341] {strides = array<i32>} : memref<64xi32, #tpu.memory_space<vmem>>, vector<16xi32>,
        %swap3A_343 = vector.shape_cast %swap3A_342 : vector<16xi32> to vector<16xi32>
        %swap3A_344 = vector.shape_cast %shift_right_logical3A_340 : vector<16xi32> to vector<16xi32>
        tpu.vector_store %arg10[%swap3A_341], %swap3A_344 {strides = array<i32>} : memref<64xi32, #tpu.memory_space<vmem>>, vector<16xi32>,
        %get3A_345 = arith.index_cast %while3A_204 : i32 to index
        %get3A_346 = arith.constant 112 : index
        %get3A_347 = tpu.vector_load %arg6[%get3A_345, %get3A_346] {strides = array<i32>} : memref<120x128xi32, #tpu.memory_space<vmem>>, vector<1x16xi32>,
        %get3A_348 = vector.shape_cast %get3A_347 : vector<1x16xi32> to vector<16xi32>
        %and3A_349 = arith.constant 65535 : i32
        %and3A_350 = vector.broadcast %and3A_349 : i32 to vector<16xi32>
        %and3A_351 = arith.andi %get3A_348, %and3A_350 : vector<16xi32>
        %swap3A_352 = arith.constant 48 : index
        %swap3A_353 = tpu.vector_load %arg8[%swap3A_352] {strides = array<i32>} : memref<64xi32, #tpu.memory_space<vmem>>, vector<16xi32>,
        %swap3A_354 = vector.shape_cast %swap3A_353 : vector<16xi32> to vector<16xi32>
        %swap3A_355 = vector.shape_cast %and3A_351 : vector<16xi32> to vector<16xi32>
        tpu.vector_store %arg8[%swap3A_352], %swap3A_355 {strides = array<i32>} : memref<64xi32, #tpu.memory_space<vmem>>, vector<16xi32>,
        %shift_right_logical3A_356 = arith.constant 16 : i32
        %shift_right_logical3A_357 = vector.broadcast %shift_right_logical3A_356 : i32 to vector<16xi32>
        %shift_right_logical3A_358 = arith.shrui %get3A_348, %shift_right_logical3A_357 : vector<16xi32>
        %swap3A_359 = arith.constant 48 : index
        %swap3A_360 = tpu.vector_load %arg10[%swap3A_359] {strides = array<i32>} : memref<64xi32, #tpu.memory_space<vmem>>, vector<16xi32>,
        %swap3A_361 = vector.shape_cast %swap3A_360 : vector<16xi32> to vector<16xi32>
        %swap3A_362 = vector.shape_cast %shift_right_logical3A_358 : vector<16xi32> to vector<16xi32>
        tpu.vector_store %arg10[%swap3A_359], %swap3A_362 {strides = array<i32>} : memref<64xi32, #tpu.memory_space<vmem>>, vector<16xi32>,
        %add3A_363 = arith.constant 1 : i32
        %add3A_364 = arith.addi %add3A_209, %add3A_363 : i32
        %dma_start3A_365 = arith.constant 1 : i32
        %dma_start3A_366 = arith.constant 0 : i32
        %dma_start3A_367 = arith.constant 0 : i32
        %dma_start3A_368 = tpu.memref_slice %arg11[%dma_start3A_365, %dma_start3A_366, %dma_start3A_367] : memref<2x64x128xf32, #tpu.memory_space<vmem>> -> memref<1x64x128xf32, #tpu.memory_space<vmem>>
        %dma_start3A_369 = tpu.memref_squeeze %dma_start3A_368 : memref<1x64x128xf32, #tpu.memory_space<vmem>> -> memref<64x128xf32, #tpu.memory_space<vmem>>
        %dma_start3A_370 = arith.constant 0 : i32
        %dma_start3A_371 = arith.constant 0 : i32
        %dma_start3A_372 = tpu.memref_slice %arg2[%dma_start3A_370, %dma_start3A_371] : memref<10000x128xf32, #tpu.memory_space<hbm>> -> memref<10000x128xf32, #tpu.memory_space<hbm>>
        tpu.enqueue_indirect_dma source(%dma_start3A_372 : memref<10000x128xf32, #tpu.memory_space<hbm>>) target(%dma_start3A_369 : memref<64x128xf32, #tpu.memory_space<vmem>>) offsets(%arg8 : memref<64xi32, #tpu.memory_space<vmem>>) semaphore(%arg15 : memref<!tpu.dma_semaphore, #tpu.memory_space<semaphore_mem>>)
        %add3A_373 = arith.addi %select_n3A, %add3A_364 : i32
        %mul3A_374 = arith.constant 64 : i32
        %mul3A_375 = arith.muli %add3A_373, %mul3A_374 : i32
        %dma_start3A_376 = arith.constant 1 : i32
        %dma_start3A_377 = arith.constant 0 : i32
        %dma_start3A_378 = arith.constant 0 : i32
        %dma_start3A_379 = tpu.memref_slice %arg12[%dma_start3A_376, %dma_start3A_377, %dma_start3A_378] : memref<2x64x64xi32, #tpu.memory_space<vmem>> -> memref<1x64x64xi32, #tpu.memory_space<vmem>>
        %dma_start3A_380 = tpu.memref_squeeze %dma_start3A_379 : memref<1x64x64xi32, #tpu.memory_space<vmem>> -> memref<64x64xi32, #tpu.memory_space<vmem>>
        %dma_start3A_381 = arith.constant 0 : i32
        %dma_start3A_382 = tpu.memref_slice %arg3[%mul3A_375, %dma_start3A_381] : memref<327680x64xi32, #tpu.memory_space<hbm>> -> memref<64x64xi32, #tpu.memory_space<hbm>>
        %dma_start3A_383 = arith.constant 0 : i32
        %dma_start3A_384 = arith.constant 0 : i32
        %dma_start3A_385 = tpu.memref_slice %arg12[%dma_start3A_376, %dma_start3A_383, %dma_start3A_384] : memref<2x64x64xi32, #tpu.memory_space<vmem>> -> memref<1x64x64xi32, #tpu.memory_space<vmem>>
        %dma_start3A_386 = tpu.memref_squeeze %dma_start3A_385 : memref<1x64x64xi32, #tpu.memory_space<vmem>> -> memref<64x64xi32, #tpu.memory_space<vmem>>
        %dma_start3A_387 = arith.constant 0 : i32
        %dma_start3A_388 = tpu.memref_slice %arg3[%mul3A_375, %dma_start3A_387] : memref<327680x64xi32, #tpu.memory_space<hbm>> -> memref<64x64xi32, #tpu.memory_space<hbm>>
        tpu.enqueue_dma source(%dma_start3A_388 : memref<64x64xi32, #tpu.memory_space<hbm>>) target(%dma_start3A_386 : memref<64x64xi32, #tpu.memory_space<vmem>>) target_semaphore(%arg17 : memref<!tpu.dma_semaphore, #tpu.memory_space<semaphore_mem>>)
      } else {
      }
      %dma_wait3A = arith.constant 0 : i32
      %dma_wait3A_215 = arith.constant 0 : i32
      %dma_wait3A_216 = arith.constant 0 : i32
      %dma_wait3A_217 = tpu.memref_slice %arg11[%dma_wait3A, %dma_wait3A_215, %dma_wait3A_216] : memref<2x64x128xf32, #tpu.memory_space<vmem>> -> memref<1x64x128xf32, #tpu.memory_space<vmem>>
      %dma_wait3A_218 = tpu.memref_squeeze %dma_wait3A_217 : memref<1x64x128xf32, #tpu.memory_space<vmem>> -> memref<64x128xf32, #tpu.memory_space<vmem>>
      %dma_wait3A_219 = arith.constant 0 : i32
      %dma_wait3A_220 = arith.constant 0 : i32
      %dma_wait3A_221 = tpu.memref_slice %arg2[%dma_wait3A_219, %dma_wait3A_220] : memref<10000x128xf32, #tpu.memory_space<hbm>> -> memref<10000x128xf32, #tpu.memory_space<hbm>>
      tpu.wait_indirect_dma semaphore(%arg14 : memref<!tpu.dma_semaphore, #tpu.memory_space<semaphore_mem>>) src(%dma_wait3A_221 : memref<10000x128xf32, #tpu.memory_space<hbm>>) dst(%dma_wait3A_218 : memref<64x128xf32, #tpu.memory_space<vmem>>)
      %dma_wait3A_222 = arith.constant 0 : i32
      %dma_wait3A_223 = arith.constant 0 : i32
      %dma_wait3A_224 = arith.constant 0 : i32
      %dma_wait3A_225 = tpu.memref_slice %arg12[%dma_wait3A_222, %dma_wait3A_223, %dma_wait3A_224] : memref<2x64x64xi32, #tpu.memory_space<vmem>> -> memref<1x64x64xi32, #tpu.memory_space<vmem>>
      %dma_wait3A_226 = tpu.memref_squeeze %dma_wait3A_225 : memref<1x64x64xi32, #tpu.memory_space<vmem>> -> memref<64x64xi32, #tpu.memory_space<vmem>>
      %dma_wait3A_227 = arith.constant 0 : i32
      %dma_wait3A_228 = arith.constant 0 : i32
      %dma_wait3A_229 = tpu.memref_slice %arg3[%dma_wait3A_227, %dma_wait3A_228] : memref<327680x64xi32, #tpu.memory_space<hbm>> -> memref<64x64xi32, #tpu.memory_space<hbm>>
      %dma_wait3A_230 = arith.constant 0 : i32
      %dma_wait3A_231 = arith.constant 0 : i32
      %dma_wait3A_232 = tpu.memref_slice %arg12[%dma_wait3A_222, %dma_wait3A_230, %dma_wait3A_231] : memref<2x64x64xi32, #tpu.memory_space<vmem>> -> memref<1x64x64xi32, #tpu.memory_space<vmem>>
      %dma_wait3A_233 = tpu.memref_squeeze %dma_wait3A_232 : memref<1x64x64xi32, #tpu.memory_space<vmem>> -> memref<64x64xi32, #tpu.memory_space<vmem>>
      %dma_wait3A_234 = arith.constant 0 : i32
      %dma_wait3A_235 = arith.constant 0 : i32
      %dma_wait3A_236 = tpu.memref_slice %arg3[%dma_wait3A_234, %dma_wait3A_235] : memref<327680x64xi32, #tpu.memory_space<hbm>> -> memref<64x64xi32, #tpu.memory_space<hbm>>
      tpu.wait_dma2 semaphore(%arg16 : memref<!tpu.dma_semaphore, #tpu.memory_space<semaphore_mem>>) src(%dma_wait3A_236 : memref<64x64xi32, #tpu.memory_space<hbm>>) dst(%dma_wait3A_233 : memref<64x64xi32, #tpu.memory_space<vmem>>)
      %scan3A_237 = arith.constant 0 : i32
      %scan3A_238 = arith.constant 0 : i32
      %scan3A_239 = arith.constant 0 : i32
      %scan3A_240 = arith.constant 0 : i32
      %scan3A_241 = arith.constant 64 : i32
      %scan3A_242 = arith.addi %scan3A_240, %scan3A_241 : i32
      %scan3A_243 = arith.constant 1 : i32
      %scan3A_244 = scf.for %scan3A_291 = %scan3A_240 to %scan3A_242 step %scan3A_243 iter_args(%scan3A_292 = %scan3A_239) -> (i32)  : i32 {
        %get3A_293 = arith.constant 0 : i32
        %get3A_294 = arith.constant 0 : i32
        %get3A_295 = tpu.memref_slice %arg12[%scan3A_237, %get3A_293, %get3A_294] : memref<2x64x64xi32, #tpu.memory_space<vmem>> -> memref<1x64x64xi32, #tpu.memory_space<vmem>>
        %get3A_296 = tpu.memref_squeeze %get3A_295 : memref<1x64x64xi32, #tpu.memory_space<vmem>> -> memref<64x64xi32, #tpu.memory_space<vmem>>
        %get3A_297 = arith.index_cast %scan3A_291 : i32 to index
        %get3A_298 = arith.constant 0 : index
        %get3A_299 = tpu.vector_load %get3A_296[%get3A_297, %get3A_298] {strides = array<i32>} : memref<64x64xi32, #tpu.memory_space<vmem>>, vector<1x16xi32>,
        %get3A_300 = vector.shape_cast %get3A_299 : vector<1x16xi32> to vector<16xi32>
        %shift_left3A = arith.constant 16 : i32
        %shift_left3A_301 = vector.broadcast %shift_left3A : i32 to vector<16xi32>
        %shift_left3A_302 = arith.shli %get3A_300, %shift_left3A_301 : vector<16xi32>
        %bitcast_convert_type3A = tpu.bitcast %shift_left3A_302 : vector<16xi32> -> vector<16xf32>
        %and3A_303 = arith.constant -65536 : i32
        %and3A_304 = vector.broadcast %and3A_303 : i32 to vector<16xi32>
        %and3A_305 = arith.andi %get3A_300, %and3A_304 : vector<16xi32>
        %bitcast_convert_type3A_306 = tpu.bitcast %and3A_305 : vector<16xi32> -> vector<16xf32>
        %get3A_307 = arith.constant 0 : i32
        %get3A_308 = arith.constant 0 : i32
        %get3A_309 = tpu.memref_slice %arg11[%scan3A_238, %get3A_307, %get3A_308] : memref<2x64x128xf32, #tpu.memory_space<vmem>> -> memref<1x64x128xf32, #tpu.memory_space<vmem>>
        %get3A_310 = tpu.memref_squeeze %get3A_309 : memref<1x64x128xf32, #tpu.memory_space<vmem>> -> memref<64x128xf32, #tpu.memory_space<vmem>>
        %get3A_311 = arith.index_cast %scan3A_291 : i32 to index
        %get3A_312 = arith.constant 0 : index
        %get3A_313 = tpu.vector_load %get3A_310[%get3A_311, %get3A_312] {strides = array<i32>} : memref<64x128xf32, #tpu.memory_space<vmem>>, vector<1x16xf32>,
        %get3A_314 = vector.shape_cast %get3A_313 : vector<1x16xf32> to vector<16xf32>
        %add3A_315 = arith.addf %get3A_314, %bitcast_convert_type3A : vector<16xf32>
        %max3A = arith.constant 0.000000e+00 : f32
        %max3A_316 = vector.broadcast %max3A : f32 to vector<16xf32>
        %max3A_317 = arith.maximumf %add3A_315, %max3A_316 : vector<16xf32>
        %swap3A_318 = arith.constant 0 : i32
        %swap3A_319 = arith.constant 0 : i32
        %swap3A_320 = tpu.memref_slice %arg11[%scan3A_238, %swap3A_318, %swap3A_319] : memref<2x64x128xf32, #tpu.memory_space<vmem>> -> memref<1x64x128xf32, #tpu.memory_space<vmem>>
        %swap3A_321 = tpu.memref_squeeze %swap3A_320 : memref<1x64x128xf32, #tpu.memory_space<vmem>> -> memref<64x128xf32, #tpu.memory_space<vmem>>
        %swap3A_322 = arith.index_cast %scan3A_291 : i32 to index
        %swap3A_323 = arith.constant 0 : index
        %swap3A_324 = tpu.vector_load %swap3A_321[%swap3A_322, %swap3A_323] {strides = array<i32>} : memref<64x128xf32, #tpu.memory_space<vmem>>, vector<1x16xf32>,
        %swap3A_325 = vector.shape_cast %swap3A_324 : vector<1x16xf32> to vector<16xf32>
        %swap3A_326 = vector.shape_cast %max3A_317 : vector<16xf32> to vector<1x16xf32>
        tpu.vector_store %swap3A_321[%swap3A_322, %swap3A_323], %swap3A_326 {strides = array<i32>} : memref<64x128xf32, #tpu.memory_space<vmem>>, vector<1x16xf32>,
        %get3A_327 = arith.constant 0 : i32
        %get3A_328 = arith.constant 0 : i32
        %get3A_329 = tpu.memref_slice %arg11[%scan3A_238, %get3A_327, %get3A_328] : memref<2x64x128xf32, #tpu.memory_space<vmem>> -> memref<1x64x128xf32, #tpu.memory_space<vmem>>
        %get3A_330 = tpu.memref_squeeze %get3A_329 : memref<1x64x128xf32, #tpu.memory_space<vmem>> -> memref<64x128xf32, #tpu.memory_space<vmem>>
        %get3A_331 = arith.index_cast %scan3A_291 : i32 to index
        %get3A_332 = arith.constant 16 : index
        %get3A_333 = tpu.vector_load %get3A_330[%get3A_331, %get3A_332] {strides = array<i32>} : memref<64x128xf32, #tpu.memory_space<vmem>>, vector<1x16xf32>,
        %get3A_334 = vector.shape_cast %get3A_333 : vector<1x16xf32> to vector<16xf32>
        %add3A_335 = arith.addf %get3A_334, %bitcast_convert_type3A_306 : vector<16xf32>
        %max3A_336 = arith.constant 0.000000e+00 : f32
        %max3A_337 = vector.broadcast %max3A_336 : f32 to vector<16xf32>
        %max3A_338 = arith.maximumf %add3A_335, %max3A_337 : vector<16xf32>
        %swap3A_339 = arith.constant 0 : i32
        %swap3A_340 = arith.constant 0 : i32
        %swap3A_341 = tpu.memref_slice %arg11[%scan3A_238, %swap3A_339, %swap3A_340] : memref<2x64x128xf32, #tpu.memory_space<vmem>> -> memref<1x64x128xf32, #tpu.memory_space<vmem>>
        %swap3A_342 = tpu.memref_squeeze %swap3A_341 : memref<1x64x128xf32, #tpu.memory_space<vmem>> -> memref<64x128xf32, #tpu.memory_space<vmem>>
        %swap3A_343 = arith.index_cast %scan3A_291 : i32 to index
        %swap3A_344 = arith.constant 16 : index
        %swap3A_345 = tpu.vector_load %swap3A_342[%swap3A_343, %swap3A_344] {strides = array<i32>} : memref<64x128xf32, #tpu.memory_space<vmem>>, vector<1x16xf32>,
        %swap3A_346 = vector.shape_cast %swap3A_345 : vector<1x16xf32> to vector<16xf32>
        %swap3A_347 = vector.shape_cast %max3A_338 : vector<16xf32> to vector<1x16xf32>
        tpu.vector_store %swap3A_342[%swap3A_343, %swap3A_344], %swap3A_347 {strides = array<i32>} : memref<64x128xf32, #tpu.memory_space<vmem>>, vector<1x16xf32>,
        %get3A_348 = arith.constant 0 : i32
        %get3A_349 = arith.constant 0 : i32
        %get3A_350 = tpu.memref_slice %arg12[%scan3A_237, %get3A_348, %get3A_349] : memref<2x64x64xi32, #tpu.memory_space<vmem>> -> memref<1x64x64xi32, #tpu.memory_space<vmem>>
        %get3A_351 = tpu.memref_squeeze %get3A_350 : memref<1x64x64xi32, #tpu.memory_space<vmem>> -> memref<64x64xi32, #tpu.memory_space<vmem>>
        %get3A_352 = arith.index_cast %scan3A_291 : i32 to index
        %get3A_353 = arith.constant 16 : index
        %get3A_354 = tpu.vector_load %get3A_351[%get3A_352, %get3A_353] {strides = array<i32>} : memref<64x64xi32, #tpu.memory_space<vmem>>, vector<1x16xi32>,
        %get3A_355 = vector.shape_cast %get3A_354 : vector<1x16xi32> to vector<16xi32>
        %shift_left3A_356 = arith.constant 16 : i32
        %shift_left3A_357 = vector.broadcast %shift_left3A_356 : i32 to vector<16xi32>
        %shift_left3A_358 = arith.shli %get3A_355, %shift_left3A_357 : vector<16xi32>
        %bitcast_convert_type3A_359 = tpu.bitcast %shift_left3A_358 : vector<16xi32> -> vector<16xf32>
        %and3A_360 = arith.constant -65536 : i32
        %and3A_361 = vector.broadcast %and3A_360 : i32 to vector<16xi32>
        %and3A_362 = arith.andi %get3A_355, %and3A_361 : vector<16xi32>
        %bitcast_convert_type3A_363 = tpu.bitcast %and3A_362 : vector<16xi32> -> vector<16xf32>
        %get3A_364 = arith.constant 0 : i32
        %get3A_365 = arith.constant 0 : i32
        %get3A_366 = tpu.memref_slice %arg11[%scan3A_238, %get3A_364, %get3A_365] : memref<2x64x128xf32, #tpu.memory_space<vmem>> -> memref<1x64x128xf32, #tpu.memory_space<vmem>>
        %get3A_367 = tpu.memref_squeeze %get3A_366 : memref<1x64x128xf32, #tpu.memory_space<vmem>> -> memref<64x128xf32, #tpu.memory_space<vmem>>
        %get3A_368 = arith.index_cast %scan3A_291 : i32 to index
        %get3A_369 = arith.constant 32 : index
        %get3A_370 = tpu.vector_load %get3A_367[%get3A_368, %get3A_369] {strides = array<i32>} : memref<64x128xf32, #tpu.memory_space<vmem>>, vector<1x16xf32>,
        %get3A_371 = vector.shape_cast %get3A_370 : vector<1x16xf32> to vector<16xf32>
        %add3A_372 = arith.addf %get3A_371, %bitcast_convert_type3A_359 : vector<16xf32>
        %max3A_373 = arith.constant 0.000000e+00 : f32
        %max3A_374 = vector.broadcast %max3A_373 : f32 to vector<16xf32>
        %max3A_375 = arith.maximumf %add3A_372, %max3A_374 : vector<16xf32>
        %swap3A_376 = arith.constant 0 : i32
        %swap3A_377 = arith.constant 0 : i32
        %swap3A_378 = tpu.memref_slice %arg11[%scan3A_238, %swap3A_376, %swap3A_377] : memref<2x64x128xf32, #tpu.memory_space<vmem>> -> memref<1x64x128xf32, #tpu.memory_space<vmem>>
        %swap3A_379 = tpu.memref_squeeze %swap3A_378 : memref<1x64x128xf32, #tpu.memory_space<vmem>> -> memref<64x128xf32, #tpu.memory_space<vmem>>
        %swap3A_380 = arith.index_cast %scan3A_291 : i32 to index
        %swap3A_381 = arith.constant 32 : index
        %swap3A_382 = tpu.vector_load %swap3A_379[%swap3A_380, %swap3A_381] {strides = array<i32>} : memref<64x128xf32, #tpu.memory_space<vmem>>, vector<1x16xf32>,
        %swap3A_383 = vector.shape_cast %swap3A_382 : vector<1x16xf32> to vector<16xf32>
        %swap3A_384 = vector.shape_cast %max3A_375 : vector<16xf32> to vector<1x16xf32>
        tpu.vector_store %swap3A_379[%swap3A_380, %swap3A_381], %swap3A_384 {strides = array<i32>} : memref<64x128xf32, #tpu.memory_space<vmem>>, vector<1x16xf32>,
        %get3A_385 = arith.constant 0 : i32
        %get3A_386 = arith.constant 0 : i32
        %get3A_387 = tpu.memref_slice %arg11[%scan3A_238, %get3A_385, %get3A_386] : memref<2x64x128xf32, #tpu.memory_space<vmem>> -> memref<1x64x128xf32, #tpu.memory_space<vmem>>
        %get3A_388 = tpu.memref_squeeze %get3A_387 : memref<1x64x128xf32, #tpu.memory_space<vmem>> -> memref<64x128xf32, #tpu.memory_space<vmem>>
        %get3A_389 = arith.index_cast %scan3A_291 : i32 to index
        %get3A_390 = arith.constant 48 : index
        %get3A_391 = tpu.vector_load %get3A_388[%get3A_389, %get3A_390] {strides = array<i32>} : memref<64x128xf32, #tpu.memory_space<vmem>>, vector<1x16xf32>,
        %get3A_392 = vector.shape_cast %get3A_391 : vector<1x16xf32> to vector<16xf32>
        %add3A_393 = arith.addf %get3A_392, %bitcast_convert_type3A_363 : vector<16xf32>
        %max3A_394 = arith.constant 0.000000e+00 : f32
        %max3A_395 = vector.broadcast %max3A_394 : f32 to vector<16xf32>
        %max3A_396 = arith.maximumf %add3A_393, %max3A_395 : vector<16xf32>
        %swap3A_397 = arith.constant 0 : i32
        %swap3A_398 = arith.constant 0 : i32
        %swap3A_399 = tpu.memref_slice %arg11[%scan3A_238, %swap3A_397, %swap3A_398] : memref<2x64x128xf32, #tpu.memory_space<vmem>> -> memref<1x64x128xf32, #tpu.memory_space<vmem>>
        %swap3A_400 = tpu.memref_squeeze %swap3A_399 : memref<1x64x128xf32, #tpu.memory_space<vmem>> -> memref<64x128xf32, #tpu.memory_space<vmem>>
        %swap3A_401 = arith.index_cast %scan3A_291 : i32 to index
        %swap3A_402 = arith.constant 48 : index
        %swap3A_403 = tpu.vector_load %swap3A_400[%swap3A_401, %swap3A_402] {strides = array<i32>} : memref<64x128xf32, #tpu.memory_space<vmem>>, vector<1x16xf32>,
        %swap3A_404 = vector.shape_cast %swap3A_403 : vector<1x16xf32> to vector<16xf32>
        %swap3A_405 = vector.shape_cast %max3A_396 : vector<16xf32> to vector<1x16xf32>
        tpu.vector_store %swap3A_400[%swap3A_401, %swap3A_402], %swap3A_405 {strides = array<i32>} : memref<64x128xf32, #tpu.memory_space<vmem>>, vector<1x16xf32>,
        %get3A_406 = arith.constant 0 : i32
        %get3A_407 = arith.constant 0 : i32
        %get3A_408 = tpu.memref_slice %arg12[%scan3A_237, %get3A_406, %get3A_407] : memref<2x64x64xi32, #tpu.memory_space<vmem>> -> memref<1x64x64xi32, #tpu.memory_space<vmem>>
        %get3A_409 = tpu.memref_squeeze %get3A_408 : memref<1x64x64xi32, #tpu.memory_space<vmem>> -> memref<64x64xi32, #tpu.memory_space<vmem>>
        %get3A_410 = arith.index_cast %scan3A_291 : i32 to index
        %get3A_411 = arith.constant 32 : index
        %get3A_412 = tpu.vector_load %get3A_409[%get3A_410, %get3A_411] {strides = array<i32>} : memref<64x64xi32, #tpu.memory_space<vmem>>, vector<1x16xi32>,
        %get3A_413 = vector.shape_cast %get3A_412 : vector<1x16xi32> to vector<16xi32>
        %shift_left3A_414 = arith.constant 16 : i32
        %shift_left3A_415 = vector.broadcast %shift_left3A_414 : i32 to vector<16xi32>
        %shift_left3A_416 = arith.shli %get3A_413, %shift_left3A_415 : vector<16xi32>
        %bitcast_convert_type3A_417 = tpu.bitcast %shift_left3A_416 : vector<16xi32> -> vector<16xf32>
        %and3A_418 = arith.constant -65536 : i32
        %and3A_419 = vector.broadcast %and3A_418 : i32 to vector<16xi32>
        %and3A_420 = arith.andi %get3A_413, %and3A_419 : vector<16xi32>
        %bitcast_convert_type3A_421 = tpu.bitcast %and3A_420 : vector<16xi32> -> vector<16xf32>
        %get3A_422 = arith.constant 0 : i32
        %get3A_423 = arith.constant 0 : i32
        %get3A_424 = tpu.memref_slice %arg11[%scan3A_238, %get3A_422, %get3A_423] : memref<2x64x128xf32, #tpu.memory_space<vmem>> -> memref<1x64x128xf32, #tpu.memory_space<vmem>>
        %get3A_425 = tpu.memref_squeeze %get3A_424 : memref<1x64x128xf32, #tpu.memory_space<vmem>> -> memref<64x128xf32, #tpu.memory_space<vmem>>
        %get3A_426 = arith.index_cast %scan3A_291 : i32 to index
        %get3A_427 = arith.constant 64 : index
        %get3A_428 = tpu.vector_load %get3A_425[%get3A_426, %get3A_427] {strides = array<i32>} : memref<64x128xf32, #tpu.memory_space<vmem>>, vector<1x16xf32>,
        %get3A_429 = vector.shape_cast %get3A_428 : vector<1x16xf32> to vector<16xf32>
        %add3A_430 = arith.addf %get3A_429, %bitcast_convert_type3A_417 : vector<16xf32>
        %max3A_431 = arith.constant 0.000000e+00 : f32
        %max3A_432 = vector.broadcast %max3A_431 : f32 to vector<16xf32>
        %max3A_433 = arith.maximumf %add3A_430, %max3A_432 : vector<16xf32>
        %swap3A_434 = arith.constant 0 : i32
        %swap3A_435 = arith.constant 0 : i32
        %swap3A_436 = tpu.memref_slice %arg11[%scan3A_238, %swap3A_434, %swap3A_435] : memref<2x64x128xf32, #tpu.memory_space<vmem>> -> memref<1x64x128xf32, #tpu.memory_space<vmem>>
        %swap3A_437 = tpu.memref_squeeze %swap3A_436 : memref<1x64x128xf32, #tpu.memory_space<vmem>> -> memref<64x128xf32, #tpu.memory_space<vmem>>
        %swap3A_438 = arith.index_cast %scan3A_291 : i32 to index
        %swap3A_439 = arith.constant 64 : index
        %swap3A_440 = tpu.vector_load %swap3A_437[%swap3A_438, %swap3A_439] {strides = array<i32>} : memref<64x128xf32, #tpu.memory_space<vmem>>, vector<1x16xf32>,
        %swap3A_441 = vector.shape_cast %swap3A_440 : vector<1x16xf32> to vector<16xf32>
        %swap3A_442 = vector.shape_cast %max3A_433 : vector<16xf32> to vector<1x16xf32>
        tpu.vector_store %swap3A_437[%swap3A_438, %swap3A_439], %swap3A_442 {strides = array<i32>} : memref<64x128xf32, #tpu.memory_space<vmem>>, vector<1x16xf32>,
        %get3A_443 = arith.constant 0 : i32
        %get3A_444 = arith.constant 0 : i32
        %get3A_445 = tpu.memref_slice %arg11[%scan3A_238, %get3A_443, %get3A_444] : memref<2x64x128xf32, #tpu.memory_space<vmem>> -> memref<1x64x128xf32, #tpu.memory_space<vmem>>
        %get3A_446 = tpu.memref_squeeze %get3A_445 : memref<1x64x128xf32, #tpu.memory_space<vmem>> -> memref<64x128xf32, #tpu.memory_space<vmem>>
        %get3A_447 = arith.index_cast %scan3A_291 : i32 to index
        %get3A_448 = arith.constant 80 : index
        %get3A_449 = tpu.vector_load %get3A_446[%get3A_447, %get3A_448] {strides = array<i32>} : memref<64x128xf32, #tpu.memory_space<vmem>>, vector<1x16xf32>,
        %get3A_450 = vector.shape_cast %get3A_449 : vector<1x16xf32> to vector<16xf32>
        %add3A_451 = arith.addf %get3A_450, %bitcast_convert_type3A_421 : vector<16xf32>
        %max3A_452 = arith.constant 0.000000e+00 : f32
        %max3A_453 = vector.broadcast %max3A_452 : f32 to vector<16xf32>
        %max3A_454 = arith.maximumf %add3A_451, %max3A_453 : vector<16xf32>
        %swap3A_455 = arith.constant 0 : i32
        %swap3A_456 = arith.constant 0 : i32
        %swap3A_457 = tpu.memref_slice %arg11[%scan3A_238, %swap3A_455, %swap3A_456] : memref<2x64x128xf32, #tpu.memory_space<vmem>> -> memref<1x64x128xf32, #tpu.memory_space<vmem>>
        %swap3A_458 = tpu.memref_squeeze %swap3A_457 : memref<1x64x128xf32, #tpu.memory_space<vmem>> -> memref<64x128xf32, #tpu.memory_space<vmem>>
        %swap3A_459 = arith.index_cast %scan3A_291 : i32 to index
        %swap3A_460 = arith.constant 80 : index
        %swap3A_461 = tpu.vector_load %swap3A_458[%swap3A_459, %swap3A_460] {strides = array<i32>} : memref<64x128xf32, #tpu.memory_space<vmem>>, vector<1x16xf32>,
        %swap3A_462 = vector.shape_cast %swap3A_461 : vector<1x16xf32> to vector<16xf32>
        %swap3A_463 = vector.shape_cast %max3A_454 : vector<16xf32> to vector<1x16xf32>
        tpu.vector_store %swap3A_458[%swap3A_459, %swap3A_460], %swap3A_463 {strides = array<i32>} : memref<64x128xf32, #tpu.memory_space<vmem>>, vector<1x16xf32>,
        %get3A_464 = arith.constant 0 : i32
        %get3A_465 = arith.constant 0 : i32
        %get3A_466 = tpu.memref_slice %arg12[%scan3A_237, %get3A_464, %get3A_465] : memref<2x64x64xi32, #tpu.memory_space<vmem>> -> memref<1x64x64xi32, #tpu.memory_space<vmem>>
        %get3A_467 = tpu.memref_squeeze %get3A_466 : memref<1x64x64xi32, #tpu.memory_space<vmem>> -> memref<64x64xi32, #tpu.memory_space<vmem>>
        %get3A_468 = arith.index_cast %scan3A_291 : i32 to index
        %get3A_469 = arith.constant 48 : index
        %get3A_470 = tpu.vector_load %get3A_467[%get3A_468, %get3A_469] {strides = array<i32>} : memref<64x64xi32, #tpu.memory_space<vmem>>, vector<1x16xi32>,
        %get3A_471 = vector.shape_cast %get3A_470 : vector<1x16xi32> to vector<16xi32>
        %shift_left3A_472 = arith.constant 16 : i32
        %shift_left3A_473 = vector.broadcast %shift_left3A_472 : i32 to vector<16xi32>
        %shift_left3A_474 = arith.shli %get3A_471, %shift_left3A_473 : vector<16xi32>
        %bitcast_convert_type3A_475 = tpu.bitcast %shift_left3A_474 : vector<16xi32> -> vector<16xf32>
        %and3A_476 = arith.constant -65536 : i32
        %and3A_477 = vector.broadcast %and3A_476 : i32 to vector<16xi32>
        %and3A_478 = arith.andi %get3A_471, %and3A_477 : vector<16xi32>
        %bitcast_convert_type3A_479 = tpu.bitcast %and3A_478 : vector<16xi32> -> vector<16xf32>
        %get3A_480 = arith.constant 0 : i32
        %get3A_481 = arith.constant 0 : i32
        %get3A_482 = tpu.memref_slice %arg11[%scan3A_238, %get3A_480, %get3A_481] : memref<2x64x128xf32, #tpu.memory_space<vmem>> -> memref<1x64x128xf32, #tpu.memory_space<vmem>>
        %get3A_483 = tpu.memref_squeeze %get3A_482 : memref<1x64x128xf32, #tpu.memory_space<vmem>> -> memref<64x128xf32, #tpu.memory_space<vmem>>
        %get3A_484 = arith.index_cast %scan3A_291 : i32 to index
        %get3A_485 = arith.constant 96 : index
        %get3A_486 = tpu.vector_load %get3A_483[%get3A_484, %get3A_485] {strides = array<i32>} : memref<64x128xf32, #tpu.memory_space<vmem>>, vector<1x16xf32>,
        %get3A_487 = vector.shape_cast %get3A_486 : vector<1x16xf32> to vector<16xf32>
        %add3A_488 = arith.addf %get3A_487, %bitcast_convert_type3A_475 : vector<16xf32>
        %max3A_489 = arith.constant 0.000000e+00 : f32
        %max3A_490 = vector.broadcast %max3A_489 : f32 to vector<16xf32>
        %max3A_491 = arith.maximumf %add3A_488, %max3A_490 : vector<16xf32>
        %swap3A_492 = arith.constant 0 : i32
        %swap3A_493 = arith.constant 0 : i32
        %swap3A_494 = tpu.memref_slice %arg11[%scan3A_238, %swap3A_492, %swap3A_493] : memref<2x64x128xf32, #tpu.memory_space<vmem>> -> memref<1x64x128xf32, #tpu.memory_space<vmem>>
        %swap3A_495 = tpu.memref_squeeze %swap3A_494 : memref<1x64x128xf32, #tpu.memory_space<vmem>> -> memref<64x128xf32, #tpu.memory_space<vmem>>
        %swap3A_496 = arith.index_cast %scan3A_291 : i32 to index
        %swap3A_497 = arith.constant 96 : index
        %swap3A_498 = tpu.vector_load %swap3A_495[%swap3A_496, %swap3A_497] {strides = array<i32>} : memref<64x128xf32, #tpu.memory_space<vmem>>, vector<1x16xf32>,
        %swap3A_499 = vector.shape_cast %swap3A_498 : vector<1x16xf32> to vector<16xf32>
        %swap3A_500 = vector.shape_cast %max3A_491 : vector<16xf32> to vector<1x16xf32>
        tpu.vector_store %swap3A_495[%swap3A_496, %swap3A_497], %swap3A_500 {strides = array<i32>} : memref<64x128xf32, #tpu.memory_space<vmem>>, vector<1x16xf32>,
        %get3A_501 = arith.constant 0 : i32
        %get3A_502 = arith.constant 0 : i32
        %get3A_503 = tpu.memref_slice %arg11[%scan3A_238, %get3A_501, %get3A_502] : memref<2x64x128xf32, #tpu.memory_space<vmem>> -> memref<1x64x128xf32, #tpu.memory_space<vmem>>
        %get3A_504 = tpu.memref_squeeze %get3A_503 : memref<1x64x128xf32, #tpu.memory_space<vmem>> -> memref<64x128xf32, #tpu.memory_space<vmem>>
        %get3A_505 = arith.index_cast %scan3A_291 : i32 to index
        %get3A_506 = arith.constant 112 : index
        %get3A_507 = tpu.vector_load %get3A_504[%get3A_505, %get3A_506] {strides = array<i32>} : memref<64x128xf32, #tpu.memory_space<vmem>>, vector<1x16xf32>,
        %get3A_508 = vector.shape_cast %get3A_507 : vector<1x16xf32> to vector<16xf32>
        %add3A_509 = arith.addf %get3A_508, %bitcast_convert_type3A_479 : vector<16xf32>
        %max3A_510 = arith.constant 0.000000e+00 : f32
        %max3A_511 = vector.broadcast %max3A_510 : f32 to vector<16xf32>
        %max3A_512 = arith.maximumf %add3A_509, %max3A_511 : vector<16xf32>
        %swap3A_513 = arith.constant 0 : i32
        %swap3A_514 = arith.constant 0 : i32
        %swap3A_515 = tpu.memref_slice %arg11[%scan3A_238, %swap3A_513, %swap3A_514] : memref<2x64x128xf32, #tpu.memory_space<vmem>> -> memref<1x64x128xf32, #tpu.memory_space<vmem>>
        %swap3A_516 = tpu.memref_squeeze %swap3A_515 : memref<1x64x128xf32, #tpu.memory_space<vmem>> -> memref<64x128xf32, #tpu.memory_space<vmem>>
        %swap3A_517 = arith.index_cast %scan3A_291 : i32 to index
        %swap3A_518 = arith.constant 112 : index
        %swap3A_519 = tpu.vector_load %swap3A_516[%swap3A_517, %swap3A_518] {strides = array<i32>} : memref<64x128xf32, #tpu.memory_space<vmem>>, vector<1x16xf32>,
        %swap3A_520 = vector.shape_cast %swap3A_519 : vector<1x16xf32> to vector<16xf32>
        %swap3A_521 = vector.shape_cast %max3A_512 : vector<16xf32> to vector<1x16xf32>
        tpu.vector_store %swap3A_516[%swap3A_517, %swap3A_518], %swap3A_521 {strides = array<i32>} : memref<64x128xf32, #tpu.memory_space<vmem>>, vector<1x16xf32>,
        %scan3A_522 = arith.constant 0 : i32
        scf.yield %scan3A_522 : i32
      }
      %scan3A_245 = arith.constant 64 : i32
      %run_scoped3A_246 = arith.constant 0 : i32
      "tpu.region"() ({
        %run_scoped3A_291 = tpu.sem_alloc : memref<!tpu.dma_semaphore, #tpu.memory_space<semaphore_mem>>
        %dma_start3A_292 = arith.constant 0 : i32
        %dma_start3A_293 = arith.constant 0 : i32
        %dma_start3A_294 = tpu.memref_slice %arg11[%run_scoped3A_246, %dma_start3A_292, %dma_start3A_293] : memref<2x64x128xf32, #tpu.memory_space<vmem>> -> memref<1x64x128xf32, #tpu.memory_space<vmem>>
        %dma_start3A_295 = tpu.memref_squeeze %dma_start3A_294 : memref<1x64x128xf32, #tpu.memory_space<vmem>> -> memref<64x128xf32, #tpu.memory_space<vmem>>
        %dma_start3A_296 = arith.constant 0 : i32
        %dma_start3A_297 = arith.constant 0 : i32
        %dma_start3A_298 = tpu.memref_slice %arg13[%dma_start3A_296, %dma_start3A_297] : memref<10240x128xf32, #tpu.memory_space<vmem_shared>> -> memref<10240x128xf32, #tpu.memory_space<vmem_shared>>
        tpu.enqueue_indirect_dma source(%dma_start3A_295 : memref<64x128xf32, #tpu.memory_space<vmem>>) target(%dma_start3A_298 : memref<10240x128xf32, #tpu.memory_space<vmem_shared>>) offsets(%arg9 : memref<64xi32, #tpu.memory_space<vmem>>) semaphore(%run_scoped3A_291 : memref<!tpu.dma_semaphore, #tpu.memory_space<semaphore_mem>>) {add = true}
        %dma_wait3A_299 = arith.constant 0 : i32
        %dma_wait3A_300 = arith.constant 0 : i32
        %dma_wait3A_301 = tpu.memref_slice %arg11[%run_scoped3A_246, %dma_wait3A_299, %dma_wait3A_300] : memref<2x64x128xf32, #tpu.memory_space<vmem>> -> memref<1x64x128xf32, #tpu.memory_space<vmem>>
        %dma_wait3A_302 = tpu.memref_squeeze %dma_wait3A_301 : memref<1x64x128xf32, #tpu.memory_space<vmem>> -> memref<64x128xf32, #tpu.memory_space<vmem>>
        %dma_wait3A_303 = arith.constant 0 : i32
        %dma_wait3A_304 = arith.constant 0 : i32
        %dma_wait3A_305 = tpu.memref_slice %arg13[%dma_wait3A_303, %dma_wait3A_304] : memref<10240x128xf32, #tpu.memory_space<vmem_shared>> -> memref<10240x128xf32, #tpu.memory_space<vmem_shared>>
        tpu.wait_indirect_dma semaphore(%run_scoped3A_291 : memref<!tpu.dma_semaphore, #tpu.memory_space<semaphore_mem>>) src(%dma_wait3A_302 : memref<64x128xf32, #tpu.memory_space<vmem>>) dst(%dma_wait3A_305 : memref<10240x128xf32, #tpu.memory_space<vmem_shared>>)
        tpu.yield
      }) : () -> ()
      %mul3A_247 = arith.constant 2 : i32
      %mul3A_248 = arith.muli %while3A_204, %mul3A_247 : i32
      %add3A_249 = arith.constant 1 : i32
      %add3A_250 = arith.addi %mul3A_248, %add3A_249 : i32
      %add3A_251 = arith.constant 1 : i32
      %add3A_252 = arith.addi %add3A_250, %add3A_251 : i32
      %lt3A_253 = arith.cmpi slt, %add3A_252, %select_n3A_8 : i32
      %convert_element_type3A_254 = arith.extui %lt3A_253 : i1 to i32
      %cond3A_255 = arith.constant 0 : i32
      %cond3A_256 = arith.cmpi ne, %convert_element_type3A_254, %cond3A_255 : i32
      scf.if %cond3A_256 {
        %add3A_291 = arith.constant 1 : i32
        %add3A_292 = arith.addi %while3A_204, %add3A_291 : i32
        %get3A_293 = arith.index_cast %add3A_292 : i32 to index
        %get3A_294 = arith.constant 0 : index
        %get3A_295 = tpu.vector_load %arg6[%get3A_293, %get3A_294] {strides = array<i32>} : memref<120x128xi32, #tpu.memory_space<vmem>>, vector<1x16xi32>,
        %get3A_296 = vector.shape_cast %get3A_295 : vector<1x16xi32> to vector<16xi32>
        %and3A_297 = arith.constant 65535 : i32
        %and3A_298 = vector.broadcast %and3A_297 : i32 to vector<16xi32>
        %and3A_299 = arith.andi %get3A_296, %and3A_298 : vector<16xi32>
        %swap3A_300 = arith.constant 0 : index
        %swap3A_301 = tpu.vector_load %arg7[%swap3A_300] {strides = array<i32>} : memref<64xi32, #tpu.memory_space<vmem>>, vector<16xi32>,
        %swap3A_302 = vector.shape_cast %swap3A_301 : vector<16xi32> to vector<16xi32>
        %swap3A_303 = vector.shape_cast %and3A_299 : vector<16xi32> to vector<16xi32>
        tpu.vector_store %arg7[%swap3A_300], %swap3A_303 {strides = array<i32>} : memref<64xi32, #tpu.memory_space<vmem>>, vector<16xi32>,
        %shift_right_logical3A_304 = arith.constant 16 : i32
        %shift_right_logical3A_305 = vector.broadcast %shift_right_logical3A_304 : i32 to vector<16xi32>
        %shift_right_logical3A_306 = arith.shrui %get3A_296, %shift_right_logical3A_305 : vector<16xi32>
        %swap3A_307 = arith.constant 0 : index
        %swap3A_308 = tpu.vector_load %arg9[%swap3A_307] {strides = array<i32>} : memref<64xi32, #tpu.memory_space<vmem>>, vector<16xi32>,
        %swap3A_309 = vector.shape_cast %swap3A_308 : vector<16xi32> to vector<16xi32>
        %swap3A_310 = vector.shape_cast %shift_right_logical3A_306 : vector<16xi32> to vector<16xi32>
        tpu.vector_store %arg9[%swap3A_307], %swap3A_310 {strides = array<i32>} : memref<64xi32, #tpu.memory_space<vmem>>, vector<16xi32>,
        %get3A_311 = arith.index_cast %add3A_292 : i32 to index
        %get3A_312 = arith.constant 16 : index
        %get3A_313 = tpu.vector_load %arg6[%get3A_311, %get3A_312] {strides = array<i32>} : memref<120x128xi32, #tpu.memory_space<vmem>>, vector<1x16xi32>,
        %get3A_314 = vector.shape_cast %get3A_313 : vector<1x16xi32> to vector<16xi32>
        %and3A_315 = arith.constant 65535 : i32
        %and3A_316 = vector.broadcast %and3A_315 : i32 to vector<16xi32>
        %and3A_317 = arith.andi %get3A_314, %and3A_316 : vector<16xi32>
        %swap3A_318 = arith.constant 16 : index
        %swap3A_319 = tpu.vector_load %arg7[%swap3A_318] {strides = array<i32>} : memref<64xi32, #tpu.memory_space<vmem>>, vector<16xi32>,
        %swap3A_320 = vector.shape_cast %swap3A_319 : vector<16xi32> to vector<16xi32>
        %swap3A_321 = vector.shape_cast %and3A_317 : vector<16xi32> to vector<16xi32>
        tpu.vector_store %arg7[%swap3A_318], %swap3A_321 {strides = array<i32>} : memref<64xi32, #tpu.memory_space<vmem>>, vector<16xi32>,
        %shift_right_logical3A_322 = arith.constant 16 : i32
        %shift_right_logical3A_323 = vector.broadcast %shift_right_logical3A_322 : i32 to vector<16xi32>
        %shift_right_logical3A_324 = arith.shrui %get3A_314, %shift_right_logical3A_323 : vector<16xi32>
        %swap3A_325 = arith.constant 16 : index
        %swap3A_326 = tpu.vector_load %arg9[%swap3A_325] {strides = array<i32>} : memref<64xi32, #tpu.memory_space<vmem>>, vector<16xi32>,
        %swap3A_327 = vector.shape_cast %swap3A_326 : vector<16xi32> to vector<16xi32>
        %swap3A_328 = vector.shape_cast %shift_right_logical3A_324 : vector<16xi32> to vector<16xi32>
        tpu.vector_store %arg9[%swap3A_325], %swap3A_328 {strides = array<i32>} : memref<64xi32, #tpu.memory_space<vmem>>, vector<16xi32>,
        %get3A_329 = arith.index_cast %add3A_292 : i32 to index
        %get3A_330 = arith.constant 32 : index
        %get3A_331 = tpu.vector_load %arg6[%get3A_329, %get3A_330] {strides = array<i32>} : memref<120x128xi32, #tpu.memory_space<vmem>>, vector<1x16xi32>,
        %get3A_332 = vector.shape_cast %get3A_331 : vector<1x16xi32> to vector<16xi32>
        %and3A_333 = arith.constant 65535 : i32
        %and3A_334 = vector.broadcast %and3A_333 : i32 to vector<16xi32>
        %and3A_335 = arith.andi %get3A_332, %and3A_334 : vector<16xi32>
        %swap3A_336 = arith.constant 32 : index
        %swap3A_337 = tpu.vector_load %arg7[%swap3A_336] {strides = array<i32>} : memref<64xi32, #tpu.memory_space<vmem>>, vector<16xi32>,
        %swap3A_338 = vector.shape_cast %swap3A_337 : vector<16xi32> to vector<16xi32>
        %swap3A_339 = vector.shape_cast %and3A_335 : vector<16xi32> to vector<16xi32>
        tpu.vector_store %arg7[%swap3A_336], %swap3A_339 {strides = array<i32>} : memref<64xi32, #tpu.memory_space<vmem>>, vector<16xi32>,
        %shift_right_logical3A_340 = arith.constant 16 : i32
        %shift_right_logical3A_341 = vector.broadcast %shift_right_logical3A_340 : i32 to vector<16xi32>
        %shift_right_logical3A_342 = arith.shrui %get3A_332, %shift_right_logical3A_341 : vector<16xi32>
        %swap3A_343 = arith.constant 32 : index
        %swap3A_344 = tpu.vector_load %arg9[%swap3A_343] {strides = array<i32>} : memref<64xi32, #tpu.memory_space<vmem>>, vector<16xi32>,
        %swap3A_345 = vector.shape_cast %swap3A_344 : vector<16xi32> to vector<16xi32>
        %swap3A_346 = vector.shape_cast %shift_right_logical3A_342 : vector<16xi32> to vector<16xi32>
        tpu.vector_store %arg9[%swap3A_343], %swap3A_346 {strides = array<i32>} : memref<64xi32, #tpu.memory_space<vmem>>, vector<16xi32>,
        %get3A_347 = arith.index_cast %add3A_292 : i32 to index
        %get3A_348 = arith.constant 48 : index
        %get3A_349 = tpu.vector_load %arg6[%get3A_347, %get3A_348] {strides = array<i32>} : memref<120x128xi32, #tpu.memory_space<vmem>>, vector<1x16xi32>,
        %get3A_350 = vector.shape_cast %get3A_349 : vector<1x16xi32> to vector<16xi32>
        %and3A_351 = arith.constant 65535 : i32
        %and3A_352 = vector.broadcast %and3A_351 : i32 to vector<16xi32>
        %and3A_353 = arith.andi %get3A_350, %and3A_352 : vector<16xi32>
        %swap3A_354 = arith.constant 48 : index
        %swap3A_355 = tpu.vector_load %arg7[%swap3A_354] {strides = array<i32>} : memref<64xi32, #tpu.memory_space<vmem>>, vector<16xi32>,
        %swap3A_356 = vector.shape_cast %swap3A_355 : vector<16xi32> to vector<16xi32>
        %swap3A_357 = vector.shape_cast %and3A_353 : vector<16xi32> to vector<16xi32>
        tpu.vector_store %arg7[%swap3A_354], %swap3A_357 {strides = array<i32>} : memref<64xi32, #tpu.memory_space<vmem>>, vector<16xi32>,
        %shift_right_logical3A_358 = arith.constant 16 : i32
        %shift_right_logical3A_359 = vector.broadcast %shift_right_logical3A_358 : i32 to vector<16xi32>
        %shift_right_logical3A_360 = arith.shrui %get3A_350, %shift_right_logical3A_359 : vector<16xi32>
        %swap3A_361 = arith.constant 48 : index
        %swap3A_362 = tpu.vector_load %arg9[%swap3A_361] {strides = array<i32>} : memref<64xi32, #tpu.memory_space<vmem>>, vector<16xi32>,
        %swap3A_363 = vector.shape_cast %swap3A_362 : vector<16xi32> to vector<16xi32>
        %swap3A_364 = vector.shape_cast %shift_right_logical3A_360 : vector<16xi32> to vector<16xi32>
        tpu.vector_store %arg9[%swap3A_361], %swap3A_364 {strides = array<i32>} : memref<64xi32, #tpu.memory_space<vmem>>, vector<16xi32>,
        %add3A_365 = arith.constant 1 : i32
        %add3A_366 = arith.addi %add3A_250, %add3A_365 : i32
        %dma_start3A_367 = arith.constant 0 : i32
        %dma_start3A_368 = arith.constant 0 : i32
        %dma_start3A_369 = arith.constant 0 : i32
        %dma_start3A_370 = tpu.memref_slice %arg11[%dma_start3A_367, %dma_start3A_368, %dma_start3A_369] : memref<2x64x128xf32, #tpu.memory_space<vmem>> -> memref<1x64x128xf32, #tpu.memory_space<vmem>>
        %dma_start3A_371 = tpu.memref_squeeze %dma_start3A_370 : memref<1x64x128xf32, #tpu.memory_space<vmem>> -> memref<64x128xf32, #tpu.memory_space<vmem>>
        %dma_start3A_372 = arith.constant 0 : i32
        %dma_start3A_373 = arith.constant 0 : i32
        %dma_start3A_374 = tpu.memref_slice %arg2[%dma_start3A_372, %dma_start3A_373] : memref<10000x128xf32, #tpu.memory_space<hbm>> -> memref<10000x128xf32, #tpu.memory_space<hbm>>
        tpu.enqueue_indirect_dma source(%dma_start3A_374 : memref<10000x128xf32, #tpu.memory_space<hbm>>) target(%dma_start3A_371 : memref<64x128xf32, #tpu.memory_space<vmem>>) offsets(%arg7 : memref<64xi32, #tpu.memory_space<vmem>>) semaphore(%arg14 : memref<!tpu.dma_semaphore, #tpu.memory_space<semaphore_mem>>)
        %add3A_375 = arith.addi %select_n3A, %add3A_366 : i32
        %mul3A_376 = arith.constant 64 : i32
        %mul3A_377 = arith.muli %add3A_375, %mul3A_376 : i32
        %dma_start3A_378 = arith.constant 0 : i32
        %dma_start3A_379 = arith.constant 0 : i32
        %dma_start3A_380 = arith.constant 0 : i32
        %dma_start3A_381 = tpu.memref_slice %arg12[%dma_start3A_378, %dma_start3A_379, %dma_start3A_380] : memref<2x64x64xi32, #tpu.memory_space<vmem>> -> memref<1x64x64xi32, #tpu.memory_space<vmem>>
        %dma_start3A_382 = tpu.memref_squeeze %dma_start3A_381 : memref<1x64x64xi32, #tpu.memory_space<vmem>> -> memref<64x64xi32, #tpu.memory_space<vmem>>
        %dma_start3A_383 = arith.constant 0 : i32
        %dma_start3A_384 = tpu.memref_slice %arg3[%mul3A_377, %dma_start3A_383] : memref<327680x64xi32, #tpu.memory_space<hbm>> -> memref<64x64xi32, #tpu.memory_space<hbm>>
        %dma_start3A_385 = arith.constant 0 : i32
        %dma_start3A_386 = arith.constant 0 : i32
        %dma_start3A_387 = tpu.memref_slice %arg12[%dma_start3A_378, %dma_start3A_385, %dma_start3A_386] : memref<2x64x64xi32, #tpu.memory_space<vmem>> -> memref<1x64x64xi32, #tpu.memory_space<vmem>>
        %dma_start3A_388 = tpu.memref_squeeze %dma_start3A_387 : memref<1x64x64xi32, #tpu.memory_space<vmem>> -> memref<64x64xi32, #tpu.memory_space<vmem>>
        %dma_start3A_389 = arith.constant 0 : i32
        %dma_start3A_390 = tpu.memref_slice %arg3[%mul3A_377, %dma_start3A_389] : memref<327680x64xi32, #tpu.memory_space<hbm>> -> memref<64x64xi32, #tpu.memory_space<hbm>>
        tpu.enqueue_dma source(%dma_start3A_390 : memref<64x64xi32, #tpu.memory_space<hbm>>) target(%dma_start3A_388 : memref<64x64xi32, #tpu.memory_space<vmem>>) target_semaphore(%arg16 : memref<!tpu.dma_semaphore, #tpu.memory_space<semaphore_mem>>)
      } else {
      }
      %dma_wait3A_257 = arith.constant 1 : i32
      %dma_wait3A_258 = arith.constant 0 : i32
      %dma_wait3A_259 = arith.constant 0 : i32
      %dma_wait3A_260 = tpu.memref_slice %arg11[%dma_wait3A_257, %dma_wait3A_258, %dma_wait3A_259] : memref<2x64x128xf32, #tpu.memory_space<vmem>> -> memref<1x64x128xf32, #tpu.memory_space<vmem>>
      %dma_wait3A_261 = tpu.memref_squeeze %dma_wait3A_260 : memref<1x64x128xf32, #tpu.memory_space<vmem>> -> memref<64x128xf32, #tpu.memory_space<vmem>>
      %dma_wait3A_262 = arith.constant 0 : i32
      %dma_wait3A_263 = arith.constant 0 : i32
      %dma_wait3A_264 = tpu.memref_slice %arg2[%dma_wait3A_262, %dma_wait3A_263] : memref<10000x128xf32, #tpu.memory_space<hbm>> -> memref<10000x128xf32, #tpu.memory_space<hbm>>
      tpu.wait_indirect_dma semaphore(%arg15 : memref<!tpu.dma_semaphore, #tpu.memory_space<semaphore_mem>>) src(%dma_wait3A_264 : memref<10000x128xf32, #tpu.memory_space<hbm>>) dst(%dma_wait3A_261 : memref<64x128xf32, #tpu.memory_space<vmem>>)
      %dma_wait3A_265 = arith.constant 1 : i32
      %dma_wait3A_266 = arith.constant 0 : i32
      %dma_wait3A_267 = arith.constant 0 : i32
      %dma_wait3A_268 = tpu.memref_slice %arg12[%dma_wait3A_265, %dma_wait3A_266, %dma_wait3A_267] : memref<2x64x64xi32, #tpu.memory_space<vmem>> -> memref<1x64x64xi32, #tpu.memory_space<vmem>>
      %dma_wait3A_269 = tpu.memref_squeeze %dma_wait3A_268 : memref<1x64x64xi32, #tpu.memory_space<vmem>> -> memref<64x64xi32, #tpu.memory_space<vmem>>
      %dma_wait3A_270 = arith.constant 0 : i32
      %dma_wait3A_271 = arith.constant 0 : i32
      %dma_wait3A_272 = tpu.memref_slice %arg3[%dma_wait3A_270, %dma_wait3A_271] : memref<327680x64xi32, #tpu.memory_space<hbm>> -> memref<64x64xi32, #tpu.memory_space<hbm>>
      %dma_wait3A_273 = arith.constant 0 : i32
      %dma_wait3A_274 = arith.constant 0 : i32
      %dma_wait3A_275 = tpu.memref_slice %arg12[%dma_wait3A_265, %dma_wait3A_273, %dma_wait3A_274] : memref<2x64x64xi32, #tpu.memory_space<vmem>> -> memref<1x64x64xi32, #tpu.memory_space<vmem>>
      %dma_wait3A_276 = tpu.memref_squeeze %dma_wait3A_275 : memref<1x64x64xi32, #tpu.memory_space<vmem>> -> memref<64x64xi32, #tpu.memory_space<vmem>>
      %dma_wait3A_277 = arith.constant 0 : i32
      %dma_wait3A_278 = arith.constant 0 : i32
      %dma_wait3A_279 = tpu.memref_slice %arg3[%dma_wait3A_277, %dma_wait3A_278] : memref<327680x64xi32, #tpu.memory_space<hbm>> -> memref<64x64xi32, #tpu.memory_space<hbm>>
      tpu.wait_dma2 semaphore(%arg17 : memref<!tpu.dma_semaphore, #tpu.memory_space<semaphore_mem>>) src(%dma_wait3A_279 : memref<64x64xi32, #tpu.memory_space<hbm>>) dst(%dma_wait3A_276 : memref<64x64xi32, #tpu.memory_space<vmem>>)
      %scan3A_280 = arith.constant 1 : i32
      %scan3A_281 = arith.constant 1 : i32
      %scan3A_282 = arith.constant 0 : i32
      %scan3A_283 = arith.constant 0 : i32
      %scan3A_284 = arith.constant 64 : i32
      %scan3A_285 = arith.addi %scan3A_283, %scan3A_284 : i32
      %scan3A_286 = arith.constant 1 : i32
      %scan3A_287 = scf.for %scan3A_291 = %scan3A_283 to %scan3A_285 step %scan3A_286 iter_args(%scan3A_292 = %scan3A_282) -> (i32)  : i32 {
        %get3A_293 = arith.constant 0 : i32
        %get3A_294 = arith.constant 0 : i32
        %get3A_295 = tpu.memref_slice %arg12[%scan3A_280, %get3A_293, %get3A_294] : memref<2x64x64xi32, #tpu.memory_space<vmem>> -> memref<1x64x64xi32, #tpu.memory_space<vmem>>
        %get3A_296 = tpu.memref_squeeze %get3A_295 : memref<1x64x64xi32, #tpu.memory_space<vmem>> -> memref<64x64xi32, #tpu.memory_space<vmem>>
        %get3A_297 = arith.index_cast %scan3A_291 : i32 to index
        %get3A_298 = arith.constant 0 : index
        %get3A_299 = tpu.vector_load %get3A_296[%get3A_297, %get3A_298] {strides = array<i32>} : memref<64x64xi32, #tpu.memory_space<vmem>>, vector<1x16xi32>,
        %get3A_300 = vector.shape_cast %get3A_299 : vector<1x16xi32> to vector<16xi32>
        %shift_left3A = arith.constant 16 : i32
        %shift_left3A_301 = vector.broadcast %shift_left3A : i32 to vector<16xi32>
        %shift_left3A_302 = arith.shli %get3A_300, %shift_left3A_301 : vector<16xi32>
        %bitcast_convert_type3A = tpu.bitcast %shift_left3A_302 : vector<16xi32> -> vector<16xf32>
        %and3A_303 = arith.constant -65536 : i32
        %and3A_304 = vector.broadcast %and3A_303 : i32 to vector<16xi32>
        %and3A_305 = arith.andi %get3A_300, %and3A_304 : vector<16xi32>
        %bitcast_convert_type3A_306 = tpu.bitcast %and3A_305 : vector<16xi32> -> vector<16xf32>
        %get3A_307 = arith.constant 0 : i32
        %get3A_308 = arith.constant 0 : i32
        %get3A_309 = tpu.memref_slice %arg11[%scan3A_281, %get3A_307, %get3A_308] : memref<2x64x128xf32, #tpu.memory_space<vmem>> -> memref<1x64x128xf32, #tpu.memory_space<vmem>>
        %get3A_310 = tpu.memref_squeeze %get3A_309 : memref<1x64x128xf32, #tpu.memory_space<vmem>> -> memref<64x128xf32, #tpu.memory_space<vmem>>
        %get3A_311 = arith.index_cast %scan3A_291 : i32 to index
        %get3A_312 = arith.constant 0 : index
        %get3A_313 = tpu.vector_load %get3A_310[%get3A_311, %get3A_312] {strides = array<i32>} : memref<64x128xf32, #tpu.memory_space<vmem>>, vector<1x16xf32>,
        %get3A_314 = vector.shape_cast %get3A_313 : vector<1x16xf32> to vector<16xf32>
        %add3A_315 = arith.addf %get3A_314, %bitcast_convert_type3A : vector<16xf32>
        %max3A = arith.constant 0.000000e+00 : f32
        %max3A_316 = vector.broadcast %max3A : f32 to vector<16xf32>
        %max3A_317 = arith.maximumf %add3A_315, %max3A_316 : vector<16xf32>
        %swap3A_318 = arith.constant 0 : i32
        %swap3A_319 = arith.constant 0 : i32
        %swap3A_320 = tpu.memref_slice %arg11[%scan3A_281, %swap3A_318, %swap3A_319] : memref<2x64x128xf32, #tpu.memory_space<vmem>> -> memref<1x64x128xf32, #tpu.memory_space<vmem>>
        %swap3A_321 = tpu.memref_squeeze %swap3A_320 : memref<1x64x128xf32, #tpu.memory_space<vmem>> -> memref<64x128xf32, #tpu.memory_space<vmem>>
        %swap3A_322 = arith.index_cast %scan3A_291 : i32 to index
        %swap3A_323 = arith.constant 0 : index
        %swap3A_324 = tpu.vector_load %swap3A_321[%swap3A_322, %swap3A_323] {strides = array<i32>} : memref<64x128xf32, #tpu.memory_space<vmem>>, vector<1x16xf32>,
        %swap3A_325 = vector.shape_cast %swap3A_324 : vector<1x16xf32> to vector<16xf32>
        %swap3A_326 = vector.shape_cast %max3A_317 : vector<16xf32> to vector<1x16xf32>
        tpu.vector_store %swap3A_321[%swap3A_322, %swap3A_323], %swap3A_326 {strides = array<i32>} : memref<64x128xf32, #tpu.memory_space<vmem>>, vector<1x16xf32>,
        %get3A_327 = arith.constant 0 : i32
        %get3A_328 = arith.constant 0 : i32
        %get3A_329 = tpu.memref_slice %arg11[%scan3A_281, %get3A_327, %get3A_328] : memref<2x64x128xf32, #tpu.memory_space<vmem>> -> memref<1x64x128xf32, #tpu.memory_space<vmem>>
        %get3A_330 = tpu.memref_squeeze %get3A_329 : memref<1x64x128xf32, #tpu.memory_space<vmem>> -> memref<64x128xf32, #tpu.memory_space<vmem>>
        %get3A_331 = arith.index_cast %scan3A_291 : i32 to index
        %get3A_332 = arith.constant 16 : index
        %get3A_333 = tpu.vector_load %get3A_330[%get3A_331, %get3A_332] {strides = array<i32>} : memref<64x128xf32, #tpu.memory_space<vmem>>, vector<1x16xf32>,
        %get3A_334 = vector.shape_cast %get3A_333 : vector<1x16xf32> to vector<16xf32>
        %add3A_335 = arith.addf %get3A_334, %bitcast_convert_type3A_306 : vector<16xf32>
        %max3A_336 = arith.constant 0.000000e+00 : f32
        %max3A_337 = vector.broadcast %max3A_336 : f32 to vector<16xf32>
        %max3A_338 = arith.maximumf %add3A_335, %max3A_337 : vector<16xf32>
        %swap3A_339 = arith.constant 0 : i32
        %swap3A_340 = arith.constant 0 : i32
        %swap3A_341 = tpu.memref_slice %arg11[%scan3A_281, %swap3A_339, %swap3A_340] : memref<2x64x128xf32, #tpu.memory_space<vmem>> -> memref<1x64x128xf32, #tpu.memory_space<vmem>>
        %swap3A_342 = tpu.memref_squeeze %swap3A_341 : memref<1x64x128xf32, #tpu.memory_space<vmem>> -> memref<64x128xf32, #tpu.memory_space<vmem>>
        %swap3A_343 = arith.index_cast %scan3A_291 : i32 to index
        %swap3A_344 = arith.constant 16 : index
        %swap3A_345 = tpu.vector_load %swap3A_342[%swap3A_343, %swap3A_344] {strides = array<i32>} : memref<64x128xf32, #tpu.memory_space<vmem>>, vector<1x16xf32>,
        %swap3A_346 = vector.shape_cast %swap3A_345 : vector<1x16xf32> to vector<16xf32>
        %swap3A_347 = vector.shape_cast %max3A_338 : vector<16xf32> to vector<1x16xf32>
        tpu.vector_store %swap3A_342[%swap3A_343, %swap3A_344], %swap3A_347 {strides = array<i32>} : memref<64x128xf32, #tpu.memory_space<vmem>>, vector<1x16xf32>,
        %get3A_348 = arith.constant 0 : i32
        %get3A_349 = arith.constant 0 : i32
        %get3A_350 = tpu.memref_slice %arg12[%scan3A_280, %get3A_348, %get3A_349] : memref<2x64x64xi32, #tpu.memory_space<vmem>> -> memref<1x64x64xi32, #tpu.memory_space<vmem>>
        %get3A_351 = tpu.memref_squeeze %get3A_350 : memref<1x64x64xi32, #tpu.memory_space<vmem>> -> memref<64x64xi32, #tpu.memory_space<vmem>>
        %get3A_352 = arith.index_cast %scan3A_291 : i32 to index
        %get3A_353 = arith.constant 16 : index
        %get3A_354 = tpu.vector_load %get3A_351[%get3A_352, %get3A_353] {strides = array<i32>} : memref<64x64xi32, #tpu.memory_space<vmem>>, vector<1x16xi32>,
        %get3A_355 = vector.shape_cast %get3A_354 : vector<1x16xi32> to vector<16xi32>
        %shift_left3A_356 = arith.constant 16 : i32
        %shift_left3A_357 = vector.broadcast %shift_left3A_356 : i32 to vector<16xi32>
        %shift_left3A_358 = arith.shli %get3A_355, %shift_left3A_357 : vector<16xi32>
        %bitcast_convert_type3A_359 = tpu.bitcast %shift_left3A_358 : vector<16xi32> -> vector<16xf32>
        %and3A_360 = arith.constant -65536 : i32
        %and3A_361 = vector.broadcast %and3A_360 : i32 to vector<16xi32>
        %and3A_362 = arith.andi %get3A_355, %and3A_361 : vector<16xi32>
        %bitcast_convert_type3A_363 = tpu.bitcast %and3A_362 : vector<16xi32> -> vector<16xf32>
        %get3A_364 = arith.constant 0 : i32
        %get3A_365 = arith.constant 0 : i32
        %get3A_366 = tpu.memref_slice %arg11[%scan3A_281, %get3A_364, %get3A_365] : memref<2x64x128xf32, #tpu.memory_space<vmem>> -> memref<1x64x128xf32, #tpu.memory_space<vmem>>
        %get3A_367 = tpu.memref_squeeze %get3A_366 : memref<1x64x128xf32, #tpu.memory_space<vmem>> -> memref<64x128xf32, #tpu.memory_space<vmem>>
        %get3A_368 = arith.index_cast %scan3A_291 : i32 to index
        %get3A_369 = arith.constant 32 : index
        %get3A_370 = tpu.vector_load %get3A_367[%get3A_368, %get3A_369] {strides = array<i32>} : memref<64x128xf32, #tpu.memory_space<vmem>>, vector<1x16xf32>,
        %get3A_371 = vector.shape_cast %get3A_370 : vector<1x16xf32> to vector<16xf32>
        %add3A_372 = arith.addf %get3A_371, %bitcast_convert_type3A_359 : vector<16xf32>
        %max3A_373 = arith.constant 0.000000e+00 : f32
        %max3A_374 = vector.broadcast %max3A_373 : f32 to vector<16xf32>
        %max3A_375 = arith.maximumf %add3A_372, %max3A_374 : vector<16xf32>
        %swap3A_376 = arith.constant 0 : i32
        %swap3A_377 = arith.constant 0 : i32
        %swap3A_378 = tpu.memref_slice %arg11[%scan3A_281, %swap3A_376, %swap3A_377] : memref<2x64x128xf32, #tpu.memory_space<vmem>> -> memref<1x64x128xf32, #tpu.memory_space<vmem>>
        %swap3A_379 = tpu.memref_squeeze %swap3A_378 : memref<1x64x128xf32, #tpu.memory_space<vmem>> -> memref<64x128xf32, #tpu.memory_space<vmem>>
        %swap3A_380 = arith.index_cast %scan3A_291 : i32 to index
        %swap3A_381 = arith.constant 32 : index
        %swap3A_382 = tpu.vector_load %swap3A_379[%swap3A_380, %swap3A_381] {strides = array<i32>} : memref<64x128xf32, #tpu.memory_space<vmem>>, vector<1x16xf32>,
        %swap3A_383 = vector.shape_cast %swap3A_382 : vector<1x16xf32> to vector<16xf32>
        %swap3A_384 = vector.shape_cast %max3A_375 : vector<16xf32> to vector<1x16xf32>
        tpu.vector_store %swap3A_379[%swap3A_380, %swap3A_381], %swap3A_384 {strides = array<i32>} : memref<64x128xf32, #tpu.memory_space<vmem>>, vector<1x16xf32>,
        %get3A_385 = arith.constant 0 : i32
        %get3A_386 = arith.constant 0 : i32
        %get3A_387 = tpu.memref_slice %arg11[%scan3A_281, %get3A_385, %get3A_386] : memref<2x64x128xf32, #tpu.memory_space<vmem>> -> memref<1x64x128xf32, #tpu.memory_space<vmem>>
        %get3A_388 = tpu.memref_squeeze %get3A_387 : memref<1x64x128xf32, #tpu.memory_space<vmem>> -> memref<64x128xf32, #tpu.memory_space<vmem>>
        %get3A_389 = arith.index_cast %scan3A_291 : i32 to index
        %get3A_390 = arith.constant 48 : index
        %get3A_391 = tpu.vector_load %get3A_388[%get3A_389, %get3A_390] {strides = array<i32>} : memref<64x128xf32, #tpu.memory_space<vmem>>, vector<1x16xf32>,
        %get3A_392 = vector.shape_cast %get3A_391 : vector<1x16xf32> to vector<16xf32>
        %add3A_393 = arith.addf %get3A_392, %bitcast_convert_type3A_363 : vector<16xf32>
        %max3A_394 = arith.constant 0.000000e+00 : f32
        %max3A_395 = vector.broadcast %max3A_394 : f32 to vector<16xf32>
        %max3A_396 = arith.maximumf %add3A_393, %max3A_395 : vector<16xf32>
        %swap3A_397 = arith.constant 0 : i32
        %swap3A_398 = arith.constant 0 : i32
        %swap3A_399 = tpu.memref_slice %arg11[%scan3A_281, %swap3A_397, %swap3A_398] : memref<2x64x128xf32, #tpu.memory_space<vmem>> -> memref<1x64x128xf32, #tpu.memory_space<vmem>>
        %swap3A_400 = tpu.memref_squeeze %swap3A_399 : memref<1x64x128xf32, #tpu.memory_space<vmem>> -> memref<64x128xf32, #tpu.memory_space<vmem>>
        %swap3A_401 = arith.index_cast %scan3A_291 : i32 to index
        %swap3A_402 = arith.constant 48 : index
        %swap3A_403 = tpu.vector_load %swap3A_400[%swap3A_401, %swap3A_402] {strides = array<i32>} : memref<64x128xf32, #tpu.memory_space<vmem>>, vector<1x16xf32>,
        %swap3A_404 = vector.shape_cast %swap3A_403 : vector<1x16xf32> to vector<16xf32>
        %swap3A_405 = vector.shape_cast %max3A_396 : vector<16xf32> to vector<1x16xf32>
        tpu.vector_store %swap3A_400[%swap3A_401, %swap3A_402], %swap3A_405 {strides = array<i32>} : memref<64x128xf32, #tpu.memory_space<vmem>>, vector<1x16xf32>,
        %get3A_406 = arith.constant 0 : i32
        %get3A_407 = arith.constant 0 : i32
        %get3A_408 = tpu.memref_slice %arg12[%scan3A_280, %get3A_406, %get3A_407] : memref<2x64x64xi32, #tpu.memory_space<vmem>> -> memref<1x64x64xi32, #tpu.memory_space<vmem>>
        %get3A_409 = tpu.memref_squeeze %get3A_408 : memref<1x64x64xi32, #tpu.memory_space<vmem>> -> memref<64x64xi32, #tpu.memory_space<vmem>>
        %get3A_410 = arith.index_cast %scan3A_291 : i32 to index
        %get3A_411 = arith.constant 32 : index
        %get3A_412 = tpu.vector_load %get3A_409[%get3A_410, %get3A_411] {strides = array<i32>} : memref<64x64xi32, #tpu.memory_space<vmem>>, vector<1x16xi32>,
        %get3A_413 = vector.shape_cast %get3A_412 : vector<1x16xi32> to vector<16xi32>
        %shift_left3A_414 = arith.constant 16 : i32
        %shift_left3A_415 = vector.broadcast %shift_left3A_414 : i32 to vector<16xi32>
        %shift_left3A_416 = arith.shli %get3A_413, %shift_left3A_415 : vector<16xi32>
        %bitcast_convert_type3A_417 = tpu.bitcast %shift_left3A_416 : vector<16xi32> -> vector<16xf32>
        %and3A_418 = arith.constant -65536 : i32
        %and3A_419 = vector.broadcast %and3A_418 : i32 to vector<16xi32>
        %and3A_420 = arith.andi %get3A_413, %and3A_419 : vector<16xi32>
        %bitcast_convert_type3A_421 = tpu.bitcast %and3A_420 : vector<16xi32> -> vector<16xf32>
        %get3A_422 = arith.constant 0 : i32
        %get3A_423 = arith.constant 0 : i32
        %get3A_424 = tpu.memref_slice %arg11[%scan3A_281, %get3A_422, %get3A_423] : memref<2x64x128xf32, #tpu.memory_space<vmem>> -> memref<1x64x128xf32, #tpu.memory_space<vmem>>
        %get3A_425 = tpu.memref_squeeze %get3A_424 : memref<1x64x128xf32, #tpu.memory_space<vmem>> -> memref<64x128xf32, #tpu.memory_space<vmem>>
        %get3A_426 = arith.index_cast %scan3A_291 : i32 to index
        %get3A_427 = arith.constant 64 : index
        %get3A_428 = tpu.vector_load %get3A_425[%get3A_426, %get3A_427] {strides = array<i32>} : memref<64x128xf32, #tpu.memory_space<vmem>>, vector<1x16xf32>,
        %get3A_429 = vector.shape_cast %get3A_428 : vector<1x16xf32> to vector<16xf32>
        %add3A_430 = arith.addf %get3A_429, %bitcast_convert_type3A_417 : vector<16xf32>
        %max3A_431 = arith.constant 0.000000e+00 : f32
        %max3A_432 = vector.broadcast %max3A_431 : f32 to vector<16xf32>
        %max3A_433 = arith.maximumf %add3A_430, %max3A_432 : vector<16xf32>
        %swap3A_434 = arith.constant 0 : i32
        %swap3A_435 = arith.constant 0 : i32
        %swap3A_436 = tpu.memref_slice %arg11[%scan3A_281, %swap3A_434, %swap3A_435] : memref<2x64x128xf32, #tpu.memory_space<vmem>> -> memref<1x64x128xf32, #tpu.memory_space<vmem>>
        %swap3A_437 = tpu.memref_squeeze %swap3A_436 : memref<1x64x128xf32, #tpu.memory_space<vmem>> -> memref<64x128xf32, #tpu.memory_space<vmem>>
        %swap3A_438 = arith.index_cast %scan3A_291 : i32 to index
        %swap3A_439 = arith.constant 64 : index
        %swap3A_440 = tpu.vector_load %swap3A_437[%swap3A_438, %swap3A_439] {strides = array<i32>} : memref<64x128xf32, #tpu.memory_space<vmem>>, vector<1x16xf32>,
        %swap3A_441 = vector.shape_cast %swap3A_440 : vector<1x16xf32> to vector<16xf32>
        %swap3A_442 = vector.shape_cast %max3A_433 : vector<16xf32> to vector<1x16xf32>
        tpu.vector_store %swap3A_437[%swap3A_438, %swap3A_439], %swap3A_442 {strides = array<i32>} : memref<64x128xf32, #tpu.memory_space<vmem>>, vector<1x16xf32>,
        %get3A_443 = arith.constant 0 : i32
        %get3A_444 = arith.constant 0 : i32
        %get3A_445 = tpu.memref_slice %arg11[%scan3A_281, %get3A_443, %get3A_444] : memref<2x64x128xf32, #tpu.memory_space<vmem>> -> memref<1x64x128xf32, #tpu.memory_space<vmem>>
        %get3A_446 = tpu.memref_squeeze %get3A_445 : memref<1x64x128xf32, #tpu.memory_space<vmem>> -> memref<64x128xf32, #tpu.memory_space<vmem>>
        %get3A_447 = arith.index_cast %scan3A_291 : i32 to index
        %get3A_448 = arith.constant 80 : index
        %get3A_449 = tpu.vector_load %get3A_446[%get3A_447, %get3A_448] {strides = array<i32>} : memref<64x128xf32, #tpu.memory_space<vmem>>, vector<1x16xf32>,
        %get3A_450 = vector.shape_cast %get3A_449 : vector<1x16xf32> to vector<16xf32>
        %add3A_451 = arith.addf %get3A_450, %bitcast_convert_type3A_421 : vector<16xf32>
        %max3A_452 = arith.constant 0.000000e+00 : f32
        %max3A_453 = vector.broadcast %max3A_452 : f32 to vector<16xf32>
        %max3A_454 = arith.maximumf %add3A_451, %max3A_453 : vector<16xf32>
        %swap3A_455 = arith.constant 0 : i32
        %swap3A_456 = arith.constant 0 : i32
        %swap3A_457 = tpu.memref_slice %arg11[%scan3A_281, %swap3A_455, %swap3A_456] : memref<2x64x128xf32, #tpu.memory_space<vmem>> -> memref<1x64x128xf32, #tpu.memory_space<vmem>>
        %swap3A_458 = tpu.memref_squeeze %swap3A_457 : memref<1x64x128xf32, #tpu.memory_space<vmem>> -> memref<64x128xf32, #tpu.memory_space<vmem>>
        %swap3A_459 = arith.index_cast %scan3A_291 : i32 to index
        %swap3A_460 = arith.constant 80 : index
        %swap3A_461 = tpu.vector_load %swap3A_458[%swap3A_459, %swap3A_460] {strides = array<i32>} : memref<64x128xf32, #tpu.memory_space<vmem>>, vector<1x16xf32>,
        %swap3A_462 = vector.shape_cast %swap3A_461 : vector<1x16xf32> to vector<16xf32>
        %swap3A_463 = vector.shape_cast %max3A_454 : vector<16xf32> to vector<1x16xf32>
        tpu.vector_store %swap3A_458[%swap3A_459, %swap3A_460], %swap3A_463 {strides = array<i32>} : memref<64x128xf32, #tpu.memory_space<vmem>>, vector<1x16xf32>,
        %get3A_464 = arith.constant 0 : i32
        %get3A_465 = arith.constant 0 : i32
        %get3A_466 = tpu.memref_slice %arg12[%scan3A_280, %get3A_464, %get3A_465] : memref<2x64x64xi32, #tpu.memory_space<vmem>> -> memref<1x64x64xi32, #tpu.memory_space<vmem>>
        %get3A_467 = tpu.memref_squeeze %get3A_466 : memref<1x64x64xi32, #tpu.memory_space<vmem>> -> memref<64x64xi32, #tpu.memory_space<vmem>>
        %get3A_468 = arith.index_cast %scan3A_291 : i32 to index
        %get3A_469 = arith.constant 48 : index
        %get3A_470 = tpu.vector_load %get3A_467[%get3A_468, %get3A_469] {strides = array<i32>} : memref<64x64xi32, #tpu.memory_space<vmem>>, vector<1x16xi32>,
        %get3A_471 = vector.shape_cast %get3A_470 : vector<1x16xi32> to vector<16xi32>
        %shift_left3A_472 = arith.constant 16 : i32
        %shift_left3A_473 = vector.broadcast %shift_left3A_472 : i32 to vector<16xi32>
        %shift_left3A_474 = arith.shli %get3A_471, %shift_left3A_473 : vector<16xi32>
        %bitcast_convert_type3A_475 = tpu.bitcast %shift_left3A_474 : vector<16xi32> -> vector<16xf32>
        %and3A_476 = arith.constant -65536 : i32
        %and3A_477 = vector.broadcast %and3A_476 : i32 to vector<16xi32>
        %and3A_478 = arith.andi %get3A_471, %and3A_477 : vector<16xi32>
        %bitcast_convert_type3A_479 = tpu.bitcast %and3A_478 : vector<16xi32> -> vector<16xf32>
        %get3A_480 = arith.constant 0 : i32
        %get3A_481 = arith.constant 0 : i32
        %get3A_482 = tpu.memref_slice %arg11[%scan3A_281, %get3A_480, %get3A_481] : memref<2x64x128xf32, #tpu.memory_space<vmem>> -> memref<1x64x128xf32, #tpu.memory_space<vmem>>
        %get3A_483 = tpu.memref_squeeze %get3A_482 : memref<1x64x128xf32, #tpu.memory_space<vmem>> -> memref<64x128xf32, #tpu.memory_space<vmem>>
        %get3A_484 = arith.index_cast %scan3A_291 : i32 to index
        %get3A_485 = arith.constant 96 : index
        %get3A_486 = tpu.vector_load %get3A_483[%get3A_484, %get3A_485] {strides = array<i32>} : memref<64x128xf32, #tpu.memory_space<vmem>>, vector<1x16xf32>,
        %get3A_487 = vector.shape_cast %get3A_486 : vector<1x16xf32> to vector<16xf32>
        %add3A_488 = arith.addf %get3A_487, %bitcast_convert_type3A_475 : vector<16xf32>
        %max3A_489 = arith.constant 0.000000e+00 : f32
        %max3A_490 = vector.broadcast %max3A_489 : f32 to vector<16xf32>
        %max3A_491 = arith.maximumf %add3A_488, %max3A_490 : vector<16xf32>
        %swap3A_492 = arith.constant 0 : i32
        %swap3A_493 = arith.constant 0 : i32
        %swap3A_494 = tpu.memref_slice %arg11[%scan3A_281, %swap3A_492, %swap3A_493] : memref<2x64x128xf32, #tpu.memory_space<vmem>> -> memref<1x64x128xf32, #tpu.memory_space<vmem>>
        %swap3A_495 = tpu.memref_squeeze %swap3A_494 : memref<1x64x128xf32, #tpu.memory_space<vmem>> -> memref<64x128xf32, #tpu.memory_space<vmem>>
        %swap3A_496 = arith.index_cast %scan3A_291 : i32 to index
        %swap3A_497 = arith.constant 96 : index
        %swap3A_498 = tpu.vector_load %swap3A_495[%swap3A_496, %swap3A_497] {strides = array<i32>} : memref<64x128xf32, #tpu.memory_space<vmem>>, vector<1x16xf32>,
        %swap3A_499 = vector.shape_cast %swap3A_498 : vector<1x16xf32> to vector<16xf32>
        %swap3A_500 = vector.shape_cast %max3A_491 : vector<16xf32> to vector<1x16xf32>
        tpu.vector_store %swap3A_495[%swap3A_496, %swap3A_497], %swap3A_500 {strides = array<i32>} : memref<64x128xf32, #tpu.memory_space<vmem>>, vector<1x16xf32>,
        %get3A_501 = arith.constant 0 : i32
        %get3A_502 = arith.constant 0 : i32
        %get3A_503 = tpu.memref_slice %arg11[%scan3A_281, %get3A_501, %get3A_502] : memref<2x64x128xf32, #tpu.memory_space<vmem>> -> memref<1x64x128xf32, #tpu.memory_space<vmem>>
        %get3A_504 = tpu.memref_squeeze %get3A_503 : memref<1x64x128xf32, #tpu.memory_space<vmem>> -> memref<64x128xf32, #tpu.memory_space<vmem>>
        %get3A_505 = arith.index_cast %scan3A_291 : i32 to index
        %get3A_506 = arith.constant 112 : index
        %get3A_507 = tpu.vector_load %get3A_504[%get3A_505, %get3A_506] {strides = array<i32>} : memref<64x128xf32, #tpu.memory_space<vmem>>, vector<1x16xf32>,
        %get3A_508 = vector.shape_cast %get3A_507 : vector<1x16xf32> to vector<16xf32>
        %add3A_509 = arith.addf %get3A_508, %bitcast_convert_type3A_479 : vector<16xf32>
        %max3A_510 = arith.constant 0.000000e+00 : f32
        %max3A_511 = vector.broadcast %max3A_510 : f32 to vector<16xf32>
        %max3A_512 = arith.maximumf %add3A_509, %max3A_511 : vector<16xf32>
        %swap3A_513 = arith.constant 0 : i32
        %swap3A_514 = arith.constant 0 : i32
        %swap3A_515 = tpu.memref_slice %arg11[%scan3A_281, %swap3A_513, %swap3A_514] : memref<2x64x128xf32, #tpu.memory_space<vmem>> -> memref<1x64x128xf32, #tpu.memory_space<vmem>>
        %swap3A_516 = tpu.memref_squeeze %swap3A_515 : memref<1x64x128xf32, #tpu.memory_space<vmem>> -> memref<64x128xf32, #tpu.memory_space<vmem>>
        %swap3A_517 = arith.index_cast %scan3A_291 : i32 to index
        %swap3A_518 = arith.constant 112 : index
        %swap3A_519 = tpu.vector_load %swap3A_516[%swap3A_517, %swap3A_518] {strides = array<i32>} : memref<64x128xf32, #tpu.memory_space<vmem>>, vector<1x16xf32>,
        %swap3A_520 = vector.shape_cast %swap3A_519 : vector<1x16xf32> to vector<16xf32>
        %swap3A_521 = vector.shape_cast %max3A_512 : vector<16xf32> to vector<1x16xf32>
        tpu.vector_store %swap3A_516[%swap3A_517, %swap3A_518], %swap3A_521 {strides = array<i32>} : memref<64x128xf32, #tpu.memory_space<vmem>>, vector<1x16xf32>,
        %scan3A_522 = arith.constant 0 : i32
        scf.yield %scan3A_522 : i32
      }
      %scan3A_288 = arith.constant 64 : i32
      %run_scoped3A_289 = arith.constant 1 : i32
      "tpu.region"() ({
        %run_scoped3A_291 = tpu.sem_alloc : memref<!tpu.dma_semaphore, #tpu.memory_space<semaphore_mem>>
        %dma_start3A_292 = arith.constant 0 : i32
        %dma_start3A_293 = arith.constant 0 : i32
        %dma_start3A_294 = tpu.memref_slice %arg11[%run_scoped3A_289, %dma_start3A_292, %dma_start3A_293] : memref<2x64x128xf32, #tpu.memory_space<vmem>> -> memref<1x64x128xf32, #tpu.memory_space<vmem>>
        %dma_start3A_295 = tpu.memref_squeeze %dma_start3A_294 : memref<1x64x128xf32, #tpu.memory_space<vmem>> -> memref<64x128xf32, #tpu.memory_space<vmem>>
        %dma_start3A_296 = arith.constant 0 : i32
        %dma_start3A_297 = arith.constant 0 : i32
        %dma_start3A_298 = tpu.memref_slice %arg13[%dma_start3A_296, %dma_start3A_297] : memref<10240x128xf32, #tpu.memory_space<vmem_shared>> -> memref<10240x128xf32, #tpu.memory_space<vmem_shared>>
        tpu.enqueue_indirect_dma source(%dma_start3A_295 : memref<64x128xf32, #tpu.memory_space<vmem>>) target(%dma_start3A_298 : memref<10240x128xf32, #tpu.memory_space<vmem_shared>>) offsets(%arg10 : memref<64xi32, #tpu.memory_space<vmem>>) semaphore(%run_scoped3A_291 : memref<!tpu.dma_semaphore, #tpu.memory_space<semaphore_mem>>) {add = true}
        %dma_wait3A_299 = arith.constant 0 : i32
        %dma_wait3A_300 = arith.constant 0 : i32
        %dma_wait3A_301 = tpu.memref_slice %arg11[%run_scoped3A_289, %dma_wait3A_299, %dma_wait3A_300] : memref<2x64x128xf32, #tpu.memory_space<vmem>> -> memref<1x64x128xf32, #tpu.memory_space<vmem>>
        %dma_wait3A_302 = tpu.memref_squeeze %dma_wait3A_301 : memref<1x64x128xf32, #tpu.memory_space<vmem>> -> memref<64x128xf32, #tpu.memory_space<vmem>>
        %dma_wait3A_303 = arith.constant 0 : i32
        %dma_wait3A_304 = arith.constant 0 : i32
        %dma_wait3A_305 = tpu.memref_slice %arg13[%dma_wait3A_303, %dma_wait3A_304] : memref<10240x128xf32, #tpu.memory_space<vmem_shared>> -> memref<10240x128xf32, #tpu.memory_space<vmem_shared>>
        tpu.wait_indirect_dma semaphore(%run_scoped3A_291 : memref<!tpu.dma_semaphore, #tpu.memory_space<semaphore_mem>>) src(%dma_wait3A_302 : memref<64x128xf32, #tpu.memory_space<vmem>>) dst(%dma_wait3A_305 : memref<10240x128xf32, #tpu.memory_space<vmem_shared>>)
        tpu.yield
      }) : () -> ()
      %while3A_290 = arith.constant 0 : i32
      scf.yield %while3A_290 : i32
    }
    %barrier3A_199 = arith.constant 0 : index
    tpu.barrier barrier_id(%barrier3A_199)
    %mul3A_200 = arith.constant 640 : i32
    %mul3A_201 = arith.muli %arg1, %mul3A_200 : i32
    %mul3A_202 = arith.constant 640 : i32
    %mul3A_203 = arith.muli %arg1, %mul3A_202 : i32
    "tpu.region"() ({
      %run_scoped3A_204 = tpu.sem_alloc : memref<!tpu.dma_semaphore, #tpu.memory_space<semaphore_mem>>
      %dma_start3A_205 = arith.constant 0 : i32
      %dma_start3A_206 = tpu.memref_slice %arg5[%arg0, %mul3A_203, %dma_start3A_205] : memref<2x10240x128xf32, #tpu.memory_space<hbm>> -> memref<1x640x128xf32, #tpu.memory_space<hbm>>
      %dma_start3A_207 = tpu.memref_squeeze %dma_start3A_206 : memref<1x640x128xf32, #tpu.memory_space<hbm>> -> memref<640x128xf32, #tpu.memory_space<hbm>>
      %dma_start3A_208 = arith.constant 0 : i32
      %dma_start3A_209 = tpu.memref_slice %arg13[%mul3A_201, %dma_start3A_208] : memref<10240x128xf32, #tpu.memory_space<vmem_shared>> -> memref<640x128xf32, #tpu.memory_space<vmem_shared>>
      tpu.enqueue_dma source(%dma_start3A_209 : memref<640x128xf32, #tpu.memory_space<vmem_shared>>) target(%dma_start3A_207 : memref<640x128xf32, #tpu.memory_space<hbm>>) target_semaphore(%run_scoped3A_204 : memref<!tpu.dma_semaphore, #tpu.memory_space<semaphore_mem>>)
      %dma_wait3A = arith.constant 0 : i32
      %dma_wait3A_210 = tpu.memref_slice %arg5[%arg0, %mul3A_203, %dma_wait3A] : memref<2x10240x128xf32, #tpu.memory_space<hbm>> -> memref<1x640x128xf32, #tpu.memory_space<hbm>>
      %dma_wait3A_211 = tpu.memref_squeeze %dma_wait3A_210 : memref<1x640x128xf32, #tpu.memory_space<hbm>> -> memref<640x128xf32, #tpu.memory_space<hbm>>
      %dma_wait3A_212 = arith.constant 0 : i32
      %dma_wait3A_213 = tpu.memref_slice %arg13[%mul3A_201, %dma_wait3A_212] : memref<10240x128xf32, #tpu.memory_space<vmem_shared>> -> memref<640x128xf32, #tpu.memory_space<vmem_shared>>
      tpu.wait_dma2 semaphore(%run_scoped3A_204 : memref<!tpu.dma_semaphore, #tpu.memory_space<semaphore_mem>>) src(%dma_wait3A_213 : memref<640x128xf32, #tpu.memory_space<vmem_shared>>) dst(%dma_wait3A_211 : memref<640x128xf32, #tpu.memory_space<hbm>>)
      tpu.yield
    }) : () -> ()
    return
  }
}

module attributes {stable_mosaic.version = 14 : i64} {
  func.func @_eproj_body(%arg0: i32, %arg1: memref<2560x16xf32, #tpu.memory_space<vmem>>, %arg2: memref<16x128xf32, #tpu.memory_space<vmem>>, %arg3: memref<1x128xf32, #tpu.memory_space<vmem>>, %arg4: memref<2560x128xbf16, #tpu.memory_space<vmem>>) attributes {dimension_semantics = [#tpu.dimension_semantics<arbitrary>], iteration_bounds = array<i64: 128>, scalar_prefetch = 0 : i64, scratch_operands = 0 : i64, tpu.core_type = #tpu.core_type<tc>, window_params = [{transform_indices = @transform_0, window_bounds = array<i64: 2560, 16>}, {pipeline_mode = #tpu.pipeline_mode<synchronous>, transform_indices = @transform_1, window_bounds = array<i64: 16, 128>}, {pipeline_mode = #tpu.pipeline_mode<synchronous>, transform_indices = @transform_2, window_bounds = array<i64: 1, 128>}, {transform_indices = @transform_3, window_bounds = array<i64: 2560, 128>}]} {
    %get3A = arith.constant 0 : index
    %get3A_0 = arith.constant 0 : index
    %get3A_1 = vector.load %arg1[%get3A, %get3A_0] : memref<2560x16xf32, #tpu.memory_space<vmem>>, vector<2560x16xf32>
    %get3A_2 = arith.constant 0 : index
    %get3A_3 = arith.constant 0 : index
    %get3A_4 = vector.load %arg2[%get3A_2, %get3A_3] : memref<16x128xf32, #tpu.memory_space<vmem>>, vector<16x128xf32>
    %dot_general3A = arith.constant dense<0.000000e+00> : vector<2560x128xf32>
    %dot_general3A_5 = tpu.matmul %get3A_1, %get3A_4, %dot_general3A {dimension_numbers = #tpu.dot_dimension_numbers<[1], [0], [0], [1], [0, 0, 1, 1], [], []>, transpose_lhs_hint = false} : vector<2560x16xf32>, vector<16x128xf32>, vector<2560x128xf32> -> vector<2560x128xf32>
    %get3A_6 = arith.constant 0 : index
    %get3A_7 = arith.constant 0 : index
    %get3A_8 = vector.load %arg3[%get3A_6, %get3A_7] : memref<1x128xf32, #tpu.memory_space<vmem>>, vector<1x128xf32>
    %add3A = vector.broadcast %get3A_8 : vector<1x128xf32> to vector<2560x128xf32>
    %add3A_9 = arith.addf %dot_general3A_5, %add3A : vector<2560x128xf32>
    %convert_element_type3A = arith.truncf %add3A_9 : vector<2560x128xf32> to vector<2560x128xbf16>
    %swap3A = arith.constant 0 : index
    %swap3A_10 = arith.constant 0 : index
    %swap3A_11 = vector.load %arg4[%swap3A, %swap3A_10] : memref<2560x128xbf16, #tpu.memory_space<vmem>>, vector<2560x128xbf16>
    tpu.vector_store %arg4[%swap3A, %swap3A_10], %convert_element_type3A {strides = array<i32>} : memref<2560x128xbf16, #tpu.memory_space<vmem>>, vector<2560x128xbf16>,
    return
  }
  func.func @transform_0(%arg0: i32) -> (i32, i32) {
    %min3A = arith.constant 124 : i32
    %min3A_0 = arith.minsi %arg0, %min3A : i32
    %c0_i32 = arith.constant 0 : i32
    %c0_i32_1 = arith.constant 0 : i32
    return %min3A_0, %c0_i32 : i32, i32
  }
  func.func @transform_1(%arg0: i32) -> (i32, i32) {
    %c0_i32 = arith.constant 0 : i32
    %c0_i32_0 = arith.constant 0 : i32
    %c0_i32_1 = arith.constant 0 : i32
    return %c0_i32, %c0_i32_0 : i32, i32
  }
  func.func @transform_2(%arg0: i32) -> (i32, i32) {
    %c0_i32 = arith.constant 0 : i32
    %c0_i32_0 = arith.constant 0 : i32
    %c0_i32_1 = arith.constant 0 : i32
    return %c0_i32, %c0_i32_0 : i32, i32
  }
  func.func @transform_3(%arg0: i32) -> (i32, i32) {
    %c0_i32 = arith.constant 0 : i32
    %c0_i32_0 = arith.constant 0 : i32
    return %arg0, %c0_i32 : i32, i32
  }
}

module attributes {stable_mosaic.version = 14 : i64} {
  func.func @_node_body(%arg0: memref<10000x128xf32, #tpu.memory_space<vmem>>, %arg1: memref<2x10240x128xf32, #tpu.memory_space<vmem>>, %arg2: memref<128x128xf32, #tpu.memory_space<vmem>>, %arg3: memref<1x128xf32, #tpu.memory_space<vmem>>, %arg4: memref<128x128xf32, #tpu.memory_space<vmem>>, %arg5: memref<1x128xf32, #tpu.memory_space<vmem>>, %arg6: memref<1x128xf32, #tpu.memory_space<vmem>>, %arg7: memref<1x128xf32, #tpu.memory_space<vmem>>, %arg8: memref<10000x128xf32, #tpu.memory_space<vmem>>) attributes {dimension_semantics = [], scalar_prefetch = 0 : i64, scratch_operands = 0 : i64, tpu.core_type = #tpu.core_type<tc>} {
    %get3A = arith.constant 0 : index
    %get3A_0 = arith.constant 0 : index
    %get3A_1 = vector.load %arg0[%get3A, %get3A_0] : memref<10000x128xf32, #tpu.memory_space<vmem>>, vector<10000x128xf32>
    %get3A_2 = arith.constant 0 : index
    %get3A_3 = arith.constant 0 : index
    %get3A_4 = arith.constant 0 : index
    %get3A_5 = vector.load %arg1[%get3A_2, %get3A_3, %get3A_4] : memref<2x10240x128xf32, #tpu.memory_space<vmem>>, vector<1x10000x128xf32>
    %get3A_6 = vector.shape_cast %get3A_5 : vector<1x10000x128xf32> to vector<10000x128xf32>
    %add3A = arith.addf %get3A_1, %get3A_6 : vector<10000x128xf32>
    %get3A_7 = arith.constant 1 : index
    %get3A_8 = arith.constant 0 : index
    %get3A_9 = arith.constant 0 : index
    %get3A_10 = vector.load %arg1[%get3A_7, %get3A_8, %get3A_9] : memref<2x10240x128xf32, #tpu.memory_space<vmem>>, vector<1x10000x128xf32>
    %get3A_11 = vector.shape_cast %get3A_10 : vector<1x10000x128xf32> to vector<10000x128xf32>
    %add3A_12 = arith.addf %add3A, %get3A_11 : vector<10000x128xf32>
    %get3A_13 = arith.constant 0 : index
    %get3A_14 = arith.constant 0 : index
    %get3A_15 = vector.load %arg2[%get3A_13, %get3A_14] : memref<128x128xf32, #tpu.memory_space<vmem>>, vector<128x128xf32>
    %dot_general3A = arith.constant dense<0.000000e+00> : vector<10000x128xf32>
    %dot_general3A_16 = tpu.matmul %add3A_12, %get3A_15, %dot_general3A {dimension_numbers = #tpu.dot_dimension_numbers<[1], [0], [0], [1], [0, 0, 1, 1], [], []>, transpose_lhs_hint = false} : vector<10000x128xf32>, vector<128x128xf32>, vector<10000x128xf32> -> vector<10000x128xf32>
    %get3A_17 = arith.constant 0 : index
    %get3A_18 = arith.constant 0 : index
    %get3A_19 = vector.load %arg3[%get3A_17, %get3A_18] : memref<1x128xf32, #tpu.memory_space<vmem>>, vector<1x128xf32>
    %add3A_20 = vector.broadcast %get3A_19 : vector<1x128xf32> to vector<10000x128xf32>
    %add3A_21 = arith.addf %dot_general3A_16, %add3A_20 : vector<10000x128xf32>
    %max3A = arith.constant 0.000000e+00 : f32
    %max3A_22 = vector.broadcast %max3A : f32 to vector<10000x128xf32>
    %max3A_23 = arith.maximumf %add3A_21, %max3A_22 : vector<10000x128xf32>
    %get3A_24 = arith.constant 0 : index
    %get3A_25 = arith.constant 0 : index
    %get3A_26 = vector.load %arg4[%get3A_24, %get3A_25] : memref<128x128xf32, #tpu.memory_space<vmem>>, vector<128x128xf32>
    %dot_general3A_27 = arith.constant dense<0.000000e+00> : vector<10000x128xf32>
    %dot_general3A_28 = tpu.matmul %max3A_23, %get3A_26, %dot_general3A_27 {dimension_numbers = #tpu.dot_dimension_numbers<[1], [0], [0], [1], [0, 0, 1, 1], [], []>, transpose_lhs_hint = false} : vector<10000x128xf32>, vector<128x128xf32>, vector<10000x128xf32> -> vector<10000x128xf32>
    %get3A_29 = arith.constant 0 : index
    %get3A_30 = arith.constant 0 : index
    %get3A_31 = vector.load %arg5[%get3A_29, %get3A_30] : memref<1x128xf32, #tpu.memory_space<vmem>>, vector<1x128xf32>
    %add3A_32 = vector.broadcast %get3A_31 : vector<1x128xf32> to vector<10000x128xf32>
    %add3A_33 = arith.addf %dot_general3A_28, %add3A_32 : vector<10000x128xf32>
    %reduce_sum3A = arith.constant dense<0.000000e+00> : vector<128xf32>
    %reduce_sum3A_34 = vector.multi_reduction <add>, %add3A_33, %reduce_sum3A [0] : vector<10000x128xf32> to vector<128xf32>
    %broadcast_in_dim3A = vector.shape_cast %reduce_sum3A_34 : vector<128xf32> to vector<1x128xf32>
    %div3A = arith.constant 1.000000e+04 : f32
    %div3A_35 = vector.broadcast %div3A : f32 to vector<1x128xf32>
    %div3A_36 = arith.divf %broadcast_in_dim3A, %div3A_35 : vector<1x128xf32>
    %sub3A = vector.broadcast %div3A_36 : vector<1x128xf32> to vector<10000x128xf32>
    %sub3A_37 = arith.subf %add3A_33, %sub3A : vector<10000x128xf32>
    %integer_pow3A = arith.mulf %sub3A_37, %sub3A_37 : vector<10000x128xf32>
    %reduce_sum3A_38 = arith.constant dense<0.000000e+00> : vector<128xf32>
    %reduce_sum3A_39 = vector.multi_reduction <add>, %integer_pow3A, %reduce_sum3A_38 [0] : vector<10000x128xf32> to vector<128xf32>
    %broadcast_in_dim3A_40 = vector.shape_cast %reduce_sum3A_39 : vector<128xf32> to vector<1x128xf32>
    %div3A_41 = arith.constant 1.000000e+04 : f32
    %div3A_42 = vector.broadcast %div3A_41 : f32 to vector<1x128xf32>
    %div3A_43 = arith.divf %broadcast_in_dim3A_40, %div3A_42 : vector<1x128xf32>
    %get3A_44 = arith.constant 0 : index
    %get3A_45 = arith.constant 0 : index
    %get3A_46 = vector.load %arg6[%get3A_44, %get3A_45] : memref<1x128xf32, #tpu.memory_space<vmem>>, vector<1x128xf32>
    %sub3A_47 = vector.broadcast %div3A_36 : vector<1x128xf32> to vector<10000x128xf32>
    %sub3A_48 = arith.subf %add3A_33, %sub3A_47 : vector<10000x128xf32>
    %mul3A = vector.broadcast %get3A_46 : vector<1x128xf32> to vector<10000x128xf32>
    %mul3A_49 = arith.mulf %mul3A, %sub3A_48 : vector<10000x128xf32>
    %add3A_50 = arith.constant 9.99999974E-6 : f32
    %add3A_51 = vector.broadcast %add3A_50 : f32 to vector<1x128xf32>
    %add3A_52 = arith.addf %div3A_43, %add3A_51 : vector<1x128xf32>
    %rsqrt3A = math.rsqrt %add3A_52 : vector<1x128xf32>
    %mul3A_53 = vector.broadcast %rsqrt3A : vector<1x128xf32> to vector<10000x128xf32>
    %mul3A_54 = arith.mulf %mul3A_49, %mul3A_53 : vector<10000x128xf32>
    %get3A_55 = arith.constant 0 : index
    %get3A_56 = arith.constant 0 : index
    %get3A_57 = vector.load %arg7[%get3A_55, %get3A_56] : memref<1x128xf32, #tpu.memory_space<vmem>>, vector<1x128xf32>
    %add3A_58 = vector.broadcast %get3A_57 : vector<1x128xf32> to vector<10000x128xf32>
    %add3A_59 = arith.addf %mul3A_54, %add3A_58 : vector<10000x128xf32>
    %max3A_60 = arith.constant 0.000000e+00 : f32
    %max3A_61 = vector.broadcast %max3A_60 : f32 to vector<10000x128xf32>
    %max3A_62 = arith.maximumf %add3A_59, %max3A_61 : vector<10000x128xf32>
    %swap3A = arith.constant 0 : index
    %swap3A_63 = arith.constant 0 : index
    %swap3A_64 = vector.load %arg8[%swap3A, %swap3A_63] : memref<10000x128xf32, #tpu.memory_space<vmem>>, vector<10000x128xf32>
    tpu.vector_store %arg8[%swap3A, %swap3A_63], %max3A_62 {strides = array<i32>} : memref<10000x128xf32, #tpu.memory_space<vmem>>, vector<10000x128xf32>,
    return
  }
}

</mosaic_0001>

<sc_bundles>
// kernel: kernel.5.cloned.1.call-start
scs
__scs_entry_jumppad:
0x0: {  	(pc) =	sbr.rel $0x88, $3  }
0x1: {  	(tag) =	ssettag $0x0;
	lr =	simm.s32 $0x1  }
0x2: {  	[smem:$0x3F96] =	sst lr;
	_ =	strace $0xD0000000  }
0x3: {  	_ = 	snop  }
0x4: {  	_ = 	snop  }
0x5: {  	_ = 	snop  }
0x6: {  	_ = 	snop  }
0x7: {  	_ = 	snop  }
__scs_overlays_trampoline_lowered:
0x8: {  	[smem:$0x3FA5] =	sst s0  }
0x9: {  	[smem:$0x3FA6] =	sst s1  }
0xa: {  	[smem:$0x3FA7] =	sst s2  }
0xb: {  	[smem:$0x3FA8] =	sst s3  }
0xc: {  	[smem:$0x3FA9] =	sst s4  }
0xd: {  	[smem:$0x3FAA] =	sst s5  }
0xe: {  	[smem:$0x3FAB] =	sst s6  }
0xf: {  	[smem:$0x3FAC] =	sst s7  }
0x10: {  	[smem:$0x3FAD] =	sst s8  }
0x11: {  	[smem:$0x3FAE] =	sst s9;
	s0 =	simm.s32 @!p0 $0x0  }
0x12: {  	s1 =	sld [smem:$0x3F94];
	s0 =	simm.s32 @p0 $0x1  }
0x13: {  	[smem:$0x3FAF] =	sst s0;
	s0 =	simm.s32 @!p1 $0x0  }
0x14: {  	s2 =	sld [smem:$0x3F93];
	s0 =	simm.s32 @p1 $0x1  }
0x15: {  	[smem:$0x3FB0] =	sst s0;
	s0 =	simm.s32 @!p2 $0x0  }
0x16: {  	s3 =	sld [smem:$0x3FDB];
	s0 =	simm.s32 @p2 $0x1  }
0x17: {  	s4 =	simm.s32 $0x1BF5;
	[smem:$0x3FB2] =	sst s0  }
0x18: {  	s0 =	sld [smem:$0x3F95];
	_ =	swait.ge [sflag:s4], $0x0  }
0x19: {  	s7 =	sld [smem:$0x3F96]  }
0x1a: {  	s8 =	sadd.s32 $0xFFFFE003, lr  }
0x1b: {  	s9 =	sadd.s32 $0xFFFFFEF7, lr;
	s5 =	simm.s32 $0xFFFFFFFF;
	p2 =	slt.u32 s8, $0xFFFFF086  }
0x1c: {  	p1 =	slt.u32 s9, $0xF7A;
	s5 =	simm.s32 @!p2 $0x0  }
0x1d: {  	s5 =	simm.s32 @p1 $0x1;
	p0 =	seq.s32 s7, s2  }
0x1e: {  	s7 =	smul.u32 @!p0 $0xF7A, s2;
	p2 =	seq.s32 @!p0 s5, $0x0  }
0x1f: {  	s9 =	smul.u32 $0xF7A, s1;
	s8 =	simm.s32 @!p0 $0x1BF5;
	p2 =	por !p2, p0  }
0x20: {  	[sflag:s8] =	ssyncset.s32 @!p0 $0xFFFFF086;
	s6 =	sadd.s32 @!p0 s3, s7;
	s7 =	simm.s32 @!p0 $0x108  }
0x21: {  	s3 =	sadd.s32 s3, s9;
	s6 =	sadd.s32 @!p0 $0x88, s6;
	s7 =	simm.s32 @p2 $0x1082  }
0x22: {  	[simem:s7], [sflag:s8] =	dma.local @!p0 [hbm:s6], $0xF7A  }
0x23: {  	s9 =	sor.u32 $0xD0000000, s2;
	s6 =	simm.s32 $0x108;
	_ =	swait.ge @!p0 [sflag:s8], $0x0  }
0x24: {  	s3 =	sadd.s32 $0x88, s3;
	s6 =	simm.s32 @!p1 $0x1082;
	[sflag:s4] =	ssyncset.s32 $0xFFFFF086  }
0x25: {  	[simem:s6], [sflag:s4] =	dma.local [hbm:s3], $0xF7A  }
0x26: {  	[smem:$0x3F96] =	sst s1;
	(tag) =	ssettag s2;
	_ =	strace s9  }
0x27: {  	s1 =	sld [smem:$0x3FA6]  }
0x28: {  	s2 =	sld [smem:$0x3FA7]  }
0x29: {  	s4 =	sld [smem:$0x3FA9]  }
0x2a: {  	p0 =	seq.s32 s5, $0x0;
	s5 =	sld [smem:$0x3FAA]  }
0x2b: {  	s6 =	sld [smem:$0x3FAB]  }
0x2c: {  	s7 =	sld [smem:$0x3FAC]  }
0x2d: {  	s3 =	simm.s32 $0x108;
	s8 =	sld [smem:$0x3FAD]  }
0x2e: {  	s3 =	simm.s32 @!p0 $0x1082;
	s9 =	sld [smem:$0x3FAE]  }
0x2f: {  	lr =	sadd.s32 s0, s3;
	s0 =	sld [smem:$0x3FA5]  }
0x30: {  	s3 =	sld [smem:$0x3FA8]  }
0x31: {  	[smem:$0x3FB1] =	sst s10  }
0x32: {  	s10 =	sld [smem:$0x3FAF];
	_ =	sdelay $0x3  }
0x33: {  	p0 =	seq.s32 s10, $0x1;
	s10 =	sld [smem:$0x3FB1];
	_ =	sdelay $0x3  }
0x34: {  	[smem:$0x3FB1] =	sst s10  }
0x35: {  	s10 =	sld [smem:$0x3FB0];
	_ =	sdelay $0x3  }
0x36: {  	p1 =	seq.s32 s10, $0x1;
	s10 =	sld [smem:$0x3FB1];
	_ =	sdelay $0x3  }
0x37: {  	[smem:$0x3FB1] =	sst s10  }
0x38: {  	s10 =	sld [smem:$0x3FB2]  }
0x39: {  	_ = 	snop;
	(pc) =	sbr.ind lr, $3  }
0x3a: {  	_ = 	snop  }
0x3b: {  	_ = 	snop  }
0x3c: {  	p2 =	seq.s32 s10, $0x1;
	s10 =	sld [smem:$0x3FB1]  }
0x3d: {  	_ =	shalt  }
0x3e: {  	_ =	shalt  }
0x3f: {  	_ =	shalt  }
0x40: {  	_ =	shalt  }
0x41: {  	_ =	shalt  }
0x42: {  	_ =	shalt  }
0x43: {  	_ =	shalt  }
0x44: {  	_ =	shalt  }
0x45: {  	_ =	shalt  }
0x46: {  	_ =	shalt  }
0x47: {  	_ =	shalt  }
0x48: {  	_ =	shalt  }
0x49: {  	_ =	shalt  }
0x4a: {  	_ =	shalt  }
0x4b: {  	_ =	shalt  }
0x4c: {  	_ =	shalt  }
0x4d: {  	_ =	shalt  }
0x4e: {  	_ =	shalt  }
0x4f: {  	_ =	shalt  }
0x50: {  	_ =	shalt  }
0x51: {  	_ =	shalt  }
0x52: {  	_ =	shalt  }
0x53: {  	_ =	shalt  }
0x54: {  	_ =	shalt  }
0x55: {  	_ =	shalt  }
0x56: {  	_ =	shalt  }
0x57: {  	_ =	shalt  }
0x58: {  	_ =	shalt  }
0x59: {  	_ =	shalt  }
0x5a: {  	_ =	shalt  }
0x5b: {  	_ =	shalt  }
0x5c: {  	_ =	shalt  }
0x5d: {  	_ =	shalt  }
0x5e: {  	_ =	shalt  }
0x5f: {  	_ =	shalt  }
0x60: {  	_ =	shalt  }
0x61: {  	_ =	shalt  }
0x62: {  	_ =	shalt  }
0x63: {  	_ =	shalt  }
0x64: {  	_ =	shalt  }
0x65: {  	_ =	shalt  }
0x66: {  	_ =	shalt  }
0x67: {  	_ =	shalt  }
0x68: {  	_ =	shalt  }
0x69: {  	_ =	shalt  }
0x6a: {  	_ =	shalt  }
0x6b: {  	_ =	shalt  }
0x6c: {  	_ =	shalt  }
0x6d: {  	_ =	shalt  }
0x6e: {  	_ =	shalt  }
0x6f: {  	_ =	shalt  }
0x70: {  	_ =	shalt  }
0x71: {  	_ =	shalt  }
0x72: {  	_ =	shalt  }
0x73: {  	_ =	shalt  }
0x74: {  	_ =	shalt  }
0x75: {  	_ =	shalt  }
0x76: {  	_ =	shalt  }
0x77: {  	_ =	shalt  }
0x78: {  	_ =	shalt  }
0x79: {  	_ =	shalt  }
0x7a: {  	_ =	shalt  }
0x7b: {  	_ =	shalt  }
0x7c: {  	_ =	shalt  }
0x7d: {  	_ =	shalt  }
0x7e: {  	_ =	shalt  }
0x7f: {  	_ =	shalt  }
0x80: {  	_ =	shalt  }
0x81: {  	_ =	shalt  }
0x82: {  	_ =	shalt  }
0x83: {  	_ =	shalt  }
0x84: {  	_ =	shalt  }
0x85: {  	_ =	shalt  }
0x86: {  	_ =	shalt  }
0x87: {  	_ =	shalt  }
.Lfunc_end0:
.L_simem_size_0:
called_computation.1_lowered:
.L_overlay_start_0:
0x88: {  	s2 =	sld [smem:$0x3FD9]  }
0x89: {  	s3 =	sld [smem:$0x3FFE];
	_ =	sdelay $0x1  }
0x8a: {  	s1 =	srdreg.scid  }
0x8b: {  	s0 =	sand.u32 $0x1, s1  }
0x8c: {  	s17 =	sshll.u32 s0, $0xA;
	s2 =	sadd.s32 s3, s2  }
0x8d: {  	s2 =	sadd.s32 s2, s17  }
0x8e: {  	[smem:$0x3FBD] =	sst s2  }
0x8f: {  	_ = 	snop  }
0x90: {  	s2 =	sld [smem:$0x3FC9]  }
0x91: {  	s18 =	sld [smem:$0x3FD0];
	(tm) =	ssettm $0x1  }
0x92: {  	s4 =	sld [smem:$0x3FFB];
	_ =	sdelay $0x3  }
0x93: {  	_ =	strace s4  }
0x94: {  	s4 =	sld [smem:$0x3FFC];
	_ =	sdelay $0x3  }
0x95: {  	_ =	strace s4  }
0x96: {  	s4 =	sld [smem:$0x3FFD];
	_ =	sdelay $0x3  }
0x97: {  	_ =	strace s4  }
0x98: {  	_ =	strace $0x8FFFFFFF  }
0x99: {  	s19 =	sld [smem:$0x3FDB];
	_ =	sdelay $0x1  }
0x9a: {  	s5 =	simm.s32 $_scs_section_size  }
0x9b: {  	s6 =	simm.s32 $_size__tile_overlayer_lowered;
	s7 =	simm.s32 $_tile_overlayer_lowered  }
0x9c: {  	s22 =	simm.s32 $0x1BFF;
	s21 =	sshll.u32 s7, $0x1;
	s4 =	sadd.s32 s5, s19  }
0x9d: {  	s8 =	simm.s32 $0x0;
	s20 =	sshll.u32 s6, $0x1;
	s6 =	sadd.s32 s21, s4  }
0x9e: {  	[timem:s8], [sflag:s22] =	dma.local [hbm:s6], s20  }
0x9f: {  	_ =	swait.ge [sflag:s22], s20  }
0xa0: {  	s5 =	ssub.s32 $0x0, s20;
	[sflag:s22] =	ssyncset.done $0x0  }
0xa1: {  	[sflag:s22] =	ssyncadd.s32 s5;
	_ =	sdelay $0x1  }
0xa2: {  	s23 =	simm.s32 $0x1B8B  }
0xa3: {  	_ =	swait.ge [sflag:s23], $0x1  }
0xa4: {  	[sflag:s23] =	ssyncset.done $0x0  }
0xa5: {  	s25 =	simm.s32 $0x1B8E;
	s24 =	sld [smem:$0x3FFE];
	[sflag:s23] =	ssyncadd.s32 $0xFFFFFFFF  }
0xa6: {  	s26 =	simm.s32 $execute0_lowered;
	[smem:$0x3FD2] =	sst s25  }
0xa7: {  	s6 =	sshll.u32 s26, $0x1;
	_ =	strace $0x80000049;
	[dreg:$0x1] =	wrdreg $0xFFFFFFFF  }
0xa8: {  	s28 =	simm.s32 $_size_execute0_lowered;
	s4 =	sadd.s32 s4, s6;
	[dreg:$0x0] =	wrdreg $0x0  }
0xa9: {  	s6 =	sshll.u32 s28, $0x1;
	[dreg:$0x2] =	wrdreg s4  }
0xaa: {  	[dreg:$0x3] =	wrdreg s6  }
0xab: {  	[dreg:$0x4] =	wrdreg $0xC0  }
0xac: {  	_ =	task [dreg:s8], $0x5FFFF  }
0xad: {  	[dreg:$0x1] =	wrdreg $0xFFFFFFFF  }
0xae: {  	[dreg:$0x0] =	wrdreg $0x60  }
0xaf: {  	[dreg:$0x2] =	wrdreg s2  }
0xb0: {  	[dreg:$0x3] =	wrdreg s24  }
0xb1: {  	[dreg:$0x4] =	wrdreg s18  }
0xb2: {  	[dreg:$0x5] =	wrdreg $0xBE000  }
0xb3: {  	[dreg:$0x6] =	wrdreg $0x9  }
0xb4: {  	_ =	task.clear_ibuf [dreg:s8], $0x7FFFF;
	_ =	strace $0x90000049  }
0xb5: {  	s29 =	simm.s32 $0x9;
	_ =	strace $0x8000004B  }
0xb6: {  	_ =	swait.ge [sflag:s29], $0x1  }
0xb7: {  	[sflag:s29] =	ssyncadd.s32 $0xFFFFFFFF  }
0xb8: {  	_ =	strace $0x9000004B  }
0xb9: {  	_ =	sfence  }
0xba: {  	s30 =	sld [smem:$0x0];
	_ =	sdelay $0x2  }
0xbb: {  	s31 =	sshll.u32 s1, $0xD;
	s1 =	sshrl.u32 s1, $0x2  }
0xbc: {  	s3 =	sand.u32 $0x4000, s31;
	s1 =	sadd.s32 s1, s30  }
0xbd: {  	s0 =	sor.u32 s3, s0;
	s1 =	sshll.u32 s1, $0x11  }
0xbe: {  	s0 =	sor.u32 s1, s0  }
0xbf: {  	s0 =	sadd.s32 $0x8F2B, s0  }
0xc0: {  	[sflag:s0] =	ssyncadd.remote.s32 $0x1  }
0xc1: {  	_ =	sfence.sel $0xFFFF  }
0xc2: {  	[dreg:$0x0] =	wrdreg $0xFFFFFFFF;
	(pc) =	sbr.abs _section_cstart, $3  }
0xc3: {  	[dreg:$0x1] =	wrdreg $0xFFFFFFFF  }
0xc4: {  	_ =	task.clear_ibuf [dreg:s8], $0x2FFFF;
	_ =	strace $0x9FFFFFFF  }
0xc5: {  	(tm) =	ssettm $0x7FFFFFFF  }
tec
execute0_lowered:
.L_overlay_start_1:
0x0: {  	(tag) =	ssettag $0x1  }
0x1: {  	s0 =	rddreg [dreg:$0x0]  }
0x2: {  	s1 =	rddreg [dreg:$0x1];
	s13 =	stileid.u32  }
0x3: {  	s2 =	rddreg [dreg:$0x2];
	s7 =	smul.u32 $0x14000, s13  }
0x4: {  	s4 =	srdreg.scid;
	s9 =	smul.u32 $0x50, s13  }
0x5: {  	s3 =	rddreg [dreg:$0x3];
	s11 =	smul.u32 $0xF0, s13  }
0x6: {  	s30 =	simm.s32 $0x1;
	s31 =	simm.s32 $0x3;
	s19 =	smul.u32 $0x1400, s13  }
0x7: {  	s28 =	simm.s32 $0x2;
	s29 =	simm.s32 $0x4;
	s20 =	smul.u32 $0x50000, s13  }
0x8: {  	s8 =	sand.u32 $0x1, s4;
	s4 =	simm.s32 $0x0;
	s21 =	smul.u32 $0x780, s13  }
0x9: {  	s5 =	sadd.s32 $0x500E00, s1;
	s6 =	smul.u32 $0x140000, s8;
	s18 =	ssub.s32 $0x2, s8  }
0xa: {  	[smem:$0x7FF] =	sst s4;
	p0 =	seq.s32 s8, $0x0;
	s10 =	sshrl.u32 s18, $0x1  }
0xb: {  	_ =	strace $0x8000004A;
	s6 =	sadd.s32 s7, s6;
	s12 =	ssub.s32 s18, s10  }
0xc: {  	s7 =	simm.s32 $0xF0;
	s10 =	sshrl.u32 s20, $0x2;
	s6 =	sshrl.u32 s6, $0x3  }
0xd: {  	s7 =	simm.s32 @!p0 $0x50;
	s10 =	sadd.s32 s10, s3;
	s1 =	sadd.s32 s6, s1  }
0xe: {  	s6 =	sadd.s32 $0xF00, s9;
	s9 =	sshrl.u32 s19, $0x3;
	s22 =	sadd.s32 $0x2000, s10  }
0xf: {  	s23 =	sadd.s32 $0x4000, s10;
	s24 =	sadd.s32 $0x6000, s10;
	s25 =	sadd.s32 $0x8000, s10  }
0x10: {  	s15 =	sadd.s32 $0xA000, s10;
	s16 =	sadd.s32 $0xC000, s10;
	[dreg:$0x7] =	wrdreg s22  }
0x11: {  	s17 =	sadd.s32 $0xE000, s10;
	s18 =	sadd.s32 $0x10000, s10;
	[dreg:$0x8] =	wrdreg s23  }
0x12: {  	s19 =	sadd.s32 $0x12000, s10;
	s6 =	smov.u32 @p0 s11;
	[dreg:$0x9] =	wrdreg s24  }
0x13: {  	s9 =	sadd.s32 s2, s9;
	s2 =	sadd.s32 s2, s21;
	[dreg:$0xa] =	wrdreg s25  }
0x14: {  	s21 =	sshrl.u32 s7, $0x1;
	s22 =	sadd.s32 $0xE00, s1;
	s23 =	smax.u32 s12, $0x1  }
0x15: {  	p0 =	sne.s32 s8, $0x0;
	s24 =	simm.s32 $0x3E00;
	s25 =	simm.s32 $0x5  }
0x16: {  	s1 =	simm.s32 $0x3D00;
	s8 =	simm.s32 $0x5E00;
	s9 =	sadd.s32 $0x7800, s9  }
0x17: {  	[dreg:$0x6] =	wrdreg s2;
	s26 =	sshll.u32 s6, $0xA;
	s2 =	simm.s32 $0x3D80  }
0x18: {  	v0 =	vimm.f32 $0.0e+00;
	[dreg:$0x5] =	wrdreg s9;
	s20 =	sadd.s32 s5, s26;
	s26 =	simm.s32 $0x40  }
.LBB2_1:
0x19: {  	s9 =	simm.s32 @p0 $0x0;
	s11 =	rddreg [dreg:$0x5]  }
0x1a: {  	[tilespmem:s9], [sflag:$0x5] =	stream.linear.gather @p0 [hbm4b:s11+s9], $0x1400, $0x38;
	[tilespmem:$0x1FE00] =	vst v63  }
0x1b: {  	s9 =	simm.s32 @p0 $0x5  }
0x1c: {  	_ =	swait.ge @p0 [sflag:s9], $0x1400  }
0x1d: {  	[sflag:s9] =	ssyncset.done @p0 $0x0  }
0x1e: {  	s11 =	rddreg [dreg:$0x6];
	[sflag:s9] =	ssyncadd.s32 @p0 $0xFFFFEC00;
	s9 =	simm.s32 @!p0 $0x0  }
0x1f: {  	[tilespmem:s9], [sflag:$0x5] =	stream.linear.gather @!p0 [hbm4b:s11+s9], $0x3C00, $0x38;
	[tilespmem:$0x1FE00] =	vst v63  }
0x20: {  	s9 =	simm.s32 @!p0 $0x5  }
0x21: {  	_ =	swait.ge @!p0 [sflag:s9], $0x3C00  }
0x22: {  	[sflag:s9] =	ssyncset.done @!p0 $0x0  }
0x23: {  	s11 =	simm.s32 $0x200;
	[sflag:s9] =	ssyncadd.s32 @!p0 $0xFFFFC400;
	s9 =	simm.s32 $0x0  }
.LBB2_2:
0x24: {  	p1 =	sne.s32 s11, $0x7E00;
	[tilespmem:s9+$0x3E70] =	vst v0  }
0x25: {  	[tilespmem:s9+$0x3E00] =	vst v0  }
0x26: {  	[tilespmem:s9+$0x3E10] =	vst v0  }
.Ltmp0:
0x27: {  	[tilespmem:s9+$0x3E20] =	vst v0;
	(pc) =	sbr.rel @p1 .LBB2_2-.Ltmp0, $4  }
0x28: {  	[tilespmem:s9+$0x3E30] =	vst v0  }
0x29: {  	[tilespmem:s9+$0x3E40] =	vst v0  }
0x2a: {  	[tilespmem:s9+$0x3E50] =	vst v0  }
0x2b: {  	[tilespmem:s9+$0x3E60] =	vst v0;
	s9 =	sshra.s32 s11, $0x2;
	s11 =	sadd.s32 $0x200, s11  }
0x2c: {  	[tilespmem:s9+$0x3E70] =	vst v0  }
0x2d: {  	[tilespmem:s9+$0x3E00] =	vst v0  }
0x2e: {  	[tilespmem:s9+$0x3E10] =	vst v0  }
0x2f: {  	[tilespmem:s9+$0x3E20] =	vst v0  }
0x30: {  	[tilespmem:s9+$0x3E30] =	vst v0  }
0x31: {  	[tilespmem:s9+$0x3E40] =	vst v0  }
0x32: {  	[tilespmem:s9+$0x3E50] =	vst v0  }
0x33: {  	[tilespmem:s9+$0x3E60] =	vst v0  }
0x34: {  	[spmem:s10] =	stream.linear.scatter [tilespmem:s24], [sflag:$0x5], $0x2000, $0x38;
	[tilespmem:$0x1FE00] =	vst v63  }
0x35: {  	_ =	swait.ge [sflag:s25], $0x2000  }
0x36: {  	[sflag:s25] =	ssyncset.done $0x0  }
0x37: {  	s14 =	rddreg [dreg:$0x7];
	[sflag:s25] =	ssyncadd.s32 $0xFFFFE000  }
0x38: {  	[spmem:s14] =	stream.linear.scatter [tilespmem:s24], [sflag:$0x5], $0x2000, $0x38;
	[tilespmem:$0x1FE00] =	vst v63  }
0x39: {  	_ =	swait.ge [sflag:s25], $0x2000  }
0x3a: {  	[sflag:s25] =	ssyncset.done $0x0  }
0x3b: {  	s11 =	rddreg [dreg:$0x8];
	[sflag:s25] =	ssyncadd.s32 $0xFFFFE000  }
0x3c: {  	[spmem:s11] =	stream.linear.scatter [tilespmem:s24], [sflag:$0x5], $0x2000, $0x38;
	[tilespmem:$0x1FE00] =	vst v63  }
0x3d: {  	_ =	swait.ge [sflag:s25], $0x2000  }
0x3e: {  	[sflag:s25] =	ssyncset.done $0x0  }
0x3f: {  	s12 =	rddreg [dreg:$0x9];
	[sflag:s25] =	ssyncadd.s32 $0xFFFFE000  }
0x40: {  	[spmem:s12] =	stream.linear.scatter [tilespmem:s24], [sflag:$0x5], $0x2000, $0x38;
	[tilespmem:$0x1FE00] =	vst v63  }
0x41: {  	_ =	swait.ge [sflag:s25], $0x2000  }
0x42: {  	[sflag:s25] =	ssyncset.done $0x0  }
0x43: {  	s13 =	rddreg [dreg:$0xa];
	[sflag:s25] =	ssyncadd.s32 $0xFFFFE000  }
0x44: {  	[spmem:s13] =	stream.linear.scatter [tilespmem:s24], [sflag:$0x5], $0x2000, $0x38;
	[tilespmem:$0x1FE00] =	vst v63  }
0x45: {  	_ =	swait.ge [sflag:s25], $0x2000  }
0x46: {  	[sflag:s25] =	ssyncset.done $0x0  }
0x47: {  	[sflag:s25] =	ssyncadd.s32 $0xFFFFE000  }
0x48: {  	[spmem:s15] =	stream.linear.scatter [tilespmem:s24], [sflag:$0x5], $0x2000, $0x38;
	[tilespmem:$0x1FE00] =	vst v63  }
0x49: {  	_ =	swait.ge [sflag:s25], $0x2000  }
0x4a: {  	[sflag:s25] =	ssyncset.done $0x0  }
0x4b: {  	[sflag:s25] =	ssyncadd.s32 $0xFFFFE000  }
0x4c: {  	[spmem:s16] =	stream.linear.scatter [tilespmem:s24], [sflag:$0x5], $0x2000, $0x38;
	[tilespmem:$0x1FE00] =	vst v63  }
0x4d: {  	_ =	swait.ge [sflag:s25], $0x2000  }
0x4e: {  	[sflag:s25] =	ssyncset.done $0x0  }
0x4f: {  	[sflag:s25] =	ssyncadd.s32 $0xFFFFE000  }
0x50: {  	[spmem:s17] =	stream.linear.scatter [tilespmem:s24], [sflag:$0x5], $0x2000, $0x38;
	[tilespmem:$0x1FE00] =	vst v63  }
0x51: {  	_ =	swait.ge [sflag:s25], $0x2000  }
0x52: {  	[sflag:s25] =	ssyncset.done $0x0  }
0x53: {  	[sflag:s25] =	ssyncadd.s32 $0xFFFFE000  }
0x54: {  	[spmem:s18] =	stream.linear.scatter [tilespmem:s24], [sflag:$0x5], $0x2000, $0x38;
	[tilespmem:$0x1FE00] =	vst v63  }
0x55: {  	_ =	swait.ge [sflag:s25], $0x2000  }
0x56: {  	[sflag:s25] =	ssyncset.done $0x0  }
0x57: {  	[sflag:s25] =	ssyncadd.s32 $0xFFFFE000  }
0x58: {  	[spmem:s19] =	stream.linear.scatter [tilespmem:s24], [sflag:$0x5], $0x2000, $0x38;
	[tilespmem:$0x1FE00] =	vst v63  }
0x59: {  	_ =	swait.ge [sflag:s25], $0x2000  }
0x5a: {  	[sflag:s25] =	ssyncset.done $0x0  }
0x5b: {  	[sflag:s25] =	ssyncadd.s32 $0xFFFFE000  }
0x5c: {  	[bflag:$0x0] =	sbarrier.arrive $0xFFFF  }
0x5d: {  	v1 =	vld [tilespmem:$0x0];
	_ =	sdelay $0x1  }
0x5e: {  	v2 =	vld [tilespmem:$0x10];
	_ =	sdelay $0x1  }
0x5f: {  	v3 =	vld [tilespmem:$0x20]  }
0x60: {  	v4 =	vand.u32 $0xFFFF, v1  }
0x61: {  	v63 =	vld [tilespmem:$0x30];
	v1 =	vshrl.u32 v1, $0x10;
	[tilespmem:$0x3C00] =	vst v4  }
0x62: {  	[tilespmem:$0x3D00] =	vst v1;
	v1 =	vand.u32 $0xFFFF, v2  }
0x63: {  	[tilespmem:$0x3C10] =	vst v1;
	v1 =	vshrl.u32 v2, $0x10  }
0x64: {  	[tilespmem:$0x3D10] =	vst v1;
	v1 =	vand.u32 $0xFFFF, v3  }
0x65: {  	[tilespmem:$0x3C20] =	vst v1;
	v1 =	vshrl.u32 v3, $0x10  }
0x66: {  	[tilespmem:$0x3D20] =	vst v1;
	v1 =	vand.u32 $0xFFFF, v63  }
0x67: {  	[tilespmem:$0x3C30] =	vst v1;
	v1 =	vshrl.u32 v63, $0x10  }
0x68: {  	s14 =	simm.s32 $0x3C00;
	[tilespmem:$0x3D30] =	vst v1  }
0x69: {  	[tilespmem:s24], [sflag:$0x1] =	stream.indirect.gather [hbm4b:s0+s26], $0x80, s14, s26, $0xb8;
	[tilespmem:$0x1FE00] =	vst v63  }
0x6a: {  	s9 =	simm.s32 $0x0;
	s11 =	simm.s32 $0x7E00  }
0x6b: {  	[tilespmem:s11], [sflag:$0x3] =	stream.linear.gather [hbm4b:s20+s9], $0x2000, $0x38;
	[tilespmem:$0x1FE00] =	vst v63  }
.LBB2_4:
0x6c: {  	s11 =	sshllo.u32 s9, $0x1  }
0x6d: {  	p1 =	sge.u32 s11, s7  }
0x6e: {  	s12 =	sshll.u32 @!p1 s9, $0x9  }
0x6f: {  	s12 =	sshra.s32 @!p1 s12, $0x2  }
0x70: {  	v1 =	vld @!p1 [tilespmem:s12+$0x40];
	_ =	sdelay $0x4  }
0x71: {  	v2 =	vand.u32 @!p1 $0xFFFF, v1  }
0x72: {  	v1 =	vshrl.u32 @!p1 v1, $0x10;
	[tilespmem:$0x3C80] =	vst @!p1 v2  }
0x73: {  	[tilespmem:$0x3D80] =	vst @!p1 v1  }
0x74: {  	v1 =	vld @!p1 [tilespmem:s12+$0x50];
	_ =	sdelay $0x4  }
0x75: {  	v2 =	vand.u32 @!p1 $0xFFFF, v1  }
0x76: {  	v1 =	vshrl.u32 @!p1 v1, $0x10;
	[tilespmem:$0x3C90] =	vst @!p1 v2  }
0x77: {  	[tilespmem:$0x3D90] =	vst @!p1 v1  }
0x78: {  	v1 =	vld @!p1 [tilespmem:s12+$0x60];
	_ =	sdelay $0x4  }
0x79: {  	v2 =	vand.u32 @!p1 $0xFFFF, v1  }
0x7a: {  	v1 =	vshrl.u32 @!p1 v1, $0x10;
	[tilespmem:$0x3CA0] =	vst @!p1 v2  }
0x7b: {  	[tilespmem:$0x3DA0] =	vst @!p1 v1  }
0x7c: {  	v1 =	vld @!p1 [tilespmem:s12+$0x70];
	_ =	sdelay $0x4  }
0x7d: {  	v2 =	vand.u32 @!p1 $0xFFFF, v1  }
0x7e: {  	s13 =	simm.s32 @!p1 $0x3C80;
	s11 =	sadd.s32 @!p1 s6, s11;
	v1 =	vshrl.u32 @!p1 v1, $0x10;
	[tilespmem:$0x3CB0] =	vst @!p1 v2  }
0x7f: {  	s14 =	simm.s32 @!p1 $0x5E00;
	s11 =	sshll.u32 @!p1 s11, $0xA;
	s12 =	simm.s32 @!p1 $0x40;
	[tilespmem:$0x3DB0] =	vst @!p1 v1  }
0x80: {  	[tilespmem:s14], [sflag:$0x2] =	stream.indirect.gather @!p1 [hbm4b:s0+s12], $0x80, s13, s12, $0xb8;
	[tilespmem:$0x1FE00] =	vst v63  }
0x81: {  	s11 =	sadd.s32 @!p1 s5, s11;
	s12 =	simm.s32 @!p1 $0x0;
	s13 =	simm.s32 @!p1 $0x9E00  }
0x82: {  	[tilespmem:s13], [sflag:$0x4] =	stream.linear.gather @!p1 [hbm4b:s11+s12], $0x2000, $0x38;
	[tilespmem:$0x1FE00] =	vst v63  }
0x83: {  	_ =	swait.ge [sflag:s30], $0x2000  }
0x84: {  	[sflag:s30] =	ssyncset.done $0x0  }
0x85: {  	[sflag:s30] =	ssyncadd.s32 $0xFFFFE000  }
0x86: {  	_ =	swait.ge [sflag:s31], $0x2000  }
0x87: {  	[sflag:s31] =	ssyncset.done $0x0  }
0x88: {  	s11 =	simm.s32 $0x0;
	[sflag:s31] =	ssyncadd.s32 $0xFFFFE000  }
0x89: {  	v5 =	vld [tilespmem:s11+$0x7E00]  }
0x8a: {  	v3 =	vld [tilespmem:s11+$0x7E10]  }
0x8b: {  	v2 =	vld [tilespmem:s11+$0x7E20]  }
0x8c: {  	v1 =	vld [tilespmem:s11+$0x7E30]  }
0x8d: {  	v9 =	vld [tilespmem:s11+$0x3E00]  }
0x8e: {  	v8 =	vld [tilespmem:s11+$0x3E10]  }
0x8f: {  	v7 =	vld [tilespmem:s11+$0x3E20]  }
0x90: {  	v6 =	vld [tilespmem:s11+$0x3E30]  }
0x91: {  	v4 =	vld [tilespmem:s11+$0x3E40];
	v11 =	vshll.u32 v5, $0x10  }
0x92: {  	s12 =	sshll.u32 s9, $0x1;
	s13 =	simm.s32 $0x200;
	v10 =	vand.u32 $0xFFFF0000, v5;
	v5 =	vld [tilespmem:s11+$0x3E50];
	v9 =	vadd.f32 v11, v9  }
.LBB2_5:
0x93: {  	p1 =	sne.s32 s13, $0x7E00;
	v8 =	vadd.f32 v10, v8;
	v10 =	vshll.u32 v3, $0x10;
	v11 =	vld [tilespmem:s11+$0x3E60]  }
0x94: {  	s14 =	sshra.s32 s13, $0x2;
	v3 =	vand.u32 $0xFFFF0000, v3;
	v9 =	vmax.f32 v9, $0.0e+00;
	v7 =	vadd.f32 v10, v7;
	v10 =	vld [tilespmem:s11+$0x3E70]  }
0x95: {  	v12 =	vld [tilespmem:s14+$0x7E00];
	[tilespmem:s11+$0x3E00] =	vst v9;
	v8 =	vmax.f32 v8, $0.0e+00;
	v6 =	vadd.f32 v3, v6;
	v9 =	vshll.u32 v2, $0x10  }
0x96: {  	v3 =	vld [tilespmem:s14+$0x7E10];
	[tilespmem:s11+$0x3E10] =	vst v8;
	v7 =	vmax.f32 v7, $0.0e+00;
	v8 =	vand.u32 $0xFFFF0000, v2;
	v4 =	vadd.f32 v9, v4  }
0x97: {  	v2 =	vld [tilespmem:s14+$0x7E20];
	[tilespmem:s11+$0x3E20] =	vst v7;
	v6 =	vmax.f32 v6, $0.0e+00;
	v5 =	vadd.f32 v8, v5;
	v7 =	vshll.u32 v1, $0x10  }
0x98: {  	[tilespmem:s11+$0x3E30] =	vst v6;
	v4 =	vmax.f32 v4, $0.0e+00;
	v6 =	vand.u32 $0xFFFF0000, v1;
	v1 =	vld [tilespmem:s14+$0x7E30];
	v7 =	vadd.f32 v7, v11  }
0x99: {  	v9 =	vld [tilespmem:s14+$0x3E00];
	[tilespmem:s11+$0x3E40] =	vst v4;
	v4 =	vmax.f32 v5, $0.0e+00;
	v5 =	vadd.f32 v6, v10  }
.Ltmp1:
0x9a: {  	v8 =	vld [tilespmem:s14+$0x3E10];
	[tilespmem:s11+$0x3E50] =	vst v4;
	v4 =	vmax.f32 v7, $0.0e+00;
	(pc) =	sbr.rel @p1 .LBB2_5-.Ltmp1, $4  }
0x9b: {  	v7 =	vld [tilespmem:s14+$0x3E20];
	[tilespmem:s11+$0x3E60] =	vst v4;
	v4 =	vmax.f32 v5, $0.0e+00  }
0x9c: {  	v6 =	vld [tilespmem:s14+$0x3E30];
	[tilespmem:s11+$0x3E70] =	vst v4;
	s11 =	smov.u32 s14  }
0x9d: {  	v5 =	vshll.u32 v12, $0x10;
	v4 =	vld [tilespmem:s11+$0x3E40]  }
0x9e: {  	s13 =	sadd.s32 $0x200, s13;
	v10 =	vand.u32 $0xFFFF0000, v12;
	v9 =	vadd.f32 v5, v9;
	v5 =	vld [tilespmem:s11+$0x3E50]  }
0x9f: {  	v8 =	vadd.f32 v10, v8;
	v10 =	vshll.u32 v3, $0x10;
	v11 =	vld [tilespmem:s11+$0x3E60]  }
0xa0: {  	v3 =	vand.u32 $0xFFFF0000, v3;
	v9 =	vmax.f32 v9, $0.0e+00;
	v7 =	vadd.f32 v10, v7;
	v10 =	vld [tilespmem:s11+$0x3E70]  }
0xa1: {  	[tilespmem:s11+$0x3E00] =	vst v9;
	v8 =	vmax.f32 v8, $0.0e+00;
	v3 =	vadd.f32 v3, v6;
	v6 =	vshll.u32 v2, $0x10  }
0xa2: {  	v2 =	vand.u32 $0xFFFF0000, v2;
	[tilespmem:s11+$0x3E10] =	vst v8;
	v7 =	vmax.f32 v7, $0.0e+00;
	v4 =	vadd.f32 v6, v4  }
0xa3: {  	[tilespmem:s11+$0x3E20] =	vst v7;
	v3 =	vmax.f32 v3, $0.0e+00;
	v2 =	vadd.f32 v2, v5;
	v5 =	vshll.u32 v1, $0x10  }
0xa4: {  	v1 =	vand.u32 $0xFFFF0000, v1;
	[tilespmem:s11+$0x3E30] =	vst v3;
	v3 =	vmax.f32 v4, $0.0e+00;
	v4 =	vadd.f32 v5, v11  }
0xa5: {  	[tilespmem:s11+$0x3E40] =	vst v3;
	v2 =	vmax.f32 v2, $0.0e+00;
	v1 =	vadd.f32 v1, v10  }
0xa6: {  	[tilespmem:s11+$0x3E50] =	vst v2;
	v2 =	vmax.f32 v4, $0.0e+00  }
0xa7: {  	[tilespmem:s11+$0x3E60] =	vst v2;
	v1 =	vmax.f32 v1, $0.0e+00  }
0xa8: {  	[tilespmem:s11+$0x3E70] =	vst v1;
	s11 =	sadd.s32 $0x2, s12  }
0xa9: {  	[spmem:s3] =	stream.indirect.scatter.add.f32 [tilespmem:s24], [sflag:$0x5], $0x80, s1, s26, $0xb8;
	[tilespmem:$0x1FE00] =	vst v63  }
0xaa: {  	p1 =	sge.u32 s11, s7;
	_ =	swait.ge [sflag:s25], $0x2000  }
0xab: {  	s12 =	sshll.u32 @!p1 s9, $0x9;
	[sflag:s25] =	ssyncset.done $0x0  }
0xac: {  	s12 =	sshra.s32 @!p1 s12, $0x2;
	[sflag:s25] =	ssyncadd.s32 $0xFFFFE000  }
0xad: {  	v1 =	vld @!p1 [tilespmem:s12+$0x80];
	_ =	sdelay $0x4  }
0xae: {  	v2 =	vand.u32 @!p1 $0xFFFF, v1  }
0xaf: {  	v1 =	vshrl.u32 @!p1 v1, $0x10;
	[tilespmem:$0x3C00] =	vst @!p1 v2  }
0xb0: {  	[tilespmem:$0x3D00] =	vst @!p1 v1  }
0xb1: {  	v1 =	vld @!p1 [tilespmem:s12+$0x90];
	_ =	sdelay $0x4  }
0xb2: {  	v2 =	vand.u32 @!p1 $0xFFFF, v1  }
0xb3: {  	v1 =	vshrl.u32 @!p1 v1, $0x10;
	[tilespmem:$0x3C10] =	vst @!p1 v2  }
0xb4: {  	[tilespmem:$0x3D10] =	vst @!p1 v1  }
0xb5: {  	v1 =	vld @!p1 [tilespmem:s12+$0xA0];
	_ =	sdelay $0x4  }
0xb6: {  	v2 =	vand.u32 @!p1 $0xFFFF, v1  }
0xb7: {  	v1 =	vshrl.u32 @!p1 v1, $0x10;
	[tilespmem:$0x3C20] =	vst @!p1 v2  }
0xb8: {  	[tilespmem:$0x3D20] =	vst @!p1 v1  }
0xb9: {  	v1 =	vld @!p1 [tilespmem:s12+$0xB0];
	_ =	sdelay $0x4  }
0xba: {  	v2 =	vand.u32 @!p1 $0xFFFF, v1  }
0xbb: {  	s13 =	simm.s32 @!p1 $0x3C00;
	s11 =	sadd.s32 @!p1 s6, s11;
	v1 =	vshrl.u32 @!p1 v1, $0x10;
	[tilespmem:$0x3C30] =	vst @!p1 v2  }
0xbc: {  	s14 =	simm.s32 @!p1 $0x3E00;
	s11 =	sshll.u32 @!p1 s11, $0xA;
	s12 =	simm.s32 @!p1 $0x40;
	[tilespmem:$0x3D30] =	vst @!p1 v1  }
0xbd: {  	[tilespmem:s14], [sflag:$0x1] =	stream.indirect.gather @!p1 [hbm4b:s0+s12], $0x80, s13, s12, $0xb8;
	[tilespmem:$0x1FE00] =	vst v63  }
0xbe: {  	s11 =	sadd.s32 @!p1 s5, s11;
	s12 =	simm.s32 @!p1 $0x0;
	s13 =	simm.s32 @!p1 $0x7E00  }
0xbf: {  	[tilespmem:s13], [sflag:$0x3] =	stream.linear.gather @!p1 [hbm4b:s11+s12], $0x2000, $0x38;
	[tilespmem:$0x1FE00] =	vst v63  }
0xc0: {  	_ =	swait.ge [sflag:s28], $0x2000  }
0xc1: {  	[sflag:s28] =	ssyncset.done $0x0  }
0xc2: {  	[sflag:s28] =	ssyncadd.s32 $0xFFFFE000  }
0xc3: {  	_ =	swait.ge [sflag:s29], $0x2000  }
0xc4: {  	[sflag:s29] =	ssyncset.done $0x0  }
0xc5: {  	s11 =	simm.s32 $0x0;
	[sflag:s29] =	ssyncadd.s32 $0xFFFFE000  }
0xc6: {  	v4 =	vld [tilespmem:s11+$0x9E00]  }
0xc7: {  	v3 =	vld [tilespmem:s11+$0x9E10]  }
0xc8: {  	v2 =	vld [tilespmem:s11+$0x9E20]  }
0xc9: {  	v1 =	vld [tilespmem:s11+$0x9E30]  }
0xca: {  	v9 =	vld [tilespmem:s11+$0x5E00]  }
0xcb: {  	v8 =	vld [tilespmem:s11+$0x5E10]  }
0xcc: {  	v7 =	vld [tilespmem:s11+$0x5E20]  }
0xcd: {  	v6 =	vld [tilespmem:s11+$0x5E30]  }
0xce: {  	v5 =	vld [tilespmem:s11+$0x5E40];
	v11 =	vshll.u32 v4, $0x10  }
0xcf: {  	s12 =	simm.s32 $0x200;
	v10 =	vand.u32 $0xFFFF0000, v4;
	v4 =	vld [tilespmem:s11+$0x5E50];
	v9 =	vadd.f32 v11, v9  }
.LBB2_7:
0xd0: {  	p1 =	sne.s32 s12, $0x7E00;
	v8 =	vadd.f32 v10, v8;
	v10 =	vshll.u32 v3, $0x10;
	v11 =	vld [tilespmem:s11+$0x5E60]  }
0xd1: {  	s13 =	sshra.s32 s12, $0x2;
	v3 =	vand.u32 $0xFFFF0000, v3;
	v9 =	vmax.f32 v9, $0.0e+00;
	v7 =	vadd.f32 v10, v7;
	v10 =	vld [tilespmem:s11+$0x5E70]  }
0xd2: {  	v12 =	vld [tilespmem:s13+$0x9E00];
	[tilespmem:s11+$0x5E00] =	vst v9;
	v8 =	vmax.f32 v8, $0.0e+00;
	v6 =	vadd.f32 v3, v6;
	v9 =	vshll.u32 v2, $0x10  }
0xd3: {  	v3 =	vld [tilespmem:s13+$0x9E10];
	[tilespmem:s11+$0x5E10] =	vst v8;
	v7 =	vmax.f32 v7, $0.0e+00;
	v8 =	vand.u32 $0xFFFF0000, v2;
	v5 =	vadd.f32 v9, v5  }
0xd4: {  	v2 =	vld [tilespmem:s13+$0x9E20];
	[tilespmem:s11+$0x5E20] =	vst v7;
	v6 =	vmax.f32 v6, $0.0e+00;
	v4 =	vadd.f32 v8, v4;
	v7 =	vshll.u32 v1, $0x10  }
0xd5: {  	[tilespmem:s11+$0x5E30] =	vst v6;
	v5 =	vmax.f32 v5, $0.0e+00;
	v6 =	vand.u32 $0xFFFF0000, v1;
	v1 =	vld [tilespmem:s13+$0x9E30];
	v7 =	vadd.f32 v7, v11  }
0xd6: {  	v9 =	vld [tilespmem:s13+$0x5E00];
	[tilespmem:s11+$0x5E40] =	vst v5;
	v4 =	vmax.f32 v4, $0.0e+00;
	v5 =	vadd.f32 v6, v10  }
.Ltmp2:
0xd7: {  	v8 =	vld [tilespmem:s13+$0x5E10];
	[tilespmem:s11+$0x5E50] =	vst v4;
	v4 =	vmax.f32 v7, $0.0e+00;
	(pc) =	sbr.rel @p1 .LBB2_7-.Ltmp2, $4  }
0xd8: {  	v7 =	vld [tilespmem:s13+$0x5E20];
	[tilespmem:s11+$0x5E60] =	vst v4;
	v4 =	vmax.f32 v5, $0.0e+00  }
0xd9: {  	v6 =	vld [tilespmem:s13+$0x5E30];
	[tilespmem:s11+$0x5E70] =	vst v4;
	s11 =	smov.u32 s13  }
0xda: {  	v4 =	vshll.u32 v12, $0x10;
	v5 =	vld [tilespmem:s11+$0x5E40]  }
0xdb: {  	s12 =	sadd.s32 $0x200, s12;
	v10 =	vand.u32 $0xFFFF0000, v12;
	v9 =	vadd.f32 v4, v9;
	v4 =	vld [tilespmem:s11+$0x5E50]  }
0xdc: {  	v8 =	vadd.f32 v10, v8;
	v60 =	vshll.u32 v3, $0x10;
	v11 =	vld [tilespmem:s11+$0x5E60]  }
0xdd: {  	v3 =	vand.u32 $0xFFFF0000, v3;
	v61 =	vld [tilespmem:s11+$0x5E70];
	v9 =	vmax.f32 v9, $0.0e+00;
	v7 =	vadd.f32 v60, v7  }
0xde: {  	v62 =	vshll.u32 v2, $0x10;
	[tilespmem:s11+$0x5E00] =	vst v9;
	v8 =	vmax.f32 v8, $0.0e+00;
	v3 =	vadd.f32 v3, v6  }
0xdf: {  	v2 =	vand.u32 $0xFFFF0000, v2;
	[tilespmem:s11+$0x5E10] =	vst v8;
	v7 =	vmax.f32 v7, $0.0e+00;
	v5 =	vadd.f32 v62, v5  }
0xe0: {  	v63 =	vshll.u32 v1, $0x10;
	[tilespmem:s11+$0x5E20] =	vst v7;
	v3 =	vmax.f32 v3, $0.0e+00;
	v2 =	vadd.f32 v2, v4  }
0xe1: {  	v1 =	vand.u32 $0xFFFF0000, v1;
	[tilespmem:s11+$0x5E30] =	vst v3;
	v3 =	vmax.f32 v5, $0.0e+00;
	v4 =	vadd.f32 v63, v11  }
0xe2: {  	v1 =	vadd.f32 v1, v61;
	[tilespmem:s11+$0x5E40] =	vst v3;
	v2 =	vmax.f32 v2, $0.0e+00  }
0xe3: {  	s9 =	sadd.s32 $0x1, s9;
	[tilespmem:s11+$0x5E50] =	vst v2;
	v2 =	vmax.f32 v4, $0.0e+00  }
0xe4: {  	p1 =	sne.s32 s9, s21;
	v1 =	vmax.f32 v1, $0.0e+00;
	[tilespmem:s11+$0x5E60] =	vst v2  }
.Ltmp3:
0xe5: {  	[tilespmem:s11+$0x5E70] =	vst v1;
	(pc) =	sbr.rel @p1 .LBB2_4-.Ltmp3, $4  }
0xe6: {  	[spmem:s3] =	stream.indirect.scatter.add.f32 [tilespmem:s8], [sflag:$0x5], $0x80, s2, s26, $0xb8;
	[tilespmem:$0x1FE00] =	vst v63  }
0xe7: {  	_ =	swait.ge [sflag:s25], $0x2000  }
0xe8: {  	[sflag:s25] =	ssyncset.done $0x0  }
0xe9: {  	[sflag:s25] =	ssyncadd.s32 $0xFFFFE000  }
0xea: {  	s9 =	stileid.u32;
	s4 =	sadd.s32 $0x1, s4  }
0xeb: {  	[bflag:$0x0] =	sbarrier.arrive $0xFFFF;
	s9 =	sshll.u32 s9, $0x6;
	p1 =	sne.s32 s4, s23  }
.Ltmp4:
0xec: {  	s11 =	sshrl.u32 s10, $0x3;
	s9 =	sor.u32 $0x1C05, s9;
	(pc) =	sbr.rel @p1 .LBB2_1-.Ltmp4, $4  }
0xed: {  	[hbm:s22], [sflag:s9] =	dma.local [spmem:s11], $0x2800  }
0xee: {  	_ =	swait.ge [sflag:s25], $0x2800  }
0xef: {  	[sflag:s25] =	ssyncset.done $0x0  }
0xf0: {  	[sflag:s25] =	ssyncadd.s32 $0xFFFFD800  }
0xf1: {  	_ =	sfence.sel $0x180000  }
0xf2: {  	[bflag:$0x0] =	sbarrier.arrive $0xFFFF  }
0xf3: {  	_ =	strace $0x9000004A  }
0xf4: {  	s0 =	stileid.u32;
	[bflag:$0x2] =	sbarrier.arrive $0xFFFF  }
0xf5: {  	p0 =	sne.s32 s0, $0x0;
	s0 =	rddreg [dreg:$0x4]  }
0xf6: {  	s0 =	sadd.s32 @!p0 $0x100000, s0  }
0xf7: {  	[sflag:s0] =	ssyncadd.tile.s32 @!p0 $0x1;
	_ =	shalt  }
.Lfunc_end2:
_tile_overlayer_lowered:
.L_overlay_start_2:
0xf8: {  	(tag) =	ssettag $0x2  }
0xf9: {  	s0 =	rddreg [dreg:$0x0];
	s2 =	stileid.u32  }
0xfa: {  	s1 =	rddreg [dreg:$0x1];
	p0 =	sne.s32 s2, $0x0  }
0xfb: {  	s3 =	rddreg [dreg:$0x2];
	[bflag:$0x3] =	sbarrier.arrive $0xFFFF;
	s2 =	simm.s32 @!p0 $0x1C05  }
0xfc: {  	[timem:s3], [sflag:s2] =	dma.local @!p0 [hbm:s0], s1  }
0xfd: {  	s0 =	simm.s32 @!p0 $0x5  }
0xfe: {  	_ =	swait.ge @!p0 [sflag:s0], s1  }
0xff: {  	s1 =	ssub.s32 @!p0 $0x0, s1;
	[sflag:s0] =	ssyncset.done @!p0 $0x0  }
0x100: {  	[sflag:s0] =	ssyncadd.s32 @!p0 s1  }
0x101: {  	[bflag:$0x3] =	sbarrier.arrive $0xFFFF  }
0x102: {  	_ =	shalt  }

// kernel: sparse-core-data-format-call.cloned.1.call-start
scs
called_computation_lowered:
.L_overlay_start_0:
0x0: {  	s1 =	sld [smem:$0x3FD9]  }
0x1: {  	s2 =	sld [smem:$0x3FFE];
	_ =	sdelay $0x1  }
0x2: {  	s3 =	srdreg.scid  }
0x3: {  	s0 =	sand.u32 $0x1, s3  }
0x4: {  	s17 =	sshll.u32 s0, $0xA;
	s1 =	sadd.s32 s2, s1  }
0x5: {  	s1 =	sadd.s32 s1, s17  }
0x6: {  	[smem:$0x3FBD] =	sst s1  }
0x7: {  	_ = 	snop  }
0x8: {  	(tm) =	ssettm $0x1  }
0x9: {  	s18 =	sld [smem:$0x3FFB];
	_ =	sdelay $0x3  }
0xa: {  	_ =	strace s18  }
0xb: {  	s1 =	sld [smem:$0x3FFC];
	_ =	sdelay $0x3  }
0xc: {  	_ =	strace s1  }
0xd: {  	s1 =	sld [smem:$0x3FFD];
	_ =	sdelay $0x3  }
0xe: {  	_ =	strace s1  }
0xf: {  	_ =	strace $0x8FFFFFFF  }
0x10: {  	s19 =	sld [smem:$0x3FDB];
	_ =	sdelay $0x1  }
0x11: {  	s20 =	simm.s32 $_scs_section_size  }
0x12: {  	s4 =	simm.s32 $_size__tile_overlayer_lowered;
	s5 =	simm.s32 $_tile_overlayer_lowered  }
0x13: {  	s23 =	simm.s32 $0x1BFF;
	s22 =	sshll.u32 s5, $0x1;
	s1 =	sadd.s32 s20, s19  }
0x14: {  	s6 =	simm.s32 $0x0;
	s21 =	sshll.u32 s4, $0x1;
	s4 =	sadd.s32 s22, s1  }
0x15: {  	[timem:s6], [sflag:s23] =	dma.local [hbm:s4], s21  }
0x16: {  	_ =	swait.ge [sflag:s23], s21  }
0x17: {  	s2 =	ssub.s32 $0x0, s21;
	[sflag:s23] =	ssyncset.done $0x0  }
0x18: {  	[sflag:s23] =	ssyncadd.s32 s2;
	_ =	sdelay $0x1  }
0x19: {  	s24 =	simm.s32 $0x1B8B  }
0x1a: {  	_ =	swait.ge [sflag:s24], $0x1  }
0x1b: {  	[sflag:s24] =	ssyncset.done $0x0  }
0x1c: {  	s26 =	simm.s32 $0x1B8E;
	s25 =	sld [smem:$0x3FFE];
	[sflag:s24] =	ssyncadd.s32 $0xFFFFFFFF  }
0x1d: {  	s27 =	simm.s32 $execute0_lowered;
	[smem:$0x3FD2] =	sst s26  }
0x1e: {  	s4 =	sshll.u32 s27, $0x1;
	_ =	strace $0x80000046;
	[dreg:$0x1] =	wrdreg $0xFFFFFFFF  }
0x1f: {  	s28 =	simm.s32 $_size_execute0_lowered;
	s1 =	sadd.s32 s1, s4;
	[dreg:$0x0] =	wrdreg $0x0  }
0x20: {  	s4 =	sshll.u32 s28, $0x1;
	[dreg:$0x2] =	wrdreg s1  }
0x21: {  	[dreg:$0x3] =	wrdreg s4  }
0x22: {  	[dreg:$0x4] =	wrdreg $0xC0  }
0x23: {  	_ =	task [dreg:s6], $0x5FFFF  }
0x24: {  	[dreg:$0x1] =	wrdreg $0xFFFFFFFF  }
0x25: {  	[dreg:$0x0] =	wrdreg $0x60  }
0x26: {  	[dreg:$0x2] =	wrdreg s25  }
0x27: {  	[dreg:$0x3] =	wrdreg $0x9  }
0x28: {  	_ =	task.clear_ibuf [dreg:s6], $0x4FFFF;
	_ =	strace $0x90000046  }
0x29: {  	s29 =	simm.s32 $0x9;
	_ =	strace $0x80000048  }
0x2a: {  	_ =	swait.ge [sflag:s29], $0x1  }
0x2b: {  	[sflag:s29] =	ssyncadd.s32 $0xFFFFFFFF  }
0x2c: {  	_ =	strace $0x90000048  }
0x2d: {  	_ =	sfence  }
0x2e: {  	s30 =	sld [smem:$0x0];
	_ =	sdelay $0x2  }
0x2f: {  	s31 =	sshll.u32 s3, $0xD;
	s3 =	sshrl.u32 s3, $0x2  }
0x30: {  	s2 =	sand.u32 $0x4000, s31;
	s1 =	sadd.s32 s3, s30  }
0x31: {  	s0 =	sor.u32 s2, s0;
	s1 =	sshll.u32 s1, $0x11  }
0x32: {  	s0 =	sor.u32 s1, s0  }
0x33: {  	s0 =	sadd.s32 $0x8F2B, s0  }
0x34: {  	[sflag:s0] =	ssyncadd.remote.s32 $0x1  }
0x35: {  	_ =	sfence.sel $0xFFFF  }
0x36: {  	[dreg:$0x0] =	wrdreg $0xFFFFFFFF;
	(pc) =	sbr.abs _section_cstart, $3  }
0x37: {  	[dreg:$0x1] =	wrdreg $0xFFFFFFFF  }
0x38: {  	_ =	task.clear_ibuf [dreg:s6], $0x2FFFF;
	_ =	strace $0x9FFFFFFF  }
0x39: {  	(tm) =	ssettm $0x7FFFFFFF  }
tec
execute0_lowered:
.L_overlay_start_1:
0x0: {  	(tag) =	ssettag $0x1  }
0x1: {  	s0 =	srdreg.scid  }
0x2: {  	s1 =	sshll.u32 s0, $0x4  }
0x3: {  	s4 =	rddreg [dreg:$0x0];
	s0 =	stileid.u32;
	s1 =	sand.u32 $0x10, s1  }
0x4: {  	s7 =	simm.s32 $0x1;
	s8 =	simm.s32 $0x2;
	s2 =	sor.u32 s0, s1  }
0x5: {  	s11 =	simm.s32 $0x0;
	s10 =	simm.s32 $0x0;
	s2 =	sshll.u32 s2, $0x7  }
0x6: {  	s3 =	sadd.s32 $0x762E00, s4;
	s4 =	sadd.s32 $0xE00, s4;
	s6 =	ssub.s32 $0x50000, s2  }
.Ltmp0:
0x7: {  	s1 =	rddreg [dreg:$0x1];
	s5 =	sand.u32 $0xF80, s6;
	(pc) =	sbr.rel .LBB1_1-.Ltmp0, $4  }
0x8: {  	_ =	strace $0x80000047;
	s9 =	smov.u32 s2;
	p0 =	sne.s32 s5, $0x0  }
0x9: {  	s6 =	sshrl.u32 s6, $0xC;
	s5 =	simm.s32 $0x1;
	s7 =	simm.s32 @!p0 $0x0  }
0xa: {  	[sflag:s5] =	ssyncpa.u1 $0x0;
	p0 =	por $0x0, $0x0;
	s6 =	sadd.s32 s7, s6  }
0xb: {  	[sflag:s8] =	ssyncpa.u1 $0x0;
	s8 =	simm.s32 $0x280000;
	s7 =	sadd.s32 $0x1, s6  }
.LBB1_4:
0xc: {  	v5 =	vld [tilespmem:s15+$0xFFFFFFD0];
	[tilespmem:s14+$0x2040 ss:$0x81] =	vst.msk $0xffff, v3;
	s17 =	sshll.u32 s11, $0x3  }
0xd: {  	v58 =	vld [tilespmem:s15+$0xFFFFFFE0];
	[tilespmem:s14+$0x2850 ss:$0x81] =	vst.msk $0xffff, v4;
	s25 =	sand.u32 $0x7F, s11;
	s18 =	sand.u32 $0xFFFFFC00, s17  }
0xe: {  	s16 =	sshra.s32 s16, $0x2;
	v59 =	vld [tilespmem:s15+$0xFFFFFFF0];
	[tilespmem:s14+$0x3060 ss:$0x81] =	vst.msk $0xffff, v2;
	s11 =	sor.u32 s25, s18  }
0xf: {  	v60 =	vld [tilespmem:s15+$0x0];
	[tilespmem:s14+$0x0 ss:$0x81] =	vst.msk $0xffff, v0;
	s13 =	sadd.s32 s16, s13;
	s26 =	smulhi.u32 $0xCCCCCCCD, s11  }
0x10: {  	v61 =	vld [tilespmem:s15+$0x10];
	s27 =	smulhi.u32 $0xCCCCCCCD, s17;
	[tilespmem:s13+$0x3870 ss:$0x81] =	vst.msk $0xffff, v1  }
0x11: {  	v62 =	vld [tilespmem:s15+$0x20];
	[tilespmem:s13+$0x810 ss:$0x81] =	vst.msk $0xffff, v5;
	s14 =	sshrl.u32 s26, $0x12  }
0x12: {  	v63 =	vld [tilespmem:s15+$0xFFFFFFC0];
	s28 =	sshrl.u32 s27, $0x12;
	[tilespmem:s13+$0x1020 ss:$0x81] =	vst.msk $0xffff, v58;
	s14 =	smul.u32 $0x50000, s14  }
0x13: {  	s15 =	sand.u32 $0x7F, s28;
	[tilespmem:s13+$0x1830 ss:$0x81] =	vst.msk $0xffff, v59  }
0x14: {  	[tilespmem:s13+$0x2040 ss:$0x81] =	vst.msk $0xffff, v60;
	s29 =	smul.u32 $0xA000, s15;
	s11 =	ssub.s32 s11, s14  }
0x15: {  	[tilespmem:s13+$0x2850 ss:$0x81] =	vst.msk $0xffff, v61;
	s30 =	sand.u32 $0x7, s11  }
0x16: {  	[tilespmem:s13+$0x3060 ss:$0x81] =	vst.msk $0xffff, v62;
	s14 =	sadd.s32 s4, s29;
	s11 =	sshrl.u32 s11, $0x3;
	s15 =	sshll.u32 s30, $0x12  }
0x17: {  	[tilespmem:s13+$0x0 ss:$0x81] =	vst.msk $0xffff, v63;
	s11 =	sadd.s32 s11, s14;
	s31 =	sor.u32 $0x400, s15  }
0x18: {  	[hbm4b:s11+s31] =	stream.strided.scatter [tilespmem:s12], [sflag:$0x2], $0x4000, s8, s31, $0x20;
	[tilespmem:$0x10100] =	vst v63  }
.LBB1_5:
0x19: {  	s13 =	sadd.s32 $0x1000, s9  }
0x1a: {  	p2 =	sgt.s32 s13, $0x4FFFF  }
0x1b: {  	s13 =	smov.u32 @p2 s2;
	p2 =	sne.s32 s10, s7  }
.Ltmp1:
0x1c: {  	p1 =	slt.u32 s10, $0x2;
	(pc) =	sbr.rel @!p2 .LBB1_6-.Ltmp1, $4  }
0x1d: {  	s12 =	simm.s32 @!p1 $0x2  }
0x1e: {  	s14 =	sadd.s32 $0x1, s10;
	_ =	swait.ge @!p1 [sflag:s12], $0x4000  }
0x1f: {  	s11 =	smov.u32 s9;
	p0 =	por !p0, !p0;
	[sflag:s12] =	ssyncset.done @!p1 $0x0  }
0x20: {  	s10 =	smov.u32 s14;
	s9 =	smov.u32 s13;
	[sflag:s12] =	ssyncadd.s32 @!p1 $0xFFFFC000  }
.LBB1_1:
0x21: {  	p1 =	sge.u32 s10, s6  }
0x22: {  	s12 =	sand.u32 @!p1 $0x1FFFFFF, s9  }
0x23: {  	s13 =	smulhi.u32 @!p1 $0xCCCCCD, s12;
	_ =	sdelay $0x1  }
0x24: {  	s13 =	sshrl.u32 @!p1 s13, $0xA  }
0x25: {  	s13 =	smul.u32 @!p1 $0x50000, s13;
	_ =	sdelay $0x1  }
0x26: {  	s14 =	sxor.u32 @!p1 $0xFFFFFFFF, s10;
	s12 =	ssub.s32 @!p1 s12, s13  }
0x27: {  	s31 =	sadd.s32 $0xFFFFFFFF, s10;
	s13 =	sshll.u32 @!p1 s14, $0xE;
	s12 =	sshll.u32 @!p1 s12, $0x4  }
0x28: {  	s14 =	simm.s32 @!p1 $0x0;
	s13 =	sand.u32 @!p1 $0x4000, s13;
	s12 =	sadd.s32 @!p1 s3, s12  }
0x29: {  	[tilespmem:s13], [sflag:$0x1] =	stream.linear.gather @!p1 [hbm4b:s12+s14], $0x4000, $0x38;
	[tilespmem:$0x10100] =	vst v63  }
0x2a: {  	p1 =	sge.u32 s31, s6  }
.Ltmp2:
0x2b: {  	_ = 	snop;
	(pc) =	sbr.rel @p1 .LBB1_5-.Ltmp2, $1  }
0x2c: {  	_ =	sdelay $0x3  }
0x2d: {  	s12 =	simm.s32 $0x1  }
0x2e: {  	_ =	swait.ge [sflag:s5], $0x4000;
	s12 =	simm.s32 @!p0 $0x0  }
0x2f: {  	[sflag:s5] =	ssyncset.done $0x0;
	s13 =	sshll.u32 s12, $0xE  }
0x30: {  	[sflag:s5] =	ssyncadd.s32 $0xFFFFC000;
	s15 =	sor.u32 $0x40, s13  }
0x31: {  	s12 =	smul.u32 $0x10200, s12;
	v0 =	vld [tilespmem:s15+$0x30]  }
0x32: {  	v1 =	vld [tilespmem:s15+$0xFFFFFFD0]  }
0x33: {  	s12 =	sshrl.u32 s12, $0x2;
	v5 =	vld [tilespmem:s15+$0xFFFFFFE0]  }
0x34: {  	v6 =	vld [tilespmem:s15+$0xFFFFFFF0];
	s13 =	sor.u32 $0x8000, s12  }
0x35: {  	s31 =	sand.u32 $0x1, s10;
	v3 =	vld [tilespmem:s15+$0x0];
	s14 =	sadd.s32 $0x0, s13  }
0x36: {  	v4 =	vld [tilespmem:s15+$0x10];
	s12 =	smul.u32 $0x10200, s31;
	[tilespmem:s14+$0x3870 ss:$0x81] =	vst.msk $0xffff, v0  }
0x37: {  	v2 =	vld [tilespmem:s15+$0x20];
	[tilespmem:s14+$0x810 ss:$0x81] =	vst.msk $0xffff, v1  }
0x38: {  	s12 =	sshrl.u32 s12, $0x2;
	v0 =	vld [tilespmem:s15+$0xFFFFFFC0];
	[tilespmem:s14+$0x1020 ss:$0x81] =	vst.msk $0xffff, v5;
	s15 =	sadd.s32 $0x80, s15  }
0x39: {  	s16 =	simm.s32 $0x4;
	s17 =	simm.s32 $0x8;
	s12 =	sor.u32 $0x8000, s12;
	[tilespmem:s14+$0x1830 ss:$0x81] =	vst.msk $0xffff, v6;
	v1 =	vld [tilespmem:s15+$0x30]  }
.LBB1_3:
0x3a: {  	p1 =	sne.s32 s17, $0x1FC;
	v5 =	vld [tilespmem:s15+$0xFFFFFFD0];
	[tilespmem:s14+$0x2040 ss:$0x81] =	vst.msk $0xffff, v3  }
0x3b: {  	v6 =	vld [tilespmem:s15+$0xFFFFFFE0];
	[tilespmem:s14+$0x2850 ss:$0x81] =	vst.msk $0xffff, v4  }
0x3c: {  	s18 =	sshra.s32 s16, $0x2;
	s16 =	smov.u32 s17;
	v7 =	vld [tilespmem:s15+$0xFFFFFFF0];
	[tilespmem:s14+$0x3060 ss:$0x81] =	vst.msk $0xffff, v2  }
.Ltmp3:
0x3d: {  	v3 =	vld [tilespmem:s15+$0x0];
	[tilespmem:s14+$0x0 ss:$0x81] =	vst.msk $0xffff, v0;
	s14 =	sadd.s32 s18, s13;
	(pc) =	sbr.rel @p1 .LBB1_3-.Ltmp3, $4  }
0x3e: {  	v4 =	vld [tilespmem:s15+$0x10];
	[tilespmem:s14+$0x3870 ss:$0x81] =	vst.msk $0xffff, v1  }
0x3f: {  	[tilespmem:s14+$0x810 ss:$0x81] =	vst.msk $0xffff, v5;
	v2 =	vld [tilespmem:s15+$0x20]  }
0x40: {  	v0 =	vld [tilespmem:s15+$0xFFFFFFC0];
	[tilespmem:s14+$0x1020 ss:$0x81] =	vst.msk $0xffff, v6;
	s15 =	sadd.s32 $0x80, s15  }
0x41: {  	s17 =	sadd.s32 $0x4, s17;
	v1 =	vld [tilespmem:s15+$0x30];
	[tilespmem:s14+$0x1830 ss:$0x81] =	vst.msk $0xffff, v7  }
.Ltmp4:
0x42: {  	_ = 	snop;
	(pc) =	sbr.rel .LBB1_4-.Ltmp4, $1  }
0x43: {  	_ =	sdelay $0x3  }
.LBB1_6:
0x44: {  	_ =	sfence.sel $0x180000  }
0x45: {  	s2 =	simm.s32 $0x1;
	[bflag:$0x0] =	sbarrier.arrive $0xFFFF  }
0x46: {  	s31 =	simm.s32 $0x2;
	[sflag:s2] =	ssyncpa.u1 $0x1  }
0x47: {  	[sflag:s31] =	ssyncpa.u1 $0x1  }
0x48: {  	p0 =	sne.s32 s0, $0x0;
	_ =	strace $0x90000047  }
0x49: {  	s0 =	sadd.s32 @!p0 $0x100000, s1;
	[bflag:$0x2] =	sbarrier.arrive $0xFFFF  }
0x4a: {  	[sflag:s0] =	ssyncadd.tile.s32 @!p0 $0x1;
	_ =	shalt  }
.Lfunc_end1:
_tile_overlayer_lowered:
.L_overlay_start_2:
0x4b: {  	(tag) =	ssettag $0x2  }
0x4c: {  	s0 =	rddreg [dreg:$0x0];
	s2 =	stileid.u32  }
0x4d: {  	s1 =	rddreg [dreg:$0x1];
	p0 =	sne.s32 s2, $0x0  }
0x4e: {  	s3 =	rddreg [dreg:$0x2];
	[bflag:$0x3] =	sbarrier.arrive $0xFFFF;
	s2 =	simm.s32 @!p0 $0x1C01  }
0x4f: {  	[timem:s3], [sflag:s2] =	dma.local @!p0 [hbm:s0], s1  }
0x50: {  	s0 =	simm.s32 @!p0 $0x1  }
0x51: {  	_ =	swait.ge @!p0 [sflag:s0], s1  }
0x52: {  	s1 =	ssub.s32 @!p0 $0x0, s1;
	[sflag:s0] =	ssyncset.done @!p0 $0x0  }
0x53: {  	[sflag:s0] =	ssyncadd.s32 @!p0 s1  }
0x54: {  	[bflag:$0x3] =	sbarrier.arrive $0xFFFF  }
0x55: {  	_ =	shalt  }

</sc_bundles>
